<compile_context>
chip_gen: v7x
topology: tpu7x:2x2x1
jax: 0.10.2.dev20260603
libtpu: 0.0.44.dev20260713+nightly
codegen_flags: <defaults>
</compile_context>

<pallas_src>
import functools

import jax
import jax.numpy as jnp
from jax import lax
from jax.experimental import pallas as pl
from jax.experimental.pallas import tpu as pltpu
from jax.experimental.pallas import tpu_sc as plsc
from jax._src.pallas import mpmd as _mpmd

B, T, C = 4, 8192, 768
NH, HD = 12, 64
KSEL = 1024
HID = 4 * C
N = B * T
M = B * KSEL

NC, NS = 2, 16
NW = NC * NS
RPW = M // NW


def _sc_mesh():
    return plsc.VectorSubcoreMesh(
        core_axis_name="c", subcore_axis_name="s", num_cores=NC, num_subcores=NS
    )


def _router_logits(x2d, wr_row):
    R = 2048

    def body(x_ref, wr_ref, lg_ref):
        xv = x_ref[...]
        xb = xv.astype(jnp.bfloat16).astype(jnp.float32)
        wb = wr_ref[...].astype(jnp.bfloat16).astype(jnp.float32)
        lg_ref[...] = jnp.sum(xb * wb, axis=1, keepdims=True)

    return pl.pallas_call(
        body,
        grid=(N // R,),
        in_specs=[
            pl.BlockSpec((R, C), lambda i: (i, 0)),
            pl.BlockSpec((1, C), lambda i: (0, 0)),
        ],
        out_specs=pl.BlockSpec((R, 1), lambda i: (i, 0)),
        out_shape=jax.ShapeDtypeStruct((N, 1), jnp.float32),
    )(x2d, wr_row)


CP_RPW = N // NW
CP_CH = 64
CP_NCH = CP_RPW // CP_CH


def _sc_copy(x2d):
    @functools.partial(
        pl.kernel,
        out_type=jax.ShapeDtypeStruct((N, C), jnp.float32),
        mesh=_sc_mesh(),
        scratch_types=[
            pltpu.VMEM((CP_CH, C), jnp.float32),
            pltpu.VMEM((CP_CH, C), jnp.float32),
            pltpu.SemaphoreType.DMA,
            pltpu.SemaphoreType.DMA,
            pltpu.SemaphoreType.DMA,
            pltpu.SemaphoreType.DMA,
        ],
        name="mod_sc_copy",
    )
    def ck(x_hbm, out_hbm, buf_a, buf_b, rs_a, rs_b, ws_a, ws_b):
        wid = lax.axis_index("s") * NC + lax.axis_index("c")
        base = wid * CP_RPW
        bufs, rsems, wsems = (buf_a, buf_b), (rs_a, rs_b), (ws_a, ws_b)
        reads, writes = {}, {}

        def start_read(c):
            reads[c] = pltpu.async_copy(
                x_hbm.at[pl.ds(base + c * CP_CH, CP_CH)], bufs[c % 2], rsems[c % 2]
            )

        def start_write(c):
            writes[c] = pltpu.async_copy(
                bufs[c % 2], out_hbm.at[pl.ds(base + c * CP_CH, CP_CH)], wsems[c % 2]
            )

        start_read(0)
        for c in range(CP_NCH):
            if c + 1 < CP_NCH:
                if c - 1 >= 0:
                    writes[c - 1].wait()
                start_read(c + 1)
            reads[c].wait()
            start_write(c)
        writes[CP_NCH - 2].wait()
        writes[CP_NCH - 1].wait()

    return ck(x2d)


def _sc_gather(x2d, idx):
    @functools.partial(
        pl.kernel,
        out_type=jax.ShapeDtypeStruct((M, C), jnp.float32),
        mesh=_sc_mesh(),
        scratch_types=[
            pltpu.VMEM((RPW,), jnp.int32),
            pltpu.VMEM((RPW, C), jnp.float32),
            pltpu.SemaphoreType.DMA,
        ],
        name="mod_sc_gather",
    )
    def gk(x_hbm, idx_hbm, out_hbm, idx_v, rows_v, sem):
        wid = lax.axis_index("s") * NC + lax.axis_index("c")
        base = wid * RPW
        pltpu.sync_copy(idx_hbm.at[pl.ds(base, RPW)], idx_v)
        pltpu.async_copy(x_hbm.at[idx_v], rows_v, sem).wait()
        pltpu.sync_copy(rows_v, out_hbm.at[pl.ds(base, RPW)])

    return gk(x2d, idx)


def _sc_scatter(rows, idx, dest):
    def sk(rows_hbm, idx_hbm, dest_hbm, out_hbm, idx_v, rows_v, sem):
        del dest_hbm
        wid = lax.axis_index("s") * NC + lax.axis_index("c")
        base = wid * RPW
        pltpu.sync_copy(idx_hbm.at[pl.ds(base, RPW)], idx_v)
        pltpu.sync_copy(rows_hbm.at[pl.ds(base, RPW)], rows_v)
        pltpu.async_copy(rows_v, out_hbm.at[idx_v], sem).wait()

    f = _mpmd._mpmd_map(
        [(_sc_mesh(), sk)],
        jax.ShapeDtypeStruct((N, C), jnp.float32),
        input_output_aliases={2: 0},
        scratch_types=[
            pltpu.VMEM((RPW,), jnp.int32),
            pltpu.VMEM((RPW, C), jnp.float32),
            pltpu.SemaphoreType.DMA,
        ],
        name="mod_sc_scatter",
    )
    return f(rows, idx, dest)


NH2 = NH // 2


def _qkv(tt, w_bf, bias_row, g_row, b_row):
    R = 1024

    def body(tt_ref, w_ref, bias_ref, g_ref, bb_ref, q_ref, k_ref, v_ref):
        xv = tt_ref[...]
        mu = jnp.mean(xv, axis=1, keepdims=True)
        var = jnp.mean((xv - mu) ** 2, axis=1, keepdims=True)
        h = (xv - mu) * lax.rsqrt(var + 1e-5) * g_ref[...] + bb_ref[...]
        acc = jnp.dot(
            h.astype(jnp.bfloat16), w_ref[...], preferred_element_type=jnp.float32
        )
        acc = (acc + bias_ref[...]).astype(jnp.bfloat16)
        for h2 in range(NH2):
            q_ref[0, h2] = acc[:, h2 * 128:(h2 + 1) * 128]
            k_ref[0, h2] = acc[:, C + h2 * 128:C + (h2 + 1) * 128]
            v_ref[0, h2] = acc[:, 2 * C + h2 * 128:2 * C + (h2 + 1) * 128]

    hspec = pl.BlockSpec((1, NH2, R, 128), lambda i: (i, 0, 0, 0))
    hshape = jax.ShapeDtypeStruct((B, NH2, KSEL, 128), jnp.bfloat16)
    return pl.pallas_call(
        body,
        grid=(M // R,),
        in_specs=[
            pl.BlockSpec((R, C), lambda i: (i, 0)),
            pl.BlockSpec((C, 3 * C), lambda i: (0, 0)),
            pl.BlockSpec((1, 3 * C), lambda i: (0, 0)),
            pl.BlockSpec((1, C), lambda i: (0, 0)),
            pl.BlockSpec((1, C), lambda i: (0, 0)),
        ],
        out_specs=[hspec, hspec, hspec],
        out_shape=[hshape, hshape, hshape],
    )(tt, w_bf, bias_row, g_row, b_row)


def _attn(qh, kh, vh):
    G = B * NH2

    H = KSEL // 2

    def one_head(q, k, v, tri):
        def sc(qq, kk):
            return lax.dot_general(
                qq, kk, (((1,), (1,)), ((), ())),
                preferred_element_type=jnp.float32,
            ) * 0.125

        z = jnp.bfloat16(0.0)
        e11 = jnp.where(tri, jnp.exp(sc(q[:H], k[:H]).astype(jnp.bfloat16)), z)
        e21 = jnp.exp(sc(q[H:], k[:H]).astype(jnp.bfloat16))
        e22 = jnp.where(tri, jnp.exp(sc(q[H:], k[H:]).astype(jnp.bfloat16)), z)
        o1 = jnp.dot(e11, v[:H], preferred_element_type=jnp.float32)
        o2 = (jnp.dot(e21, v[:H], preferred_element_type=jnp.float32)
              + jnp.dot(e22, v[H:], preferred_element_type=jnp.float32))
        ones_h = jnp.ones((H, 1), jnp.bfloat16)
        r1 = jnp.dot(e11, ones_h, preferred_element_type=jnp.float32)
        r2 = (jnp.dot(e21, ones_h, preferred_element_type=jnp.float32)
              + jnp.dot(e22, ones_h, preferred_element_type=jnp.float32))
        return jnp.concatenate([o1 / r1, o2 / r2], axis=0)

    def body(q_ref, k_ref, v_ref, o_ref):
        qv, kv, vv = q_ref[0, 0], k_ref[0, 0], v_ref[0, 0]
        ri = lax.broadcasted_iota(jnp.int32, (H, H), 0)
        ci = lax.broadcasted_iota(jnp.int32, (H, H), 1)
        tri = ri >= ci
        ya = one_head(qv[:, :HD], kv[:, :HD], vv[:, :HD], tri)
        yb = one_head(qv[:, HD:], kv[:, HD:], vv[:, HD:], tri)
        o_ref[0] = jnp.concatenate([ya, yb], axis=1).astype(jnp.bfloat16)

    return pl.pallas_call(
        body,
        grid=(G,),
        in_specs=[
            pl.BlockSpec((1, 1, KSEL, 128), lambda i: (i // NH2, i % NH2, 0, 0)),
            pl.BlockSpec((1, 1, KSEL, 128), lambda i: (i // NH2, i % NH2, 0, 0)),
            pl.BlockSpec((1, 1, KSEL, 128), lambda i: (i // NH2, i % NH2, 0, 0)),
        ],
        out_specs=pl.BlockSpec((1, KSEL, 128), lambda i: (i // NH2, 0, i % NH2)),
        out_shape=jax.ShapeDtypeStruct((B, KSEL, C), jnp.bfloat16),
    )(qh, kh, vh)


def _mlp_combine(tt, y2, wts_col, wap_bf, bap_row, g2_row, b2_row,
                 wfc_bf, bfc_row, wmp_bf, bmp_row):
    R = 1024

    def body(tt_ref, y_ref, w_ref, wap_ref, bap_ref, g_ref, bb_ref,
             wfc_ref, bfc_ref, wmp_ref, bmp_ref, o_ref):
        ttv = tt_ref[...]
        x1 = ttv + jnp.dot(
            y_ref[...], wap_ref[...], preferred_element_type=jnp.float32
        ) + bap_ref[...]
        mu = jnp.mean(x1, axis=1, keepdims=True)
        var = jnp.mean((x1 - mu) ** 2, axis=1, keepdims=True)
        h2 = (x1 - mu) * lax.rsqrt(var + 1e-5) * g_ref[...] + bb_ref[...]
        a = jnp.dot(
            h2.astype(jnp.bfloat16), wfc_ref[...], preferred_element_type=jnp.float32
        ) + bfc_ref[...]
        a = jax.nn.gelu(a.astype(jnp.bfloat16))
        mlp = jnp.dot(
            a, wmp_ref[...], preferred_element_type=jnp.float32
        ) + bmp_ref[...]
        o_ref[...] = ttv + w_ref[...] * (x1 + mlp)

    return pl.pallas_call(
        body,
        grid=(M // R,),
        in_specs=[
            pl.BlockSpec((R, C), lambda i: (i, 0)),
            pl.BlockSpec((R, C), lambda i: (i, 0)),
            pl.BlockSpec((R, 1), lambda i: (i, 0)),
            pl.BlockSpec((C, C), lambda i: (0, 0)),
            pl.BlockSpec((1, C), lambda i: (0, 0)),
            pl.BlockSpec((1, C), lambda i: (0, 0)),
            pl.BlockSpec((1, C), lambda i: (0, 0)),
            pl.BlockSpec((C, HID), lambda i: (0, 0)),
            pl.BlockSpec((1, HID), lambda i: (0, 0)),
            pl.BlockSpec((HID, C), lambda i: (0, 0)),
            pl.BlockSpec((1, C), lambda i: (0, 0)),
        ],
        out_specs=pl.BlockSpec((R, C), lambda i: (i, 0)),
        out_shape=jax.ShapeDtypeStruct((M, C), jnp.float32),
    )(tt, y2, wts_col, wap_bf, bap_row, g2_row, b2_row,
      wfc_bf, bfc_row, wmp_bf, bmp_row)


def kernel(x, w_router, ln1_g, ln1_b, w_qkv, b_qkv, w_ap, b_ap,
           ln2_g, ln2_b, w_fc, b_fc, w_mp, b_mp):
    x2d = x.reshape(N, C)
    cp = _sc_copy(x2d)
    lg = _router_logits(x2d, w_router.reshape(1, C))

    logits = lg.reshape(B, T)
    wts, sel = lax.top_k(logits, KSEL)
    order = jnp.argsort(sel, axis=1)
    sel = jnp.take_along_axis(sel, order, axis=1)
    wts = jnp.take_along_axis(wts, order, axis=1)
    idx = (sel + (jnp.arange(B, dtype=sel.dtype) * T)[:, None]).reshape(M)
    idx = idx.astype(jnp.int32)

    tt = _sc_gather(x2d, idx)

    qh, kh, vh = _qkv(
        tt,
        w_qkv.astype(jnp.bfloat16),
        b_qkv.reshape(1, 3 * C),
        ln1_g.reshape(1, C),
        ln1_b.reshape(1, C),
    )

    y2 = _attn(qh, kh, vh).reshape(M, C)

    fin = _mlp_combine(
        tt, y2, wts.reshape(M, 1),
        w_ap.astype(jnp.bfloat16), b_ap.reshape(1, C),
        ln2_g.reshape(1, C), ln2_b.reshape(1, C),
        w_fc.astype(jnp.bfloat16), b_fc.reshape(1, HID),
        w_mp.astype(jnp.bfloat16), b_mp.reshape(1, C),
    )

    out2d = _sc_scatter(fin, idx, cp)
    return out2d.reshape(B, T, C)

# --- scband reference (transcript-rebuilt; emitter-appended) ---
"""Pipeline reference for scband-mo-dblock-89318139888016 (READ-ONLY COPY).

The authoritative reference and input builder live on the scoring server;
editing this copy changes nothing except your own understanding.
"""

import jax, jax.numpy as jnp
import numpy as np

B, T, C = 4, 8192, 768
NH = 12
HD = C // NH
CAP = 0.125
TOPK = int(CAP * T)


def _ln(x, g, b):
    m = jnp.mean(x, axis=-1, keepdims=True)
    v = jnp.var(x, axis=-1, keepdims=True)
    return (x - m) / jnp.sqrt(v + 1e-5) * g + b


def _block(x, ln1_g, ln1_b, w_qkv, b_qkv, w_ap, b_ap, ln2_g, ln2_b, w_fc, b_fc, w_mp, b_mp):
    Bq, K, Cq = x.shape
    h = _ln(x, ln1_g, ln1_b)
    qkv = h @ w_qkv + b_qkv
    q, k, v = jnp.split(qkv, 3, axis=-1)
    def _heads(t):
        return t.reshape(Bq, K, NH, HD).transpose(0, 2, 1, 3)
    q, k, v = _heads(q), _heads(k), _heads(v)
    att = (q @ k.transpose(0, 1, 3, 2)) / np.sqrt(HD)
    mask = jnp.tril(jnp.ones((K, K), dtype=bool))
    att = jnp.where(mask, att, jnp.finfo(att.dtype).min)
    att = jax.nn.softmax(att, axis=-1)
    y = (att @ v).transpose(0, 2, 1, 3).reshape(Bq, K, Cq)
    x = x + y @ w_ap + b_ap
    h2 = _ln(x, ln2_g, ln2_b)
    m = jax.nn.gelu(h2 @ w_fc + b_fc) @ w_mp + b_mp
    return x + m


def setup_inputs(seed: int = 0):
    key = jax.random.key(seed)
    ks = jax.random.split(key, 8)
    s = 0.02
    return {
        "x": jax.random.normal(ks[0], (B, T, C), dtype=jnp.float32),
        "w_router": jax.random.normal(ks[1], (C, 1), dtype=jnp.float32) * s,
        "ln1_g": jnp.ones((C,), jnp.float32),
        "ln1_b": jnp.zeros((C,), jnp.float32),
        "w_qkv": jax.random.normal(ks[2], (C, 3 * C), jnp.float32) * s,
        "b_qkv": jnp.zeros((3 * C,), jnp.float32),
        "w_ap": jax.random.normal(ks[3], (C, C), jnp.float32) * s,
        "b_ap": jnp.zeros((C,), jnp.float32),
        "ln2_g": jnp.ones((C,), jnp.float32),
        "ln2_b": jnp.zeros((C,), jnp.float32),
        "w_fc": jax.random.normal(ks[4], (C, 4 * C), jnp.float32) * s,
        "b_fc": jnp.zeros((4 * C,), jnp.float32),
        "w_mp": jax.random.normal(ks[5], (4 * C, C), jnp.float32) * s,
        "b_mp": jnp.zeros((C,), jnp.float32),
    }


def reference(x, w_router, ln1_g, ln1_b, w_qkv, b_qkv, w_ap, b_ap, ln2_g, ln2_b, w_fc, b_fc, w_mp, b_mp):
    Bq, Tq, Cq = x.shape
    k = min(TOPK, int(CAP * Tq))
    # STEP 1: router logits and top-k token selection (topk over the time dim)
    router_logits = x @ w_router              # [B, T, 1]
    weights, sel = jax.lax.top_k(router_logits[..., 0], k)   # [B, k] each
    order = jnp.argsort(sel, axis=1)
    sel = jnp.take_along_axis(sel, order, axis=1)
    weights = jnp.take_along_axis(weights, order, axis=1)
    # STEP 2: gather the selected tokens and run the block on the reduced seq
    top_tokens = jnp.take_along_axis(x, sel[:, :, None], axis=1)   # [B, k, C]
    processed = _block(top_tokens, ln1_g, ln1_b, w_qkv, b_qkv, w_ap, b_ap,
                       ln2_g, ln2_b, w_fc, b_fc, w_mp, b_mp)
    # STEP 3: scatter-add weighted outputs back into the residual stream
    src = processed * weights[:, :, None]
    idx_b = jnp.arange(Bq)[:, None, None]
    idx_c = jnp.arange(Cq)[None, None, :]
    out = x.at[idx_b, sel[:, :, None], idx_c].add(src)
    return out

if __name__ == "__main__":
    import jax
    _d = setup_inputs()
    print(jax.jit(kernel)(*tuple(_d.values())))

</pallas_src>

<mosaic_0001>
#map = affine_map<(d0, d1) -> (0, 0)>
#map1 = affine_map<(d0, d1) -> (0)>
module attributes {stable_mosaic.version = 14 : i64} {
  func.func @mod_sc_gather(%arg0: i32, %arg1: i32, %arg2: memref<32768x768xf32, #tpu.memory_space<hbm>>, %arg3: memref<4096xi32, #tpu.memory_space<hbm>>, %arg4: memref<4096x768xf32, #tpu.memory_space<hbm>>, %arg5: memref<128xi32, #tpu.memory_space<vmem>>, %arg6: memref<128x768xf32, #tpu.memory_space<vmem>>, %arg7: memref<!tpu.dma_semaphore, #tpu.memory_space<semaphore_mem>>) attributes {dimension_semantics = [#tpu.dimension_semantics<core_parallel>, #tpu.dimension_semantics<subcore_parallel>], iteration_bounds = array<i64: 2, 16>, scalar_prefetch = 0 : i64, scratch_operands = 3 : i64, tpu.core_type = #tpu.core_type<sc_vector_subcore>, window_params = [{transform_indices = #map}, {transform_indices = #map1}, {transform_indices = #map}]} {
    %mul3A = arith.constant 2 : i32
    %mul3A_0 = arith.muli %arg1, %mul3A : i32
    %add3A = arith.addi %mul3A_0, %arg0 : i32
    %mul3A_1 = arith.constant 128 : i32
    %mul3A_2 = arith.muli %add3A, %mul3A_1 : i32
    "tpu.region"() ({
      %run_scoped3A = tpu.sem_alloc : memref<!tpu.dma_semaphore, #tpu.memory_space<semaphore_mem>>
      %dma_start3A_7 = tpu.memref_slice %arg3[%mul3A_2] : memref<4096xi32, #tpu.memory_space<hbm>> -> memref<128xi32, #tpu.memory_space<hbm>>
      %dma_start3A_8 = tpu.memref_slice %arg3[%mul3A_2] : memref<4096xi32, #tpu.memory_space<hbm>> -> memref<128xi32, #tpu.memory_space<hbm>>
      tpu.enqueue_dma source(%dma_start3A_8 : memref<128xi32, #tpu.memory_space<hbm>>) target(%arg5 : memref<128xi32, #tpu.memory_space<vmem>>) target_semaphore(%run_scoped3A : memref<!tpu.dma_semaphore, #tpu.memory_space<semaphore_mem>>)
      %dma_wait3A_9 = tpu.memref_slice %arg3[%mul3A_2] : memref<4096xi32, #tpu.memory_space<hbm>> -> memref<128xi32, #tpu.memory_space<hbm>>
      %dma_wait3A_10 = tpu.memref_slice %arg3[%mul3A_2] : memref<4096xi32, #tpu.memory_space<hbm>> -> memref<128xi32, #tpu.memory_space<hbm>>
      tpu.wait_dma2 semaphore(%run_scoped3A : memref<!tpu.dma_semaphore, #tpu.memory_space<semaphore_mem>>) src(%dma_wait3A_10 : memref<128xi32, #tpu.memory_space<hbm>>) dst(%arg5 : memref<128xi32, #tpu.memory_space<vmem>>)
      tpu.yield
    }) : () -> ()
    %dma_start3A = arith.constant 0 : i32
    %dma_start3A_3 = arith.constant 0 : i32
    %dma_start3A_4 = tpu.memref_slice %arg2[%dma_start3A, %dma_start3A_3] : memref<32768x768xf32, #tpu.memory_space<hbm>> -> memref<32768x768xf32, #tpu.memory_space<hbm>>
    tpu.enqueue_indirect_dma source(%dma_start3A_4 : memref<32768x768xf32, #tpu.memory_space<hbm>>) target(%arg6 : memref<128x768xf32, #tpu.memory_space<vmem>>) offsets(%arg5 : memref<128xi32, #tpu.memory_space<vmem>>) semaphore(%arg7 : memref<!tpu.dma_semaphore, #tpu.memory_space<semaphore_mem>>)
    %dma_wait3A = arith.constant 0 : i32
    %dma_wait3A_5 = arith.constant 0 : i32
    %dma_wait3A_6 = tpu.memref_slice %arg2[%dma_wait3A, %dma_wait3A_5] : memref<32768x768xf32, #tpu.memory_space<hbm>> -> memref<32768x768xf32, #tpu.memory_space<hbm>>
    tpu.wait_indirect_dma semaphore(%arg7 : memref<!tpu.dma_semaphore, #tpu.memory_space<semaphore_mem>>) src(%dma_wait3A_6 : memref<32768x768xf32, #tpu.memory_space<hbm>>) dst(%arg6 : memref<128x768xf32, #tpu.memory_space<vmem>>)
    "tpu.region"() ({
      %run_scoped3A = tpu.sem_alloc : memref<!tpu.dma_semaphore, #tpu.memory_space<semaphore_mem>>
      %dma_start3A_7 = arith.constant 0 : i32
      %dma_start3A_8 = tpu.memref_slice %arg4[%mul3A_2, %dma_start3A_7] : memref<4096x768xf32, #tpu.memory_space<hbm>> -> memref<128x768xf32, #tpu.memory_space<hbm>>
      %dma_start3A_9 = arith.constant 0 : i32
      %dma_start3A_10 = tpu.memref_slice %arg4[%mul3A_2, %dma_start3A_9] : memref<4096x768xf32, #tpu.memory_space<hbm>> -> memref<128x768xf32, #tpu.memory_space<hbm>>
      tpu.enqueue_dma source(%arg6 : memref<128x768xf32, #tpu.memory_space<vmem>>) target(%dma_start3A_10 : memref<128x768xf32, #tpu.memory_space<hbm>>) target_semaphore(%run_scoped3A : memref<!tpu.dma_semaphore, #tpu.memory_space<semaphore_mem>>)
      %dma_wait3A_11 = arith.constant 0 : i32
      %dma_wait3A_12 = tpu.memref_slice %arg4[%mul3A_2, %dma_wait3A_11] : memref<4096x768xf32, #tpu.memory_space<hbm>> -> memref<128x768xf32, #tpu.memory_space<hbm>>
      %dma_wait3A_13 = arith.constant 0 : i32
      %dma_wait3A_14 = tpu.memref_slice %arg4[%mul3A_2, %dma_wait3A_13] : memref<4096x768xf32, #tpu.memory_space<hbm>> -> memref<128x768xf32, #tpu.memory_space<hbm>>
      tpu.wait_dma2 semaphore(%run_scoped3A : memref<!tpu.dma_semaphore, #tpu.memory_space<semaphore_mem>>) src(%arg6 : memref<128x768xf32, #tpu.memory_space<vmem>>) dst(%dma_wait3A_14 : memref<128x768xf32, #tpu.memory_space<hbm>>)
      tpu.yield
    }) : () -> ()
    return
  }
}

#map = affine_map<(d0, d1) -> (0, 0)>
module attributes {stable_mosaic.version = 14 : i64} {
  func.func @mod_sc_copy(%arg0: i32, %arg1: i32, %arg2: memref<32768x768xf32, #tpu.memory_space<hbm>>, %arg3: memref<32768x768xf32, #tpu.memory_space<hbm>>, %arg4: memref<64x768xf32, #tpu.memory_space<vmem>>, %arg5: memref<64x768xf32, #tpu.memory_space<vmem>>, %arg6: memref<!tpu.dma_semaphore, #tpu.memory_space<semaphore_mem>>, %arg7: memref<!tpu.dma_semaphore, #tpu.memory_space<semaphore_mem>>, %arg8: memref<!tpu.dma_semaphore, #tpu.memory_space<semaphore_mem>>, %arg9: memref<!tpu.dma_semaphore, #tpu.memory_space<semaphore_mem>>) attributes {dimension_semantics = [#tpu.dimension_semantics<core_parallel>, #tpu.dimension_semantics<subcore_parallel>], iteration_bounds = array<i64: 2, 16>, scalar_prefetch = 0 : i64, scratch_operands = 6 : i64, tpu.core_type = #tpu.core_type<sc_vector_subcore>, window_params = [{transform_indices = #map}, {transform_indices = #map}]} {
    %mul3A = arith.constant 2 : i32
    %mul3A_0 = arith.muli %arg1, %mul3A : i32
    %add3A = arith.addi %mul3A_0, %arg0 : i32
    %mul3A_1 = arith.constant 1024 : i32
    %mul3A_2 = arith.muli %add3A, %mul3A_1 : i32
    %add3A_3 = arith.constant 0 : i32
    %add3A_4 = arith.addi %mul3A_2, %add3A_3 : i32
    %dma_start3A = arith.constant 0 : i32
    %dma_start3A_5 = tpu.memref_slice %arg2[%add3A_4, %dma_start3A] : memref<32768x768xf32, #tpu.memory_space<hbm>> -> memref<64x768xf32, #tpu.memory_space<hbm>>
    %dma_start3A_6 = arith.constant 0 : i32
    %dma_start3A_7 = tpu.memref_slice %arg2[%add3A_4, %dma_start3A_6] : memref<32768x768xf32, #tpu.memory_space<hbm>> -> memref<64x768xf32, #tpu.memory_space<hbm>>
    tpu.enqueue_dma source(%dma_start3A_7 : memref<64x768xf32, #tpu.memory_space<hbm>>) target(%arg4 : memref<64x768xf32, #tpu.memory_space<vmem>>) target_semaphore(%arg6 : memref<!tpu.dma_semaphore, #tpu.memory_space<semaphore_mem>>)
    %add3A_8 = arith.constant 64 : i32
    %add3A_9 = arith.addi %mul3A_2, %add3A_8 : i32
    %dma_start3A_10 = arith.constant 0 : i32
    %dma_start3A_11 = tpu.memref_slice %arg2[%add3A_9, %dma_start3A_10] : memref<32768x768xf32, #tpu.memory_space<hbm>> -> memref<64x768xf32, #tpu.memory_space<hbm>>
    %dma_start3A_12 = arith.constant 0 : i32
    %dma_start3A_13 = tpu.memref_slice %arg2[%add3A_9, %dma_start3A_12] : memref<32768x768xf32, #tpu.memory_space<hbm>> -> memref<64x768xf32, #tpu.memory_space<hbm>>
    tpu.enqueue_dma source(%dma_start3A_13 : memref<64x768xf32, #tpu.memory_space<hbm>>) target(%arg5 : memref<64x768xf32, #tpu.memory_space<vmem>>) target_semaphore(%arg7 : memref<!tpu.dma_semaphore, #tpu.memory_space<semaphore_mem>>)
    %dma_wait3A = arith.constant 0 : i32
    %dma_wait3A_14 = tpu.memref_slice %arg2[%add3A_4, %dma_wait3A] : memref<32768x768xf32, #tpu.memory_space<hbm>> -> memref<64x768xf32, #tpu.memory_space<hbm>>
    %dma_wait3A_15 = arith.constant 0 : i32
    %dma_wait3A_16 = tpu.memref_slice %arg2[%add3A_4, %dma_wait3A_15] : memref<32768x768xf32, #tpu.memory_space<hbm>> -> memref<64x768xf32, #tpu.memory_space<hbm>>
    tpu.wait_dma2 semaphore(%arg6 : memref<!tpu.dma_semaphore, #tpu.memory_space<semaphore_mem>>) src(%dma_wait3A_16 : memref<64x768xf32, #tpu.memory_space<hbm>>) dst(%arg4 : memref<64x768xf32, #tpu.memory_space<vmem>>)
    %add3A_17 = arith.constant 0 : i32
    %add3A_18 = arith.addi %mul3A_2, %add3A_17 : i32
    %dma_start3A_19 = arith.constant 0 : i32
    %dma_start3A_20 = tpu.memref_slice %arg3[%add3A_18, %dma_start3A_19] : memref<32768x768xf32, #tpu.memory_space<hbm>> -> memref<64x768xf32, #tpu.memory_space<hbm>>
    %dma_start3A_21 = arith.constant 0 : i32
    %dma_start3A_22 = tpu.memref_slice %arg3[%add3A_18, %dma_start3A_21] : memref<32768x768xf32, #tpu.memory_space<hbm>> -> memref<64x768xf32, #tpu.memory_space<hbm>>
    tpu.enqueue_dma source(%arg4 : memref<64x768xf32, #tpu.memory_space<vmem>>) target(%dma_start3A_22 : memref<64x768xf32, #tpu.memory_space<hbm>>) target_semaphore(%arg8 : memref<!tpu.dma_semaphore, #tpu.memory_space<semaphore_mem>>)
    %dma_wait3A_23 = arith.constant 0 : i32
    %dma_wait3A_24 = tpu.memref_slice %arg3[%add3A_18, %dma_wait3A_23] : memref<32768x768xf32, #tpu.memory_space<hbm>> -> memref<64x768xf32, #tpu.memory_space<hbm>>
    %dma_wait3A_25 = arith.constant 0 : i32
    %dma_wait3A_26 = tpu.memref_slice %arg3[%add3A_18, %dma_wait3A_25] : memref<32768x768xf32, #tpu.memory_space<hbm>> -> memref<64x768xf32, #tpu.memory_space<hbm>>
    tpu.wait_dma2 semaphore(%arg8 : memref<!tpu.dma_semaphore, #tpu.memory_space<semaphore_mem>>) src(%arg4 : memref<64x768xf32, #tpu.memory_space<vmem>>) dst(%dma_wait3A_26 : memref<64x768xf32, #tpu.memory_space<hbm>>)
    %add3A_27 = arith.constant 128 : i32
    %add3A_28 = arith.addi %mul3A_2, %add3A_27 : i32
    %dma_start3A_29 = arith.constant 0 : i32
    %dma_start3A_30 = tpu.memref_slice %arg2[%add3A_28, %dma_start3A_29] : memref<32768x768xf32, #tpu.memory_space<hbm>> -> memref<64x768xf32, #tpu.memory_space<hbm>>
    %dma_start3A_31 = arith.constant 0 : i32
    %dma_start3A_32 = tpu.memref_slice %arg2[%add3A_28, %dma_start3A_31] : memref<32768x768xf32, #tpu.memory_space<hbm>> -> memref<64x768xf32, #tpu.memory_space<hbm>>
    tpu.enqueue_dma source(%dma_start3A_32 : memref<64x768xf32, #tpu.memory_space<hbm>>) target(%arg4 : memref<64x768xf32, #tpu.memory_space<vmem>>) target_semaphore(%arg6 : memref<!tpu.dma_semaphore, #tpu.memory_space<semaphore_mem>>)
    %dma_wait3A_33 = arith.constant 0 : i32
    %dma_wait3A_34 = tpu.memref_slice %arg2[%add3A_9, %dma_wait3A_33] : memref<32768x768xf32, #tpu.memory_space<hbm>> -> memref<64x768xf32, #tpu.memory_space<hbm>>
    %dma_wait3A_35 = arith.constant 0 : i32
    %dma_wait3A_36 = tpu.memref_slice %arg2[%add3A_9, %dma_wait3A_35] : memref<32768x768xf32, #tpu.memory_space<hbm>> -> memref<64x768xf32, #tpu.memory_space<hbm>>
    tpu.wait_dma2 semaphore(%arg7 : memref<!tpu.dma_semaphore, #tpu.memory_space<semaphore_mem>>) src(%dma_wait3A_36 : memref<64x768xf32, #tpu.memory_space<hbm>>) dst(%arg5 : memref<64x768xf32, #tpu.memory_space<vmem>>)
    %add3A_37 = arith.constant 64 : i32
    %add3A_38 = arith.addi %mul3A_2, %add3A_37 : i32
    %dma_start3A_39 = arith.constant 0 : i32
    %dma_start3A_40 = tpu.memref_slice %arg3[%add3A_38, %dma_start3A_39] : memref<32768x768xf32, #tpu.memory_space<hbm>> -> memref<64x768xf32, #tpu.memory_space<hbm>>
    %dma_start3A_41 = arith.constant 0 : i32
    %dma_start3A_42 = tpu.memref_slice %arg3[%add3A_38, %dma_start3A_41] : memref<32768x768xf32, #tpu.memory_space<hbm>> -> memref<64x768xf32, #tpu.memory_space<hbm>>
    tpu.enqueue_dma source(%arg5 : memref<64x768xf32, #tpu.memory_space<vmem>>) target(%dma_start3A_42 : memref<64x768xf32, #tpu.memory_space<hbm>>) target_semaphore(%arg9 : memref<!tpu.dma_semaphore, #tpu.memory_space<semaphore_mem>>)
    %dma_wait3A_43 = arith.constant 0 : i32
    %dma_wait3A_44 = tpu.memref_slice %arg3[%add3A_38, %dma_wait3A_43] : memref<32768x768xf32, #tpu.memory_space<hbm>> -> memref<64x768xf32, #tpu.memory_space<hbm>>
    %dma_wait3A_45 = arith.constant 0 : i32
    %dma_wait3A_46 = tpu.memref_slice %arg3[%add3A_38, %dma_wait3A_45] : memref<32768x768xf32, #tpu.memory_space<hbm>> -> memref<64x768xf32, #tpu.memory_space<hbm>>
    tpu.wait_dma2 semaphore(%arg9 : memref<!tpu.dma_semaphore, #tpu.memory_space<semaphore_mem>>) src(%arg5 : memref<64x768xf32, #tpu.memory_space<vmem>>) dst(%dma_wait3A_46 : memref<64x768xf32, #tpu.memory_space<hbm>>)
    %add3A_47 = arith.constant 192 : i32
    %add3A_48 = arith.addi %mul3A_2, %add3A_47 : i32
    %dma_start3A_49 = arith.constant 0 : i32
    %dma_start3A_50 = tpu.memref_slice %arg2[%add3A_48, %dma_start3A_49] : memref<32768x768xf32, #tpu.memory_space<hbm>> -> memref<64x768xf32, #tpu.memory_space<hbm>>
    %dma_start3A_51 = arith.constant 0 : i32
    %dma_start3A_52 = tpu.memref_slice %arg2[%add3A_48, %dma_start3A_51] : memref<32768x768xf32, #tpu.memory_space<hbm>> -> memref<64x768xf32, #tpu.memory_space<hbm>>
    tpu.enqueue_dma source(%dma_start3A_52 : memref<64x768xf32, #tpu.memory_space<hbm>>) target(%arg5 : memref<64x768xf32, #tpu.memory_space<vmem>>) target_semaphore(%arg7 : memref<!tpu.dma_semaphore, #tpu.memory_space<semaphore_mem>>)
    %dma_wait3A_53 = arith.constant 0 : i32
    %dma_wait3A_54 = tpu.memref_slice %arg2[%add3A_28, %dma_wait3A_53] : memref<32768x768xf32, #tpu.memory_space<hbm>> -> memref<64x768xf32, #tpu.memory_space<hbm>>
    %dma_wait3A_55 = arith.constant 0 : i32
    %dma_wait3A_56 = tpu.memref_slice %arg2[%add3A_28, %dma_wait3A_55] : memref<32768x768xf32, #tpu.memory_space<hbm>> -> memref<64x768xf32, #tpu.memory_space<hbm>>
    tpu.wait_dma2 semaphore(%arg6 : memref<!tpu.dma_semaphore, #tpu.memory_space<semaphore_mem>>) src(%dma_wait3A_56 : memref<64x768xf32, #tpu.memory_space<hbm>>) dst(%arg4 : memref<64x768xf32, #tpu.memory_space<vmem>>)
    %add3A_57 = arith.constant 128 : i32
    %add3A_58 = arith.addi %mul3A_2, %add3A_57 : i32
    %dma_start3A_59 = arith.constant 0 : i32
    %dma_start3A_60 = tpu.memref_slice %arg3[%add3A_58, %dma_start3A_59] : memref<32768x768xf32, #tpu.memory_space<hbm>> -> memref<64x768xf32, #tpu.memory_space<hbm>>
    %dma_start3A_61 = arith.constant 0 : i32
    %dma_start3A_62 = tpu.memref_slice %arg3[%add3A_58, %dma_start3A_61] : memref<32768x768xf32, #tpu.memory_space<hbm>> -> memref<64x768xf32, #tpu.memory_space<hbm>>
    tpu.enqueue_dma source(%arg4 : memref<64x768xf32, #tpu.memory_space<vmem>>) target(%dma_start3A_62 : memref<64x768xf32, #tpu.memory_space<hbm>>) target_semaphore(%arg8 : memref<!tpu.dma_semaphore, #tpu.memory_space<semaphore_mem>>)
    %dma_wait3A_63 = arith.constant 0 : i32
    %dma_wait3A_64 = tpu.memref_slice %arg3[%add3A_58, %dma_wait3A_63] : memref<32768x768xf32, #tpu.memory_space<hbm>> -> memref<64x768xf32, #tpu.memory_space<hbm>>
    %dma_wait3A_65 = arith.constant 0 : i32
    %dma_wait3A_66 = tpu.memref_slice %arg3[%add3A_58, %dma_wait3A_65] : memref<32768x768xf32, #tpu.memory_space<hbm>> -> memref<64x768xf32, #tpu.memory_space<hbm>>
    tpu.wait_dma2 semaphore(%arg8 : memref<!tpu.dma_semaphore, #tpu.memory_space<semaphore_mem>>) src(%arg4 : memref<64x768xf32, #tpu.memory_space<vmem>>) dst(%dma_wait3A_66 : memref<64x768xf32, #tpu.memory_space<hbm>>)
    %add3A_67 = arith.constant 256 : i32
    %add3A_68 = arith.addi %mul3A_2, %add3A_67 : i32
    %dma_start3A_69 = arith.constant 0 : i32
    %dma_start3A_70 = tpu.memref_slice %arg2[%add3A_68, %dma_start3A_69] : memref<32768x768xf32, #tpu.memory_space<hbm>> -> memref<64x768xf32, #tpu.memory_space<hbm>>
    %dma_start3A_71 = arith.constant 0 : i32
    %dma_start3A_72 = tpu.memref_slice %arg2[%add3A_68, %dma_start3A_71] : memref<32768x768xf32, #tpu.memory_space<hbm>> -> memref<64x768xf32, #tpu.memory_space<hbm>>
    tpu.enqueue_dma source(%dma_start3A_72 : memref<64x768xf32, #tpu.memory_space<hbm>>) target(%arg4 : memref<64x768xf32, #tpu.memory_space<vmem>>) target_semaphore(%arg6 : memref<!tpu.dma_semaphore, #tpu.memory_space<semaphore_mem>>)
    %dma_wait3A_73 = arith.constant 0 : i32
    %dma_wait3A_74 = tpu.memref_slice %arg2[%add3A_48, %dma_wait3A_73] : memref<32768x768xf32, #tpu.memory_space<hbm>> -> memref<64x768xf32, #tpu.memory_space<hbm>>
    %dma_wait3A_75 = arith.constant 0 : i32
    %dma_wait3A_76 = tpu.memref_slice %arg2[%add3A_48, %dma_wait3A_75] : memref<32768x768xf32, #tpu.memory_space<hbm>> -> memref<64x768xf32, #tpu.memory_space<hbm>>
    tpu.wait_dma2 semaphore(%arg7 : memref<!tpu.dma_semaphore, #tpu.memory_space<semaphore_mem>>) src(%dma_wait3A_76 : memref<64x768xf32, #tpu.memory_space<hbm>>) dst(%arg5 : memref<64x768xf32, #tpu.memory_space<vmem>>)
    %add3A_77 = arith.constant 192 : i32
    %add3A_78 = arith.addi %mul3A_2, %add3A_77 : i32
    %dma_start3A_79 = arith.constant 0 : i32
    %dma_start3A_80 = tpu.memref_slice %arg3[%add3A_78, %dma_start3A_79] : memref<32768x768xf32, #tpu.memory_space<hbm>> -> memref<64x768xf32, #tpu.memory_space<hbm>>
    %dma_start3A_81 = arith.constant 0 : i32
    %dma_start3A_82 = tpu.memref_slice %arg3[%add3A_78, %dma_start3A_81] : memref<32768x768xf32, #tpu.memory_space<hbm>> -> memref<64x768xf32, #tpu.memory_space<hbm>>
    tpu.enqueue_dma source(%arg5 : memref<64x768xf32, #tpu.memory_space<vmem>>) target(%dma_start3A_82 : memref<64x768xf32, #tpu.memory_space<hbm>>) target_semaphore(%arg9 : memref<!tpu.dma_semaphore, #tpu.memory_space<semaphore_mem>>)
    %dma_wait3A_83 = arith.constant 0 : i32
    %dma_wait3A_84 = tpu.memref_slice %arg3[%add3A_78, %dma_wait3A_83] : memref<32768x768xf32, #tpu.memory_space<hbm>> -> memref<64x768xf32, #tpu.memory_space<hbm>>
    %dma_wait3A_85 = arith.constant 0 : i32
    %dma_wait3A_86 = tpu.memref_slice %arg3[%add3A_78, %dma_wait3A_85] : memref<32768x768xf32, #tpu.memory_space<hbm>> -> memref<64x768xf32, #tpu.memory_space<hbm>>
    tpu.wait_dma2 semaphore(%arg9 : memref<!tpu.dma_semaphore, #tpu.memory_space<semaphore_mem>>) src(%arg5 : memref<64x768xf32, #tpu.memory_space<vmem>>) dst(%dma_wait3A_86 : memref<64x768xf32, #tpu.memory_space<hbm>>)
    %add3A_87 = arith.constant 320 : i32
    %add3A_88 = arith.addi %mul3A_2, %add3A_87 : i32
    %dma_start3A_89 = arith.constant 0 : i32
    %dma_start3A_90 = tpu.memref_slice %arg2[%add3A_88, %dma_start3A_89] : memref<32768x768xf32, #tpu.memory_space<hbm>> -> memref<64x768xf32, #tpu.memory_space<hbm>>
    %dma_start3A_91 = arith.constant 0 : i32
    %dma_start3A_92 = tpu.memref_slice %arg2[%add3A_88, %dma_start3A_91] : memref<32768x768xf32, #tpu.memory_space<hbm>> -> memref<64x768xf32, #tpu.memory_space<hbm>>
    tpu.enqueue_dma source(%dma_start3A_92 : memref<64x768xf32, #tpu.memory_space<hbm>>) target(%arg5 : memref<64x768xf32, #tpu.memory_space<vmem>>) target_semaphore(%arg7 : memref<!tpu.dma_semaphore, #tpu.memory_space<semaphore_mem>>)
    %dma_wait3A_93 = arith.constant 0 : i32
    %dma_wait3A_94 = tpu.memref_slice %arg2[%add3A_68, %dma_wait3A_93] : memref<32768x768xf32, #tpu.memory_space<hbm>> -> memref<64x768xf32, #tpu.memory_space<hbm>>
    %dma_wait3A_95 = arith.constant 0 : i32
    %dma_wait3A_96 = tpu.memref_slice %arg2[%add3A_68, %dma_wait3A_95] : memref<32768x768xf32, #tpu.memory_space<hbm>> -> memref<64x768xf32, #tpu.memory_space<hbm>>
    tpu.wait_dma2 semaphore(%arg6 : memref<!tpu.dma_semaphore, #tpu.memory_space<semaphore_mem>>) src(%dma_wait3A_96 : memref<64x768xf32, #tpu.memory_space<hbm>>) dst(%arg4 : memref<64x768xf32, #tpu.memory_space<vmem>>)
    %add3A_97 = arith.constant 256 : i32
    %add3A_98 = arith.addi %mul3A_2, %add3A_97 : i32
    %dma_start3A_99 = arith.constant 0 : i32
    %dma_start3A_100 = tpu.memref_slice %arg3[%add3A_98, %dma_start3A_99] : memref<32768x768xf32, #tpu.memory_space<hbm>> -> memref<64x768xf32, #tpu.memory_space<hbm>>
    %dma_start3A_101 = arith.constant 0 : i32
    %dma_start3A_102 = tpu.memref_slice %arg3[%add3A_98, %dma_start3A_101] : memref<32768x768xf32, #tpu.memory_space<hbm>> -> memref<64x768xf32, #tpu.memory_space<hbm>>
    tpu.enqueue_dma source(%arg4 : memref<64x768xf32, #tpu.memory_space<vmem>>) target(%dma_start3A_102 : memref<64x768xf32, #tpu.memory_space<hbm>>) target_semaphore(%arg8 : memref<!tpu.dma_semaphore, #tpu.memory_space<semaphore_mem>>)
    %dma_wait3A_103 = arith.constant 0 : i32
    %dma_wait3A_104 = tpu.memref_slice %arg3[%add3A_98, %dma_wait3A_103] : memref<32768x768xf32, #tpu.memory_space<hbm>> -> memref<64x768xf32, #tpu.memory_space<hbm>>
    %dma_wait3A_105 = arith.constant 0 : i32
    %dma_wait3A_106 = tpu.memref_slice %arg3[%add3A_98, %dma_wait3A_105] : memref<32768x768xf32, #tpu.memory_space<hbm>> -> memref<64x768xf32, #tpu.memory_space<hbm>>
    tpu.wait_dma2 semaphore(%arg8 : memref<!tpu.dma_semaphore, #tpu.memory_space<semaphore_mem>>) src(%arg4 : memref<64x768xf32, #tpu.memory_space<vmem>>) dst(%dma_wait3A_106 : memref<64x768xf32, #tpu.memory_space<hbm>>)
    %add3A_107 = arith.constant 384 : i32
    %add3A_108 = arith.addi %mul3A_2, %add3A_107 : i32
    %dma_start3A_109 = arith.constant 0 : i32
    %dma_start3A_110 = tpu.memref_slice %arg2[%add3A_108, %dma_start3A_109] : memref<32768x768xf32, #tpu.memory_space<hbm>> -> memref<64x768xf32, #tpu.memory_space<hbm>>
    %dma_start3A_111 = arith.constant 0 : i32
    %dma_start3A_112 = tpu.memref_slice %arg2[%add3A_108, %dma_start3A_111] : memref<32768x768xf32, #tpu.memory_space<hbm>> -> memref<64x768xf32, #tpu.memory_space<hbm>>
    tpu.enqueue_dma source(%dma_start3A_112 : memref<64x768xf32, #tpu.memory_space<hbm>>) target(%arg4 : memref<64x768xf32, #tpu.memory_space<vmem>>) target_semaphore(%arg6 : memref<!tpu.dma_semaphore, #tpu.memory_space<semaphore_mem>>)
    %dma_wait3A_113 = arith.constant 0 : i32
    %dma_wait3A_114 = tpu.memref_slice %arg2[%add3A_88, %dma_wait3A_113] : memref<32768x768xf32, #tpu.memory_space<hbm>> -> memref<64x768xf32, #tpu.memory_space<hbm>>
    %dma_wait3A_115 = arith.constant 0 : i32
    %dma_wait3A_116 = tpu.memref_slice %arg2[%add3A_88, %dma_wait3A_115] : memref<32768x768xf32, #tpu.memory_space<hbm>> -> memref<64x768xf32, #tpu.memory_space<hbm>>
    tpu.wait_dma2 semaphore(%arg7 : memref<!tpu.dma_semaphore, #tpu.memory_space<semaphore_mem>>) src(%dma_wait3A_116 : memref<64x768xf32, #tpu.memory_space<hbm>>) dst(%arg5 : memref<64x768xf32, #tpu.memory_space<vmem>>)
    %add3A_117 = arith.constant 320 : i32
    %add3A_118 = arith.addi %mul3A_2, %add3A_117 : i32
    %dma_start3A_119 = arith.constant 0 : i32
    %dma_start3A_120 = tpu.memref_slice %arg3[%add3A_118, %dma_start3A_119] : memref<32768x768xf32, #tpu.memory_space<hbm>> -> memref<64x768xf32, #tpu.memory_space<hbm>>
    %dma_start3A_121 = arith.constant 0 : i32
    %dma_start3A_122 = tpu.memref_slice %arg3[%add3A_118, %dma_start3A_121] : memref<32768x768xf32, #tpu.memory_space<hbm>> -> memref<64x768xf32, #tpu.memory_space<hbm>>
    tpu.enqueue_dma source(%arg5 : memref<64x768xf32, #tpu.memory_space<vmem>>) target(%dma_start3A_122 : memref<64x768xf32, #tpu.memory_space<hbm>>) target_semaphore(%arg9 : memref<!tpu.dma_semaphore, #tpu.memory_space<semaphore_mem>>)
    %dma_wait3A_123 = arith.constant 0 : i32
    %dma_wait3A_124 = tpu.memref_slice %arg3[%add3A_118, %dma_wait3A_123] : memref<32768x768xf32, #tpu.memory_space<hbm>> -> memref<64x768xf32, #tpu.memory_space<hbm>>
    %dma_wait3A_125 = arith.constant 0 : i32
    %dma_wait3A_126 = tpu.memref_slice %arg3[%add3A_118, %dma_wait3A_125] : memref<32768x768xf32, #tpu.memory_space<hbm>> -> memref<64x768xf32, #tpu.memory_space<hbm>>
    tpu.wait_dma2 semaphore(%arg9 : memref<!tpu.dma_semaphore, #tpu.memory_space<semaphore_mem>>) src(%arg5 : memref<64x768xf32, #tpu.memory_space<vmem>>) dst(%dma_wait3A_126 : memref<64x768xf32, #tpu.memory_space<hbm>>)
    %add3A_127 = arith.constant 448 : i32
    %add3A_128 = arith.addi %mul3A_2, %add3A_127 : i32
    %dma_start3A_129 = arith.constant 0 : i32
    %dma_start3A_130 = tpu.memref_slice %arg2[%add3A_128, %dma_start3A_129] : memref<32768x768xf32, #tpu.memory_space<hbm>> -> memref<64x768xf32, #tpu.memory_space<hbm>>
    %dma_start3A_131 = arith.constant 0 : i32
    %dma_start3A_132 = tpu.memref_slice %arg2[%add3A_128, %dma_start3A_131] : memref<32768x768xf32, #tpu.memory_space<hbm>> -> memref<64x768xf32, #tpu.memory_space<hbm>>
    tpu.enqueue_dma source(%dma_start3A_132 : memref<64x768xf32, #tpu.memory_space<hbm>>) target(%arg5 : memref<64x768xf32, #tpu.memory_space<vmem>>) target_semaphore(%arg7 : memref<!tpu.dma_semaphore, #tpu.memory_space<semaphore_mem>>)
    %dma_wait3A_133 = arith.constant 0 : i32
    %dma_wait3A_134 = tpu.memref_slice %arg2[%add3A_108, %dma_wait3A_133] : memref<32768x768xf32, #tpu.memory_space<hbm>> -> memref<64x768xf32, #tpu.memory_space<hbm>>
    %dma_wait3A_135 = arith.constant 0 : i32
    %dma_wait3A_136 = tpu.memref_slice %arg2[%add3A_108, %dma_wait3A_135] : memref<32768x768xf32, #tpu.memory_space<hbm>> -> memref<64x768xf32, #tpu.memory_space<hbm>>
    tpu.wait_dma2 semaphore(%arg6 : memref<!tpu.dma_semaphore, #tpu.memory_space<semaphore_mem>>) src(%dma_wait3A_136 : memref<64x768xf32, #tpu.memory_space<hbm>>) dst(%arg4 : memref<64x768xf32, #tpu.memory_space<vmem>>)
    %add3A_137 = arith.constant 384 : i32
    %add3A_138 = arith.addi %mul3A_2, %add3A_137 : i32
    %dma_start3A_139 = arith.constant 0 : i32
    %dma_start3A_140 = tpu.memref_slice %arg3[%add3A_138, %dma_start3A_139] : memref<32768x768xf32, #tpu.memory_space<hbm>> -> memref<64x768xf32, #tpu.memory_space<hbm>>
    %dma_start3A_141 = arith.constant 0 : i32
    %dma_start3A_142 = tpu.memref_slice %arg3[%add3A_138, %dma_start3A_141] : memref<32768x768xf32, #tpu.memory_space<hbm>> -> memref<64x768xf32, #tpu.memory_space<hbm>>
    tpu.enqueue_dma source(%arg4 : memref<64x768xf32, #tpu.memory_space<vmem>>) target(%dma_start3A_142 : memref<64x768xf32, #tpu.memory_space<hbm>>) target_semaphore(%arg8 : memref<!tpu.dma_semaphore, #tpu.memory_space<semaphore_mem>>)
    %dma_wait3A_143 = arith.constant 0 : i32
    %dma_wait3A_144 = tpu.memref_slice %arg3[%add3A_138, %dma_wait3A_143] : memref<32768x768xf32, #tpu.memory_space<hbm>> -> memref<64x768xf32, #tpu.memory_space<hbm>>
    %dma_wait3A_145 = arith.constant 0 : i32
    %dma_wait3A_146 = tpu.memref_slice %arg3[%add3A_138, %dma_wait3A_145] : memref<32768x768xf32, #tpu.memory_space<hbm>> -> memref<64x768xf32, #tpu.memory_space<hbm>>
    tpu.wait_dma2 semaphore(%arg8 : memref<!tpu.dma_semaphore, #tpu.memory_space<semaphore_mem>>) src(%arg4 : memref<64x768xf32, #tpu.memory_space<vmem>>) dst(%dma_wait3A_146 : memref<64x768xf32, #tpu.memory_space<hbm>>)
    %add3A_147 = arith.constant 512 : i32
    %add3A_148 = arith.addi %mul3A_2, %add3A_147 : i32
    %dma_start3A_149 = arith.constant 0 : i32
    %dma_start3A_150 = tpu.memref_slice %arg2[%add3A_148, %dma_start3A_149] : memref<32768x768xf32, #tpu.memory_space<hbm>> -> memref<64x768xf32, #tpu.memory_space<hbm>>
    %dma_start3A_151 = arith.constant 0 : i32
    %dma_start3A_152 = tpu.memref_slice %arg2[%add3A_148, %dma_start3A_151] : memref<32768x768xf32, #tpu.memory_space<hbm>> -> memref<64x768xf32, #tpu.memory_space<hbm>>
    tpu.enqueue_dma source(%dma_start3A_152 : memref<64x768xf32, #tpu.memory_space<hbm>>) target(%arg4 : memref<64x768xf32, #tpu.memory_space<vmem>>) target_semaphore(%arg6 : memref<!tpu.dma_semaphore, #tpu.memory_space<semaphore_mem>>)
    %dma_wait3A_153 = arith.constant 0 : i32
    %dma_wait3A_154 = tpu.memref_slice %arg2[%add3A_128, %dma_wait3A_153] : memref<32768x768xf32, #tpu.memory_space<hbm>> -> memref<64x768xf32, #tpu.memory_space<hbm>>
    %dma_wait3A_155 = arith.constant 0 : i32
    %dma_wait3A_156 = tpu.memref_slice %arg2[%add3A_128, %dma_wait3A_155] : memref<32768x768xf32, #tpu.memory_space<hbm>> -> memref<64x768xf32, #tpu.memory_space<hbm>>
    tpu.wait_dma2 semaphore(%arg7 : memref<!tpu.dma_semaphore, #tpu.memory_space<semaphore_mem>>) src(%dma_wait3A_156 : memref<64x768xf32, #tpu.memory_space<hbm>>) dst(%arg5 : memref<64x768xf32, #tpu.memory_space<vmem>>)
    %add3A_157 = arith.constant 448 : i32
    %add3A_158 = arith.addi %mul3A_2, %add3A_157 : i32
    %dma_start3A_159 = arith.constant 0 : i32
    %dma_start3A_160 = tpu.memref_slice %arg3[%add3A_158, %dma_start3A_159] : memref<32768x768xf32, #tpu.memory_space<hbm>> -> memref<64x768xf32, #tpu.memory_space<hbm>>
    %dma_start3A_161 = arith.constant 0 : i32
    %dma_start3A_162 = tpu.memref_slice %arg3[%add3A_158, %dma_start3A_161] : memref<32768x768xf32, #tpu.memory_space<hbm>> -> memref<64x768xf32, #tpu.memory_space<hbm>>
    tpu.enqueue_dma source(%arg5 : memref<64x768xf32, #tpu.memory_space<vmem>>) target(%dma_start3A_162 : memref<64x768xf32, #tpu.memory_space<hbm>>) target_semaphore(%arg9 : memref<!tpu.dma_semaphore, #tpu.memory_space<semaphore_mem>>)
    %dma_wait3A_163 = arith.constant 0 : i32
    %dma_wait3A_164 = tpu.memref_slice %arg3[%add3A_158, %dma_wait3A_163] : memref<32768x768xf32, #tpu.memory_space<hbm>> -> memref<64x768xf32, #tpu.memory_space<hbm>>
    %dma_wait3A_165 = arith.constant 0 : i32
    %dma_wait3A_166 = tpu.memref_slice %arg3[%add3A_158, %dma_wait3A_165] : memref<32768x768xf32, #tpu.memory_space<hbm>> -> memref<64x768xf32, #tpu.memory_space<hbm>>
    tpu.wait_dma2 semaphore(%arg9 : memref<!tpu.dma_semaphore, #tpu.memory_space<semaphore_mem>>) src(%arg5 : memref<64x768xf32, #tpu.memory_space<vmem>>) dst(%dma_wait3A_166 : memref<64x768xf32, #tpu.memory_space<hbm>>)
    %add3A_167 = arith.constant 576 : i32
    %add3A_168 = arith.addi %mul3A_2, %add3A_167 : i32
    %dma_start3A_169 = arith.constant 0 : i32
    %dma_start3A_170 = tpu.memref_slice %arg2[%add3A_168, %dma_start3A_169] : memref<32768x768xf32, #tpu.memory_space<hbm>> -> memref<64x768xf32, #tpu.memory_space<hbm>>
    %dma_start3A_171 = arith.constant 0 : i32
    %dma_start3A_172 = tpu.memref_slice %arg2[%add3A_168, %dma_start3A_171] : memref<32768x768xf32, #tpu.memory_space<hbm>> -> memref<64x768xf32, #tpu.memory_space<hbm>>
    tpu.enqueue_dma source(%dma_start3A_172 : memref<64x768xf32, #tpu.memory_space<hbm>>) target(%arg5 : memref<64x768xf32, #tpu.memory_space<vmem>>) target_semaphore(%arg7 : memref<!tpu.dma_semaphore, #tpu.memory_space<semaphore_mem>>)
    %dma_wait3A_173 = arith.constant 0 : i32
    %dma_wait3A_174 = tpu.memref_slice %arg2[%add3A_148, %dma_wait3A_173] : memref<32768x768xf32, #tpu.memory_space<hbm>> -> memref<64x768xf32, #tpu.memory_space<hbm>>
    %dma_wait3A_175 = arith.constant 0 : i32
    %dma_wait3A_176 = tpu.memref_slice %arg2[%add3A_148, %dma_wait3A_175] : memref<32768x768xf32, #tpu.memory_space<hbm>> -> memref<64x768xf32, #tpu.memory_space<hbm>>
    tpu.wait_dma2 semaphore(%arg6 : memref<!tpu.dma_semaphore, #tpu.memory_space<semaphore_mem>>) src(%dma_wait3A_176 : memref<64x768xf32, #tpu.memory_space<hbm>>) dst(%arg4 : memref<64x768xf32, #tpu.memory_space<vmem>>)
    %add3A_177 = arith.constant 512 : i32
    %add3A_178 = arith.addi %mul3A_2, %add3A_177 : i32
    %dma_start3A_179 = arith.constant 0 : i32
    %dma_start3A_180 = tpu.memref_slice %arg3[%add3A_178, %dma_start3A_179] : memref<32768x768xf32, #tpu.memory_space<hbm>> -> memref<64x768xf32, #tpu.memory_space<hbm>>
    %dma_start3A_181 = arith.constant 0 : i32
    %dma_start3A_182 = tpu.memref_slice %arg3[%add3A_178, %dma_start3A_181] : memref<32768x768xf32, #tpu.memory_space<hbm>> -> memref<64x768xf32, #tpu.memory_space<hbm>>
    tpu.enqueue_dma source(%arg4 : memref<64x768xf32, #tpu.memory_space<vmem>>) target(%dma_start3A_182 : memref<64x768xf32, #tpu.memory_space<hbm>>) target_semaphore(%arg8 : memref<!tpu.dma_semaphore, #tpu.memory_space<semaphore_mem>>)
    %dma_wait3A_183 = arith.constant 0 : i32
    %dma_wait3A_184 = tpu.memref_slice %arg3[%add3A_178, %dma_wait3A_183] : memref<32768x768xf32, #tpu.memory_space<hbm>> -> memref<64x768xf32, #tpu.memory_space<hbm>>
    %dma_wait3A_185 = arith.constant 0 : i32
    %dma_wait3A_186 = tpu.memref_slice %arg3[%add3A_178, %dma_wait3A_185] : memref<32768x768xf32, #tpu.memory_space<hbm>> -> memref<64x768xf32, #tpu.memory_space<hbm>>
    tpu.wait_dma2 semaphore(%arg8 : memref<!tpu.dma_semaphore, #tpu.memory_space<semaphore_mem>>) src(%arg4 : memref<64x768xf32, #tpu.memory_space<vmem>>) dst(%dma_wait3A_186 : memref<64x768xf32, #tpu.memory_space<hbm>>)
    %add3A_187 = arith.constant 640 : i32
    %add3A_188 = arith.addi %mul3A_2, %add3A_187 : i32
    %dma_start3A_189 = arith.constant 0 : i32
    %dma_start3A_190 = tpu.memref_slice %arg2[%add3A_188, %dma_start3A_189] : memref<32768x768xf32, #tpu.memory_space<hbm>> -> memref<64x768xf32, #tpu.memory_space<hbm>>
    %dma_start3A_191 = arith.constant 0 : i32
    %dma_start3A_192 = tpu.memref_slice %arg2[%add3A_188, %dma_start3A_191] : memref<32768x768xf32, #tpu.memory_space<hbm>> -> memref<64x768xf32, #tpu.memory_space<hbm>>
    tpu.enqueue_dma source(%dma_start3A_192 : memref<64x768xf32, #tpu.memory_space<hbm>>) target(%arg4 : memref<64x768xf32, #tpu.memory_space<vmem>>) target_semaphore(%arg6 : memref<!tpu.dma_semaphore, #tpu.memory_space<semaphore_mem>>)
    %dma_wait3A_193 = arith.constant 0 : i32
    %dma_wait3A_194 = tpu.memref_slice %arg2[%add3A_168, %dma_wait3A_193] : memref<32768x768xf32, #tpu.memory_space<hbm>> -> memref<64x768xf32, #tpu.memory_space<hbm>>
    %dma_wait3A_195 = arith.constant 0 : i32
    %dma_wait3A_196 = tpu.memref_slice %arg2[%add3A_168, %dma_wait3A_195] : memref<32768x768xf32, #tpu.memory_space<hbm>> -> memref<64x768xf32, #tpu.memory_space<hbm>>
    tpu.wait_dma2 semaphore(%arg7 : memref<!tpu.dma_semaphore, #tpu.memory_space<semaphore_mem>>) src(%dma_wait3A_196 : memref<64x768xf32, #tpu.memory_space<hbm>>) dst(%arg5 : memref<64x768xf32, #tpu.memory_space<vmem>>)
    %add3A_197 = arith.constant 576 : i32
    %add3A_198 = arith.addi %mul3A_2, %add3A_197 : i32
    %dma_start3A_199 = arith.constant 0 : i32
    %dma_start3A_200 = tpu.memref_slice %arg3[%add3A_198, %dma_start3A_199] : memref<32768x768xf32, #tpu.memory_space<hbm>> -> memref<64x768xf32, #tpu.memory_space<hbm>>
    %dma_start3A_201 = arith.constant 0 : i32
    %dma_start3A_202 = tpu.memref_slice %arg3[%add3A_198, %dma_start3A_201] : memref<32768x768xf32, #tpu.memory_space<hbm>> -> memref<64x768xf32, #tpu.memory_space<hbm>>
    tpu.enqueue_dma source(%arg5 : memref<64x768xf32, #tpu.memory_space<vmem>>) target(%dma_start3A_202 : memref<64x768xf32, #tpu.memory_space<hbm>>) target_semaphore(%arg9 : memref<!tpu.dma_semaphore, #tpu.memory_space<semaphore_mem>>)
    %dma_wait3A_203 = arith.constant 0 : i32
    %dma_wait3A_204 = tpu.memref_slice %arg3[%add3A_198, %dma_wait3A_203] : memref<32768x768xf32, #tpu.memory_space<hbm>> -> memref<64x768xf32, #tpu.memory_space<hbm>>
    %dma_wait3A_205 = arith.constant 0 : i32
    %dma_wait3A_206 = tpu.memref_slice %arg3[%add3A_198, %dma_wait3A_205] : memref<32768x768xf32, #tpu.memory_space<hbm>> -> memref<64x768xf32, #tpu.memory_space<hbm>>
    tpu.wait_dma2 semaphore(%arg9 : memref<!tpu.dma_semaphore, #tpu.memory_space<semaphore_mem>>) src(%arg5 : memref<64x768xf32, #tpu.memory_space<vmem>>) dst(%dma_wait3A_206 : memref<64x768xf32, #tpu.memory_space<hbm>>)
    %add3A_207 = arith.constant 704 : i32
    %add3A_208 = arith.addi %mul3A_2, %add3A_207 : i32
    %dma_start3A_209 = arith.constant 0 : i32
    %dma_start3A_210 = tpu.memref_slice %arg2[%add3A_208, %dma_start3A_209] : memref<32768x768xf32, #tpu.memory_space<hbm>> -> memref<64x768xf32, #tpu.memory_space<hbm>>
    %dma_start3A_211 = arith.constant 0 : i32
    %dma_start3A_212 = tpu.memref_slice %arg2[%add3A_208, %dma_start3A_211] : memref<32768x768xf32, #tpu.memory_space<hbm>> -> memref<64x768xf32, #tpu.memory_space<hbm>>
    tpu.enqueue_dma source(%dma_start3A_212 : memref<64x768xf32, #tpu.memory_space<hbm>>) target(%arg5 : memref<64x768xf32, #tpu.memory_space<vmem>>) target_semaphore(%arg7 : memref<!tpu.dma_semaphore, #tpu.memory_space<semaphore_mem>>)
    %dma_wait3A_213 = arith.constant 0 : i32
    %dma_wait3A_214 = tpu.memref_slice %arg2[%add3A_188, %dma_wait3A_213] : memref<32768x768xf32, #tpu.memory_space<hbm>> -> memref<64x768xf32, #tpu.memory_space<hbm>>
    %dma_wait3A_215 = arith.constant 0 : i32
    %dma_wait3A_216 = tpu.memref_slice %arg2[%add3A_188, %dma_wait3A_215] : memref<32768x768xf32, #tpu.memory_space<hbm>> -> memref<64x768xf32, #tpu.memory_space<hbm>>
    tpu.wait_dma2 semaphore(%arg6 : memref<!tpu.dma_semaphore, #tpu.memory_space<semaphore_mem>>) src(%dma_wait3A_216 : memref<64x768xf32, #tpu.memory_space<hbm>>) dst(%arg4 : memref<64x768xf32, #tpu.memory_space<vmem>>)
    %add3A_217 = arith.constant 640 : i32
    %add3A_218 = arith.addi %mul3A_2, %add3A_217 : i32
    %dma_start3A_219 = arith.constant 0 : i32
    %dma_start3A_220 = tpu.memref_slice %arg3[%add3A_218, %dma_start3A_219] : memref<32768x768xf32, #tpu.memory_space<hbm>> -> memref<64x768xf32, #tpu.memory_space<hbm>>
    %dma_start3A_221 = arith.constant 0 : i32
    %dma_start3A_222 = tpu.memref_slice %arg3[%add3A_218, %dma_start3A_221] : memref<32768x768xf32, #tpu.memory_space<hbm>> -> memref<64x768xf32, #tpu.memory_space<hbm>>
    tpu.enqueue_dma source(%arg4 : memref<64x768xf32, #tpu.memory_space<vmem>>) target(%dma_start3A_222 : memref<64x768xf32, #tpu.memory_space<hbm>>) target_semaphore(%arg8 : memref<!tpu.dma_semaphore, #tpu.memory_space<semaphore_mem>>)
    %dma_wait3A_223 = arith.constant 0 : i32
    %dma_wait3A_224 = tpu.memref_slice %arg3[%add3A_218, %dma_wait3A_223] : memref<32768x768xf32, #tpu.memory_space<hbm>> -> memref<64x768xf32, #tpu.memory_space<hbm>>
    %dma_wait3A_225 = arith.constant 0 : i32
    %dma_wait3A_226 = tpu.memref_slice %arg3[%add3A_218, %dma_wait3A_225] : memref<32768x768xf32, #tpu.memory_space<hbm>> -> memref<64x768xf32, #tpu.memory_space<hbm>>
    tpu.wait_dma2 semaphore(%arg8 : memref<!tpu.dma_semaphore, #tpu.memory_space<semaphore_mem>>) src(%arg4 : memref<64x768xf32, #tpu.memory_space<vmem>>) dst(%dma_wait3A_226 : memref<64x768xf32, #tpu.memory_space<hbm>>)
    %add3A_227 = arith.constant 768 : i32
    %add3A_228 = arith.addi %mul3A_2, %add3A_227 : i32
    %dma_start3A_229 = arith.constant 0 : i32
    %dma_start3A_230 = tpu.memref_slice %arg2[%add3A_228, %dma_start3A_229] : memref<32768x768xf32, #tpu.memory_space<hbm>> -> memref<64x768xf32, #tpu.memory_space<hbm>>
    %dma_start3A_231 = arith.constant 0 : i32
    %dma_start3A_232 = tpu.memref_slice %arg2[%add3A_228, %dma_start3A_231] : memref<32768x768xf32, #tpu.memory_space<hbm>> -> memref<64x768xf32, #tpu.memory_space<hbm>>
    tpu.enqueue_dma source(%dma_start3A_232 : memref<64x768xf32, #tpu.memory_space<hbm>>) target(%arg4 : memref<64x768xf32, #tpu.memory_space<vmem>>) target_semaphore(%arg6 : memref<!tpu.dma_semaphore, #tpu.memory_space<semaphore_mem>>)
    %dma_wait3A_233 = arith.constant 0 : i32
    %dma_wait3A_234 = tpu.memref_slice %arg2[%add3A_208, %dma_wait3A_233] : memref<32768x768xf32, #tpu.memory_space<hbm>> -> memref<64x768xf32, #tpu.memory_space<hbm>>
    %dma_wait3A_235 = arith.constant 0 : i32
    %dma_wait3A_236 = tpu.memref_slice %arg2[%add3A_208, %dma_wait3A_235] : memref<32768x768xf32, #tpu.memory_space<hbm>> -> memref<64x768xf32, #tpu.memory_space<hbm>>
    tpu.wait_dma2 semaphore(%arg7 : memref<!tpu.dma_semaphore, #tpu.memory_space<semaphore_mem>>) src(%dma_wait3A_236 : memref<64x768xf32, #tpu.memory_space<hbm>>) dst(%arg5 : memref<64x768xf32, #tpu.memory_space<vmem>>)
    %add3A_237 = arith.constant 704 : i32
    %add3A_238 = arith.addi %mul3A_2, %add3A_237 : i32
    %dma_start3A_239 = arith.constant 0 : i32
    %dma_start3A_240 = tpu.memref_slice %arg3[%add3A_238, %dma_start3A_239] : memref<32768x768xf32, #tpu.memory_space<hbm>> -> memref<64x768xf32, #tpu.memory_space<hbm>>
    %dma_start3A_241 = arith.constant 0 : i32
    %dma_start3A_242 = tpu.memref_slice %arg3[%add3A_238, %dma_start3A_241] : memref<32768x768xf32, #tpu.memory_space<hbm>> -> memref<64x768xf32, #tpu.memory_space<hbm>>
    tpu.enqueue_dma source(%arg5 : memref<64x768xf32, #tpu.memory_space<vmem>>) target(%dma_start3A_242 : memref<64x768xf32, #tpu.memory_space<hbm>>) target_semaphore(%arg9 : memref<!tpu.dma_semaphore, #tpu.memory_space<semaphore_mem>>)
    %dma_wait3A_243 = arith.constant 0 : i32
    %dma_wait3A_244 = tpu.memref_slice %arg3[%add3A_238, %dma_wait3A_243] : memref<32768x768xf32, #tpu.memory_space<hbm>> -> memref<64x768xf32, #tpu.memory_space<hbm>>
    %dma_wait3A_245 = arith.constant 0 : i32
    %dma_wait3A_246 = tpu.memref_slice %arg3[%add3A_238, %dma_wait3A_245] : memref<32768x768xf32, #tpu.memory_space<hbm>> -> memref<64x768xf32, #tpu.memory_space<hbm>>
    tpu.wait_dma2 semaphore(%arg9 : memref<!tpu.dma_semaphore, #tpu.memory_space<semaphore_mem>>) src(%arg5 : memref<64x768xf32, #tpu.memory_space<vmem>>) dst(%dma_wait3A_246 : memref<64x768xf32, #tpu.memory_space<hbm>>)
    %add3A_247 = arith.constant 832 : i32
    %add3A_248 = arith.addi %mul3A_2, %add3A_247 : i32
    %dma_start3A_249 = arith.constant 0 : i32
    %dma_start3A_250 = tpu.memref_slice %arg2[%add3A_248, %dma_start3A_249] : memref<32768x768xf32, #tpu.memory_space<hbm>> -> memref<64x768xf32, #tpu.memory_space<hbm>>
    %dma_start3A_251 = arith.constant 0 : i32
    %dma_start3A_252 = tpu.memref_slice %arg2[%add3A_248, %dma_start3A_251] : memref<32768x768xf32, #tpu.memory_space<hbm>> -> memref<64x768xf32, #tpu.memory_space<hbm>>
    tpu.enqueue_dma source(%dma_start3A_252 : memref<64x768xf32, #tpu.memory_space<hbm>>) target(%arg5 : memref<64x768xf32, #tpu.memory_space<vmem>>) target_semaphore(%arg7 : memref<!tpu.dma_semaphore, #tpu.memory_space<semaphore_mem>>)
    %dma_wait3A_253 = arith.constant 0 : i32
    %dma_wait3A_254 = tpu.memref_slice %arg2[%add3A_228, %dma_wait3A_253] : memref<32768x768xf32, #tpu.memory_space<hbm>> -> memref<64x768xf32, #tpu.memory_space<hbm>>
    %dma_wait3A_255 = arith.constant 0 : i32
    %dma_wait3A_256 = tpu.memref_slice %arg2[%add3A_228, %dma_wait3A_255] : memref<32768x768xf32, #tpu.memory_space<hbm>> -> memref<64x768xf32, #tpu.memory_space<hbm>>
    tpu.wait_dma2 semaphore(%arg6 : memref<!tpu.dma_semaphore, #tpu.memory_space<semaphore_mem>>) src(%dma_wait3A_256 : memref<64x768xf32, #tpu.memory_space<hbm>>) dst(%arg4 : memref<64x768xf32, #tpu.memory_space<vmem>>)
    %add3A_257 = arith.constant 768 : i32
    %add3A_258 = arith.addi %mul3A_2, %add3A_257 : i32
    %dma_start3A_259 = arith.constant 0 : i32
    %dma_start3A_260 = tpu.memref_slice %arg3[%add3A_258, %dma_start3A_259] : memref<32768x768xf32, #tpu.memory_space<hbm>> -> memref<64x768xf32, #tpu.memory_space<hbm>>
    %dma_start3A_261 = arith.constant 0 : i32
    %dma_start3A_262 = tpu.memref_slice %arg3[%add3A_258, %dma_start3A_261] : memref<32768x768xf32, #tpu.memory_space<hbm>> -> memref<64x768xf32, #tpu.memory_space<hbm>>
    tpu.enqueue_dma source(%arg4 : memref<64x768xf32, #tpu.memory_space<vmem>>) target(%dma_start3A_262 : memref<64x768xf32, #tpu.memory_space<hbm>>) target_semaphore(%arg8 : memref<!tpu.dma_semaphore, #tpu.memory_space<semaphore_mem>>)
    %dma_wait3A_263 = arith.constant 0 : i32
    %dma_wait3A_264 = tpu.memref_slice %arg3[%add3A_258, %dma_wait3A_263] : memref<32768x768xf32, #tpu.memory_space<hbm>> -> memref<64x768xf32, #tpu.memory_space<hbm>>
    %dma_wait3A_265 = arith.constant 0 : i32
    %dma_wait3A_266 = tpu.memref_slice %arg3[%add3A_258, %dma_wait3A_265] : memref<32768x768xf32, #tpu.memory_space<hbm>> -> memref<64x768xf32, #tpu.memory_space<hbm>>
    tpu.wait_dma2 semaphore(%arg8 : memref<!tpu.dma_semaphore, #tpu.memory_space<semaphore_mem>>) src(%arg4 : memref<64x768xf32, #tpu.memory_space<vmem>>) dst(%dma_wait3A_266 : memref<64x768xf32, #tpu.memory_space<hbm>>)
    %add3A_267 = arith.constant 896 : i32
    %add3A_268 = arith.addi %mul3A_2, %add3A_267 : i32
    %dma_start3A_269 = arith.constant 0 : i32
    %dma_start3A_270 = tpu.memref_slice %arg2[%add3A_268, %dma_start3A_269] : memref<32768x768xf32, #tpu.memory_space<hbm>> -> memref<64x768xf32, #tpu.memory_space<hbm>>
    %dma_start3A_271 = arith.constant 0 : i32
    %dma_start3A_272 = tpu.memref_slice %arg2[%add3A_268, %dma_start3A_271] : memref<32768x768xf32, #tpu.memory_space<hbm>> -> memref<64x768xf32, #tpu.memory_space<hbm>>
    tpu.enqueue_dma source(%dma_start3A_272 : memref<64x768xf32, #tpu.memory_space<hbm>>) target(%arg4 : memref<64x768xf32, #tpu.memory_space<vmem>>) target_semaphore(%arg6 : memref<!tpu.dma_semaphore, #tpu.memory_space<semaphore_mem>>)
    %dma_wait3A_273 = arith.constant 0 : i32
    %dma_wait3A_274 = tpu.memref_slice %arg2[%add3A_248, %dma_wait3A_273] : memref<32768x768xf32, #tpu.memory_space<hbm>> -> memref<64x768xf32, #tpu.memory_space<hbm>>
    %dma_wait3A_275 = arith.constant 0 : i32
    %dma_wait3A_276 = tpu.memref_slice %arg2[%add3A_248, %dma_wait3A_275] : memref<32768x768xf32, #tpu.memory_space<hbm>> -> memref<64x768xf32, #tpu.memory_space<hbm>>
    tpu.wait_dma2 semaphore(%arg7 : memref<!tpu.dma_semaphore, #tpu.memory_space<semaphore_mem>>) src(%dma_wait3A_276 : memref<64x768xf32, #tpu.memory_space<hbm>>) dst(%arg5 : memref<64x768xf32, #tpu.memory_space<vmem>>)
    %add3A_277 = arith.constant 832 : i32
    %add3A_278 = arith.addi %mul3A_2, %add3A_277 : i32
    %dma_start3A_279 = arith.constant 0 : i32
    %dma_start3A_280 = tpu.memref_slice %arg3[%add3A_278, %dma_start3A_279] : memref<32768x768xf32, #tpu.memory_space<hbm>> -> memref<64x768xf32, #tpu.memory_space<hbm>>
    %dma_start3A_281 = arith.constant 0 : i32
    %dma_start3A_282 = tpu.memref_slice %arg3[%add3A_278, %dma_start3A_281] : memref<32768x768xf32, #tpu.memory_space<hbm>> -> memref<64x768xf32, #tpu.memory_space<hbm>>
    tpu.enqueue_dma source(%arg5 : memref<64x768xf32, #tpu.memory_space<vmem>>) target(%dma_start3A_282 : memref<64x768xf32, #tpu.memory_space<hbm>>) target_semaphore(%arg9 : memref<!tpu.dma_semaphore, #tpu.memory_space<semaphore_mem>>)
    %dma_wait3A_283 = arith.constant 0 : i32
    %dma_wait3A_284 = tpu.memref_slice %arg3[%add3A_278, %dma_wait3A_283] : memref<32768x768xf32, #tpu.memory_space<hbm>> -> memref<64x768xf32, #tpu.memory_space<hbm>>
    %dma_wait3A_285 = arith.constant 0 : i32
    %dma_wait3A_286 = tpu.memref_slice %arg3[%add3A_278, %dma_wait3A_285] : memref<32768x768xf32, #tpu.memory_space<hbm>> -> memref<64x768xf32, #tpu.memory_space<hbm>>
    tpu.wait_dma2 semaphore(%arg9 : memref<!tpu.dma_semaphore, #tpu.memory_space<semaphore_mem>>) src(%arg5 : memref<64x768xf32, #tpu.memory_space<vmem>>) dst(%dma_wait3A_286 : memref<64x768xf32, #tpu.memory_space<hbm>>)
    %add3A_287 = arith.constant 960 : i32
    %add3A_288 = arith.addi %mul3A_2, %add3A_287 : i32
    %dma_start3A_289 = arith.constant 0 : i32
    %dma_start3A_290 = tpu.memref_slice %arg2[%add3A_288, %dma_start3A_289] : memref<32768x768xf32, #tpu.memory_space<hbm>> -> memref<64x768xf32, #tpu.memory_space<hbm>>
    %dma_start3A_291 = arith.constant 0 : i32
    %dma_start3A_292 = tpu.memref_slice %arg2[%add3A_288, %dma_start3A_291] : memref<32768x768xf32, #tpu.memory_space<hbm>> -> memref<64x768xf32, #tpu.memory_space<hbm>>
    tpu.enqueue_dma source(%dma_start3A_292 : memref<64x768xf32, #tpu.memory_space<hbm>>) target(%arg5 : memref<64x768xf32, #tpu.memory_space<vmem>>) target_semaphore(%arg7 : memref<!tpu.dma_semaphore, #tpu.memory_space<semaphore_mem>>)
    %dma_wait3A_293 = arith.constant 0 : i32
    %dma_wait3A_294 = tpu.memref_slice %arg2[%add3A_268, %dma_wait3A_293] : memref<32768x768xf32, #tpu.memory_space<hbm>> -> memref<64x768xf32, #tpu.memory_space<hbm>>
    %dma_wait3A_295 = arith.constant 0 : i32
    %dma_wait3A_296 = tpu.memref_slice %arg2[%add3A_268, %dma_wait3A_295] : memref<32768x768xf32, #tpu.memory_space<hbm>> -> memref<64x768xf32, #tpu.memory_space<hbm>>
    tpu.wait_dma2 semaphore(%arg6 : memref<!tpu.dma_semaphore, #tpu.memory_space<semaphore_mem>>) src(%dma_wait3A_296 : memref<64x768xf32, #tpu.memory_space<hbm>>) dst(%arg4 : memref<64x768xf32, #tpu.memory_space<vmem>>)
    %add3A_297 = arith.constant 896 : i32
    %add3A_298 = arith.addi %mul3A_2, %add3A_297 : i32
    %dma_start3A_299 = arith.constant 0 : i32
    %dma_start3A_300 = tpu.memref_slice %arg3[%add3A_298, %dma_start3A_299] : memref<32768x768xf32, #tpu.memory_space<hbm>> -> memref<64x768xf32, #tpu.memory_space<hbm>>
    %dma_start3A_301 = arith.constant 0 : i32
    %dma_start3A_302 = tpu.memref_slice %arg3[%add3A_298, %dma_start3A_301] : memref<32768x768xf32, #tpu.memory_space<hbm>> -> memref<64x768xf32, #tpu.memory_space<hbm>>
    tpu.enqueue_dma source(%arg4 : memref<64x768xf32, #tpu.memory_space<vmem>>) target(%dma_start3A_302 : memref<64x768xf32, #tpu.memory_space<hbm>>) target_semaphore(%arg8 : memref<!tpu.dma_semaphore, #tpu.memory_space<semaphore_mem>>)
    %dma_wait3A_303 = arith.constant 0 : i32
    %dma_wait3A_304 = tpu.memref_slice %arg2[%add3A_288, %dma_wait3A_303] : memref<32768x768xf32, #tpu.memory_space<hbm>> -> memref<64x768xf32, #tpu.memory_space<hbm>>
    %dma_wait3A_305 = arith.constant 0 : i32
    %dma_wait3A_306 = tpu.memref_slice %arg2[%add3A_288, %dma_wait3A_305] : memref<32768x768xf32, #tpu.memory_space<hbm>> -> memref<64x768xf32, #tpu.memory_space<hbm>>
    tpu.wait_dma2 semaphore(%arg7 : memref<!tpu.dma_semaphore, #tpu.memory_space<semaphore_mem>>) src(%dma_wait3A_306 : memref<64x768xf32, #tpu.memory_space<hbm>>) dst(%arg5 : memref<64x768xf32, #tpu.memory_space<vmem>>)
    %add3A_307 = arith.constant 960 : i32
    %add3A_308 = arith.addi %mul3A_2, %add3A_307 : i32
    %dma_start3A_309 = arith.constant 0 : i32
    %dma_start3A_310 = tpu.memref_slice %arg3[%add3A_308, %dma_start3A_309] : memref<32768x768xf32, #tpu.memory_space<hbm>> -> memref<64x768xf32, #tpu.memory_space<hbm>>
    %dma_start3A_311 = arith.constant 0 : i32
    %dma_start3A_312 = tpu.memref_slice %arg3[%add3A_308, %dma_start3A_311] : memref<32768x768xf32, #tpu.memory_space<hbm>> -> memref<64x768xf32, #tpu.memory_space<hbm>>
    tpu.enqueue_dma source(%arg5 : memref<64x768xf32, #tpu.memory_space<vmem>>) target(%dma_start3A_312 : memref<64x768xf32, #tpu.memory_space<hbm>>) target_semaphore(%arg9 : memref<!tpu.dma_semaphore, #tpu.memory_space<semaphore_mem>>)
    %dma_wait3A_313 = arith.constant 0 : i32
    %dma_wait3A_314 = tpu.memref_slice %arg3[%add3A_298, %dma_wait3A_313] : memref<32768x768xf32, #tpu.memory_space<hbm>> -> memref<64x768xf32, #tpu.memory_space<hbm>>
    %dma_wait3A_315 = arith.constant 0 : i32
    %dma_wait3A_316 = tpu.memref_slice %arg3[%add3A_298, %dma_wait3A_315] : memref<32768x768xf32, #tpu.memory_space<hbm>> -> memref<64x768xf32, #tpu.memory_space<hbm>>
    tpu.wait_dma2 semaphore(%arg8 : memref<!tpu.dma_semaphore, #tpu.memory_space<semaphore_mem>>) src(%arg4 : memref<64x768xf32, #tpu.memory_space<vmem>>) dst(%dma_wait3A_316 : memref<64x768xf32, #tpu.memory_space<hbm>>)
    %dma_wait3A_317 = arith.constant 0 : i32
    %dma_wait3A_318 = tpu.memref_slice %arg3[%add3A_308, %dma_wait3A_317] : memref<32768x768xf32, #tpu.memory_space<hbm>> -> memref<64x768xf32, #tpu.memory_space<hbm>>
    %dma_wait3A_319 = arith.constant 0 : i32
    %dma_wait3A_320 = tpu.memref_slice %arg3[%add3A_308, %dma_wait3A_319] : memref<32768x768xf32, #tpu.memory_space<hbm>> -> memref<64x768xf32, #tpu.memory_space<hbm>>
    tpu.wait_dma2 semaphore(%arg9 : memref<!tpu.dma_semaphore, #tpu.memory_space<semaphore_mem>>) src(%arg5 : memref<64x768xf32, #tpu.memory_space<vmem>>) dst(%dma_wait3A_320 : memref<64x768xf32, #tpu.memory_space<hbm>>)
    return
  }
}

#map = affine_map<(d0, d1) -> (0, 0)>
#map1 = affine_map<(d0, d1) -> (0)>
module attributes {stable_mosaic.version = 14 : i64} {
  func.func @mod_sc_scatter(%arg0: i32, %arg1: i32, %arg2: memref<4096x768xf32, #tpu.memory_space<hbm>>, %arg3: memref<4096xi32, #tpu.memory_space<hbm>>, %arg4: memref<32768x768xf32, #tpu.memory_space<hbm>>, %arg5: memref<32768x768xf32, #tpu.memory_space<hbm>>, %arg6: memref<128xi32, #tpu.memory_space<vmem>>, %arg7: memref<128x768xf32, #tpu.memory_space<vmem>>, %arg8: memref<!tpu.dma_semaphore, #tpu.memory_space<semaphore_mem>>) attributes {dimension_semantics = [#tpu.dimension_semantics<core_parallel>, #tpu.dimension_semantics<subcore_parallel>], iteration_bounds = array<i64: 2, 16>, scalar_prefetch = 0 : i64, scratch_operands = 3 : i64, tpu.core_type = #tpu.core_type<sc_vector_subcore>, window_params = [{transform_indices = #map}, {transform_indices = #map1}, {transform_indices = #map}, {transform_indices = #map}]} {
    %mul3A = arith.constant 2 : i32
    %mul3A_0 = arith.muli %arg1, %mul3A : i32
    %add3A = arith.addi %mul3A_0, %arg0 : i32
    %mul3A_1 = arith.constant 128 : i32
    %mul3A_2 = arith.muli %add3A, %mul3A_1 : i32
    "tpu.region"() ({
      %run_scoped3A = tpu.sem_alloc : memref<!tpu.dma_semaphore, #tpu.memory_space<semaphore_mem>>
      %dma_start3A_7 = tpu.memref_slice %arg3[%mul3A_2] : memref<4096xi32, #tpu.memory_space<hbm>> -> memref<128xi32, #tpu.memory_space<hbm>>
      %dma_start3A_8 = tpu.memref_slice %arg3[%mul3A_2] : memref<4096xi32, #tpu.memory_space<hbm>> -> memref<128xi32, #tpu.memory_space<hbm>>
      tpu.enqueue_dma source(%dma_start3A_8 : memref<128xi32, #tpu.memory_space<hbm>>) target(%arg6 : memref<128xi32, #tpu.memory_space<vmem>>) target_semaphore(%run_scoped3A : memref<!tpu.dma_semaphore, #tpu.memory_space<semaphore_mem>>)
      %dma_wait3A_9 = tpu.memref_slice %arg3[%mul3A_2] : memref<4096xi32, #tpu.memory_space<hbm>> -> memref<128xi32, #tpu.memory_space<hbm>>
      %dma_wait3A_10 = tpu.memref_slice %arg3[%mul3A_2] : memref<4096xi32, #tpu.memory_space<hbm>> -> memref<128xi32, #tpu.memory_space<hbm>>
      tpu.wait_dma2 semaphore(%run_scoped3A : memref<!tpu.dma_semaphore, #tpu.memory_space<semaphore_mem>>) src(%dma_wait3A_10 : memref<128xi32, #tpu.memory_space<hbm>>) dst(%arg6 : memref<128xi32, #tpu.memory_space<vmem>>)
      tpu.yield
    }) : () -> ()
    "tpu.region"() ({
      %run_scoped3A = tpu.sem_alloc : memref<!tpu.dma_semaphore, #tpu.memory_space<semaphore_mem>>
      %dma_start3A_7 = arith.constant 0 : i32
      %dma_start3A_8 = tpu.memref_slice %arg2[%mul3A_2, %dma_start3A_7] : memref<4096x768xf32, #tpu.memory_space<hbm>> -> memref<128x768xf32, #tpu.memory_space<hbm>>
      %dma_start3A_9 = arith.constant 0 : i32
      %dma_start3A_10 = tpu.memref_slice %arg2[%mul3A_2, %dma_start3A_9] : memref<4096x768xf32, #tpu.memory_space<hbm>> -> memref<128x768xf32, #tpu.memory_space<hbm>>
      tpu.enqueue_dma source(%dma_start3A_10 : memref<128x768xf32, #tpu.memory_space<hbm>>) target(%arg7 : memref<128x768xf32, #tpu.memory_space<vmem>>) target_semaphore(%run_scoped3A : memref<!tpu.dma_semaphore, #tpu.memory_space<semaphore_mem>>)
      %dma_wait3A_11 = arith.constant 0 : i32
      %dma_wait3A_12 = tpu.memref_slice %arg2[%mul3A_2, %dma_wait3A_11] : memref<4096x768xf32, #tpu.memory_space<hbm>> -> memref<128x768xf32, #tpu.memory_space<hbm>>
      %dma_wait3A_13 = arith.constant 0 : i32
      %dma_wait3A_14 = tpu.memref_slice %arg2[%mul3A_2, %dma_wait3A_13] : memref<4096x768xf32, #tpu.memory_space<hbm>> -> memref<128x768xf32, #tpu.memory_space<hbm>>
      tpu.wait_dma2 semaphore(%run_scoped3A : memref<!tpu.dma_semaphore, #tpu.memory_space<semaphore_mem>>) src(%dma_wait3A_14 : memref<128x768xf32, #tpu.memory_space<hbm>>) dst(%arg7 : memref<128x768xf32, #tpu.memory_space<vmem>>)
      tpu.yield
    }) : () -> ()
    %dma_start3A = arith.constant 0 : i32
    %dma_start3A_3 = arith.constant 0 : i32
    %dma_start3A_4 = tpu.memref_slice %arg5[%dma_start3A, %dma_start3A_3] : memref<32768x768xf32, #tpu.memory_space<hbm>> -> memref<32768x768xf32, #tpu.memory_space<hbm>>
    tpu.enqueue_indirect_dma source(%arg7 : memref<128x768xf32, #tpu.memory_space<vmem>>) target(%dma_start3A_4 : memref<32768x768xf32, #tpu.memory_space<hbm>>) offsets(%arg6 : memref<128xi32, #tpu.memory_space<vmem>>) semaphore(%arg8 : memref<!tpu.dma_semaphore, #tpu.memory_space<semaphore_mem>>)
    %dma_wait3A = arith.constant 0 : i32
    %dma_wait3A_5 = arith.constant 0 : i32
    %dma_wait3A_6 = tpu.memref_slice %arg5[%dma_wait3A, %dma_wait3A_5] : memref<32768x768xf32, #tpu.memory_space<hbm>> -> memref<32768x768xf32, #tpu.memory_space<hbm>>
    tpu.wait_indirect_dma semaphore(%arg8 : memref<!tpu.dma_semaphore, #tpu.memory_space<semaphore_mem>>) src(%arg7 : memref<128x768xf32, #tpu.memory_space<vmem>>) dst(%dma_wait3A_6 : memref<32768x768xf32, #tpu.memory_space<hbm>>)
    return
  }
}

module attributes {stable_mosaic.version = 14 : i64} {
  func.func @body(%arg0: i32, %arg1: memref<2048x768xf32, #tpu.memory_space<vmem>>, %arg2: memref<1x768xf32, #tpu.memory_space<vmem>>, %arg3: memref<2048x1xf32, #tpu.memory_space<vmem>>) attributes {dimension_semantics = [#tpu.dimension_semantics<arbitrary>], iteration_bounds = array<i64: 16>, scalar_prefetch = 0 : i64, scratch_operands = 0 : i64, tpu.core_type = #tpu.core_type<tc>, window_params = [{transform_indices = @transform_0, window_bounds = array<i64: 2048, 768>}, {pipeline_mode = #tpu.pipeline_mode<synchronous>, transform_indices = @transform_1, window_bounds = array<i64: 1, 768>}, {transform_indices = @transform_2, window_bounds = array<i64: 2048, 1>}]} {
    %get3A = arith.constant 0 : index
    %get3A_0 = arith.constant 0 : index
    %get3A_1 = vector.load %arg1[%get3A, %get3A_0] : memref<2048x768xf32, #tpu.memory_space<vmem>>, vector<2048x768xf32>
    %convert_element_type3A = arith.truncf %get3A_1 : vector<2048x768xf32> to vector<2048x768xbf16>
    %convert_element_type3A_2 = arith.extf %convert_element_type3A : vector<2048x768xbf16> to vector<2048x768xf32>
    %get3A_3 = arith.constant 0 : index
    %get3A_4 = arith.constant 0 : index
    %get3A_5 = vector.load %arg2[%get3A_3, %get3A_4] : memref<1x768xf32, #tpu.memory_space<vmem>>, vector<1x768xf32>
    %convert_element_type3A_6 = arith.truncf %get3A_5 : vector<1x768xf32> to vector<1x768xbf16>
    %convert_element_type3A_7 = arith.extf %convert_element_type3A_6 : vector<1x768xbf16> to vector<1x768xf32>
    %mul3A = vector.broadcast %convert_element_type3A_7 : vector<1x768xf32> to vector<2048x768xf32>
    %mul3A_8 = arith.mulf %convert_element_type3A_2, %mul3A : vector<2048x768xf32>
    %reduce_sum3A = arith.constant dense<0.000000e+00> : vector<2048xf32>
    %reduce_sum3A_9 = vector.multi_reduction <add>, %mul3A_8, %reduce_sum3A [1] : vector<2048x768xf32> to vector<2048xf32>
    %broadcast_in_dim3A = vector.shape_cast %reduce_sum3A_9 : vector<2048xf32> to vector<2048x1xf32>
    %swap3A = arith.constant 0 : index
    %swap3A_10 = arith.constant 0 : index
    %swap3A_11 = vector.load %arg3[%swap3A, %swap3A_10] : memref<2048x1xf32, #tpu.memory_space<vmem>>, vector<2048x1xf32>
    tpu.vector_store %arg3[%swap3A, %swap3A_10], %broadcast_in_dim3A {strides = array<i32>} : memref<2048x1xf32, #tpu.memory_space<vmem>>, vector<2048x1xf32>,
    return
  }
  func.func @transform_0(%arg0: i32) -> (i32, i32) {
    %c0_i32 = arith.constant 0 : i32
    %c0_i32_0 = arith.constant 0 : i32
    return %arg0, %c0_i32 : i32, i32
  }
  func.func @transform_1(%arg0: i32) -> (i32, i32) {
    %c0_i32 = arith.constant 0 : i32
    %c0_i32_0 = arith.constant 0 : i32
    %c0_i32_1 = arith.constant 0 : i32
    return %c0_i32, %c0_i32_0 : i32, i32
  }
  func.func @transform_2(%arg0: i32) -> (i32, i32) {
    %c0_i32 = arith.constant 0 : i32
    %c0_i32_0 = arith.constant 0 : i32
    return %arg0, %c0_i32 : i32, i32
  }
}

module attributes {stable_mosaic.version = 14 : i64} {
  func.func @body(%arg0: i32, %arg1: memref<1024x768xf32, #tpu.memory_space<vmem>>, %arg2: memref<768x2304xbf16, #tpu.memory_space<vmem>>, %arg3: memref<1x2304xf32, #tpu.memory_space<vmem>>, %arg4: memref<1x768xf32, #tpu.memory_space<vmem>>, %arg5: memref<1x768xf32, #tpu.memory_space<vmem>>, %arg6: memref<1x6x1024x128xbf16, #tpu.memory_space<vmem>>, %arg7: memref<1x6x1024x128xbf16, #tpu.memory_space<vmem>>, %arg8: memref<1x6x1024x128xbf16, #tpu.memory_space<vmem>>) attributes {dimension_semantics = [#tpu.dimension_semantics<arbitrary>], iteration_bounds = array<i64: 4>, scalar_prefetch = 0 : i64, scratch_operands = 0 : i64, tpu.core_type = #tpu.core_type<tc>, window_params = [{transform_indices = @transform_0, window_bounds = array<i64: 1024, 768>}, {pipeline_mode = #tpu.pipeline_mode<synchronous>, transform_indices = @transform_1, window_bounds = array<i64: 768, 2304>}, {pipeline_mode = #tpu.pipeline_mode<synchronous>, transform_indices = @transform_2, window_bounds = array<i64: 1, 2304>}, {pipeline_mode = #tpu.pipeline_mode<synchronous>, transform_indices = @transform_3, window_bounds = array<i64: 1, 768>}, {pipeline_mode = #tpu.pipeline_mode<synchronous>, transform_indices = @transform_4, window_bounds = array<i64: 1, 768>}, {transform_indices = @transform_5, window_bounds = array<i64: 1, 6, 1024, 128>}, {transform_indices = @transform_6, window_bounds = array<i64: 1, 6, 1024, 128>}, {transform_indices = @transform_7, window_bounds = array<i64: 1, 6, 1024, 128>}]} {
    %get3A = arith.constant 0 : index
    %get3A_0 = arith.constant 0 : index
    %get3A_1 = vector.load %arg1[%get3A, %get3A_0] : memref<1024x768xf32, #tpu.memory_space<vmem>>, vector<1024x768xf32>
    %reduce_sum3A = arith.constant dense<0.000000e+00> : vector<1024xf32>
    %reduce_sum3A_2 = vector.multi_reduction <add>, %get3A_1, %reduce_sum3A [1] : vector<1024x768xf32> to vector<1024xf32>
    %broadcast_in_dim3A = vector.shape_cast %reduce_sum3A_2 : vector<1024xf32> to vector<1024x1xf32>
    %div3A = arith.constant 7.680000e+02 : f32
    %div3A_3 = vector.broadcast %div3A : f32 to vector<1024x1xf32>
    %div3A_4 = arith.divf %broadcast_in_dim3A, %div3A_3 : vector<1024x1xf32>
    %sub3A = vector.broadcast %div3A_4 : vector<1024x1xf32> to vector<1024x768xf32>
    %sub3A_5 = arith.subf %get3A_1, %sub3A : vector<1024x768xf32>
    %integer_pow3A = arith.mulf %sub3A_5, %sub3A_5 : vector<1024x768xf32>
    %reduce_sum3A_6 = arith.constant dense<0.000000e+00> : vector<1024xf32>
    %reduce_sum3A_7 = vector.multi_reduction <add>, %integer_pow3A, %reduce_sum3A_6 [1] : vector<1024x768xf32> to vector<1024xf32>
    %broadcast_in_dim3A_8 = vector.shape_cast %reduce_sum3A_7 : vector<1024xf32> to vector<1024x1xf32>
    %div3A_9 = arith.constant 7.680000e+02 : f32
    %div3A_10 = vector.broadcast %div3A_9 : f32 to vector<1024x1xf32>
    %div3A_11 = arith.divf %broadcast_in_dim3A_8, %div3A_10 : vector<1024x1xf32>
    %sub3A_12 = vector.broadcast %div3A_4 : vector<1024x1xf32> to vector<1024x768xf32>
    %sub3A_13 = arith.subf %get3A_1, %sub3A_12 : vector<1024x768xf32>
    %add3A = arith.constant 9.99999974E-6 : f32
    %add3A_14 = vector.broadcast %add3A : f32 to vector<1024x1xf32>
    %add3A_15 = arith.addf %div3A_11, %add3A_14 : vector<1024x1xf32>
    %rsqrt3A = math.rsqrt %add3A_15 : vector<1024x1xf32>
    %mul3A = vector.broadcast %rsqrt3A : vector<1024x1xf32> to vector<1024x768xf32>
    %mul3A_16 = arith.mulf %sub3A_13, %mul3A : vector<1024x768xf32>
    %get3A_17 = arith.constant 0 : index
    %get3A_18 = arith.constant 0 : index
    %get3A_19 = vector.load %arg4[%get3A_17, %get3A_18] : memref<1x768xf32, #tpu.memory_space<vmem>>, vector<1x768xf32>
    %mul3A_20 = vector.broadcast %get3A_19 : vector<1x768xf32> to vector<1024x768xf32>
    %mul3A_21 = arith.mulf %mul3A_16, %mul3A_20 : vector<1024x768xf32>
    %get3A_22 = arith.constant 0 : index
    %get3A_23 = arith.constant 0 : index
    %get3A_24 = vector.load %arg5[%get3A_22, %get3A_23] : memref<1x768xf32, #tpu.memory_space<vmem>>, vector<1x768xf32>
    %add3A_25 = vector.broadcast %get3A_24 : vector<1x768xf32> to vector<1024x768xf32>
    %add3A_26 = arith.addf %mul3A_21, %add3A_25 : vector<1024x768xf32>
    %convert_element_type3A = arith.truncf %add3A_26 : vector<1024x768xf32> to vector<1024x768xbf16>
    %get3A_27 = arith.constant 0 : index
    %get3A_28 = arith.constant 0 : index
    %get3A_29 = vector.load %arg2[%get3A_27, %get3A_28] : memref<768x2304xbf16, #tpu.memory_space<vmem>>, vector<768x2304xbf16>
    %dot_general3A = arith.constant dense<0.000000e+00> : vector<1024x2304xf32>
    %dot_general3A_30 = tpu.matmul %convert_element_type3A, %get3A_29, %dot_general3A {dimension_numbers = #tpu.dot_dimension_numbers<[1], [0], [0], [1], [0, 0, 1, 1], [], []>, transpose_lhs_hint = false} : vector<1024x768xbf16>, vector<768x2304xbf16>, vector<1024x2304xf32> -> vector<1024x2304xf32>
    %get3A_31 = arith.constant 0 : index
    %get3A_32 = arith.constant 0 : index
    %get3A_33 = vector.load %arg3[%get3A_31, %get3A_32] : memref<1x2304xf32, #tpu.memory_space<vmem>>, vector<1x2304xf32>
    %add3A_34 = vector.broadcast %get3A_33 : vector<1x2304xf32> to vector<1024x2304xf32>
    %add3A_35 = arith.addf %dot_general3A_30, %add3A_34 : vector<1024x2304xf32>
    %convert_element_type3A_36 = arith.truncf %add3A_35 : vector<1024x2304xf32> to vector<1024x2304xbf16>
    %slice3A = vector.extract_strided_slice %convert_element_type3A_36 {offsets = [0, 0], sizes = [1024, 128], strides = [1, 1]} : vector<1024x2304xbf16> to vector<1024x128xbf16>
    %swap3A = arith.constant 0 : index
    %swap3A_37 = arith.constant 0 : index
    %swap3A_38 = arith.constant 0 : index
    %swap3A_39 = arith.constant 0 : index
    %swap3A_40 = vector.load %arg6[%swap3A, %swap3A_37, %swap3A_38, %swap3A_39] : memref<1x6x1024x128xbf16, #tpu.memory_space<vmem>>, vector<1x1x1024x128xbf16>
    %swap3A_41 = vector.shape_cast %swap3A_40 : vector<1x1x1024x128xbf16> to vector<1024x128xbf16>
    %swap3A_42 = vector.shape_cast %slice3A : vector<1024x128xbf16> to vector<1x1x1024x128xbf16>
    tpu.vector_store %arg6[%swap3A, %swap3A_37, %swap3A_38, %swap3A_39], %swap3A_42 {strides = array<i32>} : memref<1x6x1024x128xbf16, #tpu.memory_space<vmem>>, vector<1x1x1024x128xbf16>,
    %slice3A_43 = vector.extract_strided_slice %convert_element_type3A_36 {offsets = [0, 768], sizes = [1024, 128], strides = [1, 1]} : vector<1024x2304xbf16> to vector<1024x128xbf16>
    %swap3A_44 = arith.constant 0 : index
    %swap3A_45 = arith.constant 0 : index
    %swap3A_46 = arith.constant 0 : index
    %swap3A_47 = arith.constant 0 : index
    %swap3A_48 = vector.load %arg7[%swap3A_44, %swap3A_45, %swap3A_46, %swap3A_47] : memref<1x6x1024x128xbf16, #tpu.memory_space<vmem>>, vector<1x1x1024x128xbf16>
    %swap3A_49 = vector.shape_cast %swap3A_48 : vector<1x1x1024x128xbf16> to vector<1024x128xbf16>
    %swap3A_50 = vector.shape_cast %slice3A_43 : vector<1024x128xbf16> to vector<1x1x1024x128xbf16>
    tpu.vector_store %arg7[%swap3A_44, %swap3A_45, %swap3A_46, %swap3A_47], %swap3A_50 {strides = array<i32>} : memref<1x6x1024x128xbf16, #tpu.memory_space<vmem>>, vector<1x1x1024x128xbf16>,
    %slice3A_51 = vector.extract_strided_slice %convert_element_type3A_36 {offsets = [0, 1536], sizes = [1024, 128], strides = [1, 1]} : vector<1024x2304xbf16> to vector<1024x128xbf16>
    %swap3A_52 = arith.constant 0 : index
    %swap3A_53 = arith.constant 0 : index
    %swap3A_54 = arith.constant 0 : index
    %swap3A_55 = arith.constant 0 : index
    %swap3A_56 = vector.load %arg8[%swap3A_52, %swap3A_53, %swap3A_54, %swap3A_55] : memref<1x6x1024x128xbf16, #tpu.memory_space<vmem>>, vector<1x1x1024x128xbf16>
    %swap3A_57 = vector.shape_cast %swap3A_56 : vector<1x1x1024x128xbf16> to vector<1024x128xbf16>
    %swap3A_58 = vector.shape_cast %slice3A_51 : vector<1024x128xbf16> to vector<1x1x1024x128xbf16>
    tpu.vector_store %arg8[%swap3A_52, %swap3A_53, %swap3A_54, %swap3A_55], %swap3A_58 {strides = array<i32>} : memref<1x6x1024x128xbf16, #tpu.memory_space<vmem>>, vector<1x1x1024x128xbf16>,
    %slice3A_59 = vector.extract_strided_slice %convert_element_type3A_36 {offsets = [0, 128], sizes = [1024, 128], strides = [1, 1]} : vector<1024x2304xbf16> to vector<1024x128xbf16>
    %swap3A_60 = arith.constant 0 : index
    %swap3A_61 = arith.constant 1 : index
    %swap3A_62 = arith.constant 0 : index
    %swap3A_63 = arith.constant 0 : index
    %swap3A_64 = vector.load %arg6[%swap3A_60, %swap3A_61, %swap3A_62, %swap3A_63] : memref<1x6x1024x128xbf16, #tpu.memory_space<vmem>>, vector<1x1x1024x128xbf16>
    %swap3A_65 = vector.shape_cast %swap3A_64 : vector<1x1x1024x128xbf16> to vector<1024x128xbf16>
    %swap3A_66 = vector.shape_cast %slice3A_59 : vector<1024x128xbf16> to vector<1x1x1024x128xbf16>
    tpu.vector_store %arg6[%swap3A_60, %swap3A_61, %swap3A_62, %swap3A_63], %swap3A_66 {strides = array<i32>} : memref<1x6x1024x128xbf16, #tpu.memory_space<vmem>>, vector<1x1x1024x128xbf16>,
    %slice3A_67 = vector.extract_strided_slice %convert_element_type3A_36 {offsets = [0, 896], sizes = [1024, 128], strides = [1, 1]} : vector<1024x2304xbf16> to vector<1024x128xbf16>
    %swap3A_68 = arith.constant 0 : index
    %swap3A_69 = arith.constant 1 : index
    %swap3A_70 = arith.constant 0 : index
    %swap3A_71 = arith.constant 0 : index
    %swap3A_72 = vector.load %arg7[%swap3A_68, %swap3A_69, %swap3A_70, %swap3A_71] : memref<1x6x1024x128xbf16, #tpu.memory_space<vmem>>, vector<1x1x1024x128xbf16>
    %swap3A_73 = vector.shape_cast %swap3A_72 : vector<1x1x1024x128xbf16> to vector<1024x128xbf16>
    %swap3A_74 = vector.shape_cast %slice3A_67 : vector<1024x128xbf16> to vector<1x1x1024x128xbf16>
    tpu.vector_store %arg7[%swap3A_68, %swap3A_69, %swap3A_70, %swap3A_71], %swap3A_74 {strides = array<i32>} : memref<1x6x1024x128xbf16, #tpu.memory_space<vmem>>, vector<1x1x1024x128xbf16>,
    %slice3A_75 = vector.extract_strided_slice %convert_element_type3A_36 {offsets = [0, 1664], sizes = [1024, 128], strides = [1, 1]} : vector<1024x2304xbf16> to vector<1024x128xbf16>
    %swap3A_76 = arith.constant 0 : index
    %swap3A_77 = arith.constant 1 : index
    %swap3A_78 = arith.constant 0 : index
    %swap3A_79 = arith.constant 0 : index
    %swap3A_80 = vector.load %arg8[%swap3A_76, %swap3A_77, %swap3A_78, %swap3A_79] : memref<1x6x1024x128xbf16, #tpu.memory_space<vmem>>, vector<1x1x1024x128xbf16>
    %swap3A_81 = vector.shape_cast %swap3A_80 : vector<1x1x1024x128xbf16> to vector<1024x128xbf16>
    %swap3A_82 = vector.shape_cast %slice3A_75 : vector<1024x128xbf16> to vector<1x1x1024x128xbf16>
    tpu.vector_store %arg8[%swap3A_76, %swap3A_77, %swap3A_78, %swap3A_79], %swap3A_82 {strides = array<i32>} : memref<1x6x1024x128xbf16, #tpu.memory_space<vmem>>, vector<1x1x1024x128xbf16>,
    %slice3A_83 = vector.extract_strided_slice %convert_element_type3A_36 {offsets = [0, 256], sizes = [1024, 128], strides = [1, 1]} : vector<1024x2304xbf16> to vector<1024x128xbf16>
    %swap3A_84 = arith.constant 0 : index
    %swap3A_85 = arith.constant 2 : index
    %swap3A_86 = arith.constant 0 : index
    %swap3A_87 = arith.constant 0 : index
    %swap3A_88 = vector.load %arg6[%swap3A_84, %swap3A_85, %swap3A_86, %swap3A_87] : memref<1x6x1024x128xbf16, #tpu.memory_space<vmem>>, vector<1x1x1024x128xbf16>
    %swap3A_89 = vector.shape_cast %swap3A_88 : vector<1x1x1024x128xbf16> to vector<1024x128xbf16>
    %swap3A_90 = vector.shape_cast %slice3A_83 : vector<1024x128xbf16> to vector<1x1x1024x128xbf16>
    tpu.vector_store %arg6[%swap3A_84, %swap3A_85, %swap3A_86, %swap3A_87], %swap3A_90 {strides = array<i32>} : memref<1x6x1024x128xbf16, #tpu.memory_space<vmem>>, vector<1x1x1024x128xbf16>,
    %slice3A_91 = vector.extract_strided_slice %convert_element_type3A_36 {offsets = [0, 1024], sizes = [1024, 128], strides = [1, 1]} : vector<1024x2304xbf16> to vector<1024x128xbf16>
    %swap3A_92 = arith.constant 0 : index
    %swap3A_93 = arith.constant 2 : index
    %swap3A_94 = arith.constant 0 : index
    %swap3A_95 = arith.constant 0 : index
    %swap3A_96 = vector.load %arg7[%swap3A_92, %swap3A_93, %swap3A_94, %swap3A_95] : memref<1x6x1024x128xbf16, #tpu.memory_space<vmem>>, vector<1x1x1024x128xbf16>
    %swap3A_97 = vector.shape_cast %swap3A_96 : vector<1x1x1024x128xbf16> to vector<1024x128xbf16>
    %swap3A_98 = vector.shape_cast %slice3A_91 : vector<1024x128xbf16> to vector<1x1x1024x128xbf16>
    tpu.vector_store %arg7[%swap3A_92, %swap3A_93, %swap3A_94, %swap3A_95], %swap3A_98 {strides = array<i32>} : memref<1x6x1024x128xbf16, #tpu.memory_space<vmem>>, vector<1x1x1024x128xbf16>,
    %slice3A_99 = vector.extract_strided_slice %convert_element_type3A_36 {offsets = [0, 1792], sizes = [1024, 128], strides = [1, 1]} : vector<1024x2304xbf16> to vector<1024x128xbf16>
    %swap3A_100 = arith.constant 0 : index
    %swap3A_101 = arith.constant 2 : index
    %swap3A_102 = arith.constant 0 : index
    %swap3A_103 = arith.constant 0 : index
    %swap3A_104 = vector.load %arg8[%swap3A_100, %swap3A_101, %swap3A_102, %swap3A_103] : memref<1x6x1024x128xbf16, #tpu.memory_space<vmem>>, vector<1x1x1024x128xbf16>
    %swap3A_105 = vector.shape_cast %swap3A_104 : vector<1x1x1024x128xbf16> to vector<1024x128xbf16>
    %swap3A_106 = vector.shape_cast %slice3A_99 : vector<1024x128xbf16> to vector<1x1x1024x128xbf16>
    tpu.vector_store %arg8[%swap3A_100, %swap3A_101, %swap3A_102, %swap3A_103], %swap3A_106 {strides = array<i32>} : memref<1x6x1024x128xbf16, #tpu.memory_space<vmem>>, vector<1x1x1024x128xbf16>,
    %slice3A_107 = vector.extract_strided_slice %convert_element_type3A_36 {offsets = [0, 384], sizes = [1024, 128], strides = [1, 1]} : vector<1024x2304xbf16> to vector<1024x128xbf16>
    %swap3A_108 = arith.constant 0 : index
    %swap3A_109 = arith.constant 3 : index
    %swap3A_110 = arith.constant 0 : index
    %swap3A_111 = arith.constant 0 : index
    %swap3A_112 = vector.load %arg6[%swap3A_108, %swap3A_109, %swap3A_110, %swap3A_111] : memref<1x6x1024x128xbf16, #tpu.memory_space<vmem>>, vector<1x1x1024x128xbf16>
    %swap3A_113 = vector.shape_cast %swap3A_112 : vector<1x1x1024x128xbf16> to vector<1024x128xbf16>
    %swap3A_114 = vector.shape_cast %slice3A_107 : vector<1024x128xbf16> to vector<1x1x1024x128xbf16>
    tpu.vector_store %arg6[%swap3A_108, %swap3A_109, %swap3A_110, %swap3A_111], %swap3A_114 {strides = array<i32>} : memref<1x6x1024x128xbf16, #tpu.memory_space<vmem>>, vector<1x1x1024x128xbf16>,
    %slice3A_115 = vector.extract_strided_slice %convert_element_type3A_36 {offsets = [0, 1152], sizes = [1024, 128], strides = [1, 1]} : vector<1024x2304xbf16> to vector<1024x128xbf16>
    %swap3A_116 = arith.constant 0 : index
    %swap3A_117 = arith.constant 3 : index
    %swap3A_118 = arith.constant 0 : index
    %swap3A_119 = arith.constant 0 : index
    %swap3A_120 = vector.load %arg7[%swap3A_116, %swap3A_117, %swap3A_118, %swap3A_119] : memref<1x6x1024x128xbf16, #tpu.memory_space<vmem>>, vector<1x1x1024x128xbf16>
    %swap3A_121 = vector.shape_cast %swap3A_120 : vector<1x1x1024x128xbf16> to vector<1024x128xbf16>
    %swap3A_122 = vector.shape_cast %slice3A_115 : vector<1024x128xbf16> to vector<1x1x1024x128xbf16>
    tpu.vector_store %arg7[%swap3A_116, %swap3A_117, %swap3A_118, %swap3A_119], %swap3A_122 {strides = array<i32>} : memref<1x6x1024x128xbf16, #tpu.memory_space<vmem>>, vector<1x1x1024x128xbf16>,
    %slice3A_123 = vector.extract_strided_slice %convert_element_type3A_36 {offsets = [0, 1920], sizes = [1024, 128], strides = [1, 1]} : vector<1024x2304xbf16> to vector<1024x128xbf16>
    %swap3A_124 = arith.constant 0 : index
    %swap3A_125 = arith.constant 3 : index
    %swap3A_126 = arith.constant 0 : index
    %swap3A_127 = arith.constant 0 : index
    %swap3A_128 = vector.load %arg8[%swap3A_124, %swap3A_125, %swap3A_126, %swap3A_127] : memref<1x6x1024x128xbf16, #tpu.memory_space<vmem>>, vector<1x1x1024x128xbf16>
    %swap3A_129 = vector.shape_cast %swap3A_128 : vector<1x1x1024x128xbf16> to vector<1024x128xbf16>
    %swap3A_130 = vector.shape_cast %slice3A_123 : vector<1024x128xbf16> to vector<1x1x1024x128xbf16>
    tpu.vector_store %arg8[%swap3A_124, %swap3A_125, %swap3A_126, %swap3A_127], %swap3A_130 {strides = array<i32>} : memref<1x6x1024x128xbf16, #tpu.memory_space<vmem>>, vector<1x1x1024x128xbf16>,
    %slice3A_131 = vector.extract_strided_slice %convert_element_type3A_36 {offsets = [0, 512], sizes = [1024, 128], strides = [1, 1]} : vector<1024x2304xbf16> to vector<1024x128xbf16>
    %swap3A_132 = arith.constant 0 : index
    %swap3A_133 = arith.constant 4 : index
    %swap3A_134 = arith.constant 0 : index
    %swap3A_135 = arith.constant 0 : index
    %swap3A_136 = vector.load %arg6[%swap3A_132, %swap3A_133, %swap3A_134, %swap3A_135] : memref<1x6x1024x128xbf16, #tpu.memory_space<vmem>>, vector<1x1x1024x128xbf16>
    %swap3A_137 = vector.shape_cast %swap3A_136 : vector<1x1x1024x128xbf16> to vector<1024x128xbf16>
    %swap3A_138 = vector.shape_cast %slice3A_131 : vector<1024x128xbf16> to vector<1x1x1024x128xbf16>
    tpu.vector_store %arg6[%swap3A_132, %swap3A_133, %swap3A_134, %swap3A_135], %swap3A_138 {strides = array<i32>} : memref<1x6x1024x128xbf16, #tpu.memory_space<vmem>>, vector<1x1x1024x128xbf16>,
    %slice3A_139 = vector.extract_strided_slice %convert_element_type3A_36 {offsets = [0, 1280], sizes = [1024, 128], strides = [1, 1]} : vector<1024x2304xbf16> to vector<1024x128xbf16>
    %swap3A_140 = arith.constant 0 : index
    %swap3A_141 = arith.constant 4 : index
    %swap3A_142 = arith.constant 0 : index
    %swap3A_143 = arith.constant 0 : index
    %swap3A_144 = vector.load %arg7[%swap3A_140, %swap3A_141, %swap3A_142, %swap3A_143] : memref<1x6x1024x128xbf16, #tpu.memory_space<vmem>>, vector<1x1x1024x128xbf16>
    %swap3A_145 = vector.shape_cast %swap3A_144 : vector<1x1x1024x128xbf16> to vector<1024x128xbf16>
    %swap3A_146 = vector.shape_cast %slice3A_139 : vector<1024x128xbf16> to vector<1x1x1024x128xbf16>
    tpu.vector_store %arg7[%swap3A_140, %swap3A_141, %swap3A_142, %swap3A_143], %swap3A_146 {strides = array<i32>} : memref<1x6x1024x128xbf16, #tpu.memory_space<vmem>>, vector<1x1x1024x128xbf16>,
    %slice3A_147 = vector.extract_strided_slice %convert_element_type3A_36 {offsets = [0, 2048], sizes = [1024, 128], strides = [1, 1]} : vector<1024x2304xbf16> to vector<1024x128xbf16>
    %swap3A_148 = arith.constant 0 : index
    %swap3A_149 = arith.constant 4 : index
    %swap3A_150 = arith.constant 0 : index
    %swap3A_151 = arith.constant 0 : index
    %swap3A_152 = vector.load %arg8[%swap3A_148, %swap3A_149, %swap3A_150, %swap3A_151] : memref<1x6x1024x128xbf16, #tpu.memory_space<vmem>>, vector<1x1x1024x128xbf16>
    %swap3A_153 = vector.shape_cast %swap3A_152 : vector<1x1x1024x128xbf16> to vector<1024x128xbf16>
    %swap3A_154 = vector.shape_cast %slice3A_147 : vector<1024x128xbf16> to vector<1x1x1024x128xbf16>
    tpu.vector_store %arg8[%swap3A_148, %swap3A_149, %swap3A_150, %swap3A_151], %swap3A_154 {strides = array<i32>} : memref<1x6x1024x128xbf16, #tpu.memory_space<vmem>>, vector<1x1x1024x128xbf16>,
    %slice3A_155 = vector.extract_strided_slice %convert_element_type3A_36 {offsets = [0, 640], sizes = [1024, 128], strides = [1, 1]} : vector<1024x2304xbf16> to vector<1024x128xbf16>
    %swap3A_156 = arith.constant 0 : index
    %swap3A_157 = arith.constant 5 : index
    %swap3A_158 = arith.constant 0 : index
    %swap3A_159 = arith.constant 0 : index
    %swap3A_160 = vector.load %arg6[%swap3A_156, %swap3A_157, %swap3A_158, %swap3A_159] : memref<1x6x1024x128xbf16, #tpu.memory_space<vmem>>, vector<1x1x1024x128xbf16>
    %swap3A_161 = vector.shape_cast %swap3A_160 : vector<1x1x1024x128xbf16> to vector<1024x128xbf16>
    %swap3A_162 = vector.shape_cast %slice3A_155 : vector<1024x128xbf16> to vector<1x1x1024x128xbf16>
    tpu.vector_store %arg6[%swap3A_156, %swap3A_157, %swap3A_158, %swap3A_159], %swap3A_162 {strides = array<i32>} : memref<1x6x1024x128xbf16, #tpu.memory_space<vmem>>, vector<1x1x1024x128xbf16>,
    %slice3A_163 = vector.extract_strided_slice %convert_element_type3A_36 {offsets = [0, 1408], sizes = [1024, 128], strides = [1, 1]} : vector<1024x2304xbf16> to vector<1024x128xbf16>
    %swap3A_164 = arith.constant 0 : index
    %swap3A_165 = arith.constant 5 : index
    %swap3A_166 = arith.constant 0 : index
    %swap3A_167 = arith.constant 0 : index
    %swap3A_168 = vector.load %arg7[%swap3A_164, %swap3A_165, %swap3A_166, %swap3A_167] : memref<1x6x1024x128xbf16, #tpu.memory_space<vmem>>, vector<1x1x1024x128xbf16>
    %swap3A_169 = vector.shape_cast %swap3A_168 : vector<1x1x1024x128xbf16> to vector<1024x128xbf16>
    %swap3A_170 = vector.shape_cast %slice3A_163 : vector<1024x128xbf16> to vector<1x1x1024x128xbf16>
    tpu.vector_store %arg7[%swap3A_164, %swap3A_165, %swap3A_166, %swap3A_167], %swap3A_170 {strides = array<i32>} : memref<1x6x1024x128xbf16, #tpu.memory_space<vmem>>, vector<1x1x1024x128xbf16>,
    %slice3A_171 = vector.extract_strided_slice %convert_element_type3A_36 {offsets = [0, 2176], sizes = [1024, 128], strides = [1, 1]} : vector<1024x2304xbf16> to vector<1024x128xbf16>
    %swap3A_172 = arith.constant 0 : index
    %swap3A_173 = arith.constant 5 : index
    %swap3A_174 = arith.constant 0 : index
    %swap3A_175 = arith.constant 0 : index
    %swap3A_176 = vector.load %arg8[%swap3A_172, %swap3A_173, %swap3A_174, %swap3A_175] : memref<1x6x1024x128xbf16, #tpu.memory_space<vmem>>, vector<1x1x1024x128xbf16>
    %swap3A_177 = vector.shape_cast %swap3A_176 : vector<1x1x1024x128xbf16> to vector<1024x128xbf16>
    %swap3A_178 = vector.shape_cast %slice3A_171 : vector<1024x128xbf16> to vector<1x1x1024x128xbf16>
    tpu.vector_store %arg8[%swap3A_172, %swap3A_173, %swap3A_174, %swap3A_175], %swap3A_178 {strides = array<i32>} : memref<1x6x1024x128xbf16, #tpu.memory_space<vmem>>, vector<1x1x1024x128xbf16>,
    return
  }
  func.func @transform_0(%arg0: i32) -> (i32, i32) {
    %c0_i32 = arith.constant 0 : i32
    %c0_i32_0 = arith.constant 0 : i32
    return %arg0, %c0_i32 : i32, i32
  }
  func.func @transform_1(%arg0: i32) -> (i32, i32) {
    %c0_i32 = arith.constant 0 : i32
    %c0_i32_0 = arith.constant 0 : i32
    %c0_i32_1 = arith.constant 0 : i32
    return %c0_i32, %c0_i32_0 : i32, i32
  }
  func.func @transform_2(%arg0: i32) -> (i32, i32) {
    %c0_i32 = arith.constant 0 : i32
    %c0_i32_0 = arith.constant 0 : i32
    %c0_i32_1 = arith.constant 0 : i32
    return %c0_i32, %c0_i32_0 : i32, i32
  }
  func.func @transform_3(%arg0: i32) -> (i32, i32) {
    %c0_i32 = arith.constant 0 : i32
    %c0_i32_0 = arith.constant 0 : i32
    %c0_i32_1 = arith.constant 0 : i32
    return %c0_i32, %c0_i32_0 : i32, i32
  }
  func.func @transform_4(%arg0: i32) -> (i32, i32) {
    %c0_i32 = arith.constant 0 : i32
    %c0_i32_0 = arith.constant 0 : i32
    %c0_i32_1 = arith.constant 0 : i32
    return %c0_i32, %c0_i32_0 : i32, i32
  }
  func.func @transform_5(%arg0: i32) -> (i32, i32, i32, i32) {
    %c0_i32 = arith.constant 0 : i32
    %c0_i32_0 = arith.constant 0 : i32
    %c0_i32_1 = arith.constant 0 : i32
    %c0_i32_2 = arith.constant 0 : i32
    return %arg0, %c0_i32, %c0_i32_0, %c0_i32_1 : i32, i32, i32, i32
  }
  func.func @transform_6(%arg0: i32) -> (i32, i32, i32, i32) {
    %c0_i32 = arith.constant 0 : i32
    %c0_i32_0 = arith.constant 0 : i32
    %c0_i32_1 = arith.constant 0 : i32
    %c0_i32_2 = arith.constant 0 : i32
    return %arg0, %c0_i32, %c0_i32_0, %c0_i32_1 : i32, i32, i32, i32
  }
  func.func @transform_7(%arg0: i32) -> (i32, i32, i32, i32) {
    %c0_i32 = arith.constant 0 : i32
    %c0_i32_0 = arith.constant 0 : i32
    %c0_i32_1 = arith.constant 0 : i32
    %c0_i32_2 = arith.constant 0 : i32
    return %arg0, %c0_i32, %c0_i32_0, %c0_i32_1 : i32, i32, i32, i32
  }
}

module attributes {stable_mosaic.version = 14 : i64} {
  func.func @body(%arg0: i32, %arg1: memref<1x1x1024x128xbf16, #tpu.memory_space<vmem>>, %arg2: memref<1x1x1024x128xbf16, #tpu.memory_space<vmem>>, %arg3: memref<1x1x1024x128xbf16, #tpu.memory_space<vmem>>, %arg4: memref<1x1024x128xbf16, #tpu.memory_space<vmem>>) attributes {dimension_semantics = [#tpu.dimension_semantics<arbitrary>], iteration_bounds = array<i64: 24>, scalar_prefetch = 0 : i64, scratch_operands = 0 : i64, tpu.core_type = #tpu.core_type<tc>, window_params = [{transform_indices = @transform_0, window_bounds = array<i64: 1, 1, 1024, 128>}, {transform_indices = @transform_1, window_bounds = array<i64: 1, 1, 1024, 128>}, {transform_indices = @transform_2, window_bounds = array<i64: 1, 1, 1024, 128>}, {transform_indices = @transform_3, window_bounds = array<i64: 1, 1024, 128>}]} {
    %get3A = arith.constant 0 : index
    %get3A_0 = arith.constant 0 : index
    %get3A_1 = arith.constant 0 : index
    %get3A_2 = arith.constant 0 : index
    %get3A_3 = vector.load %arg1[%get3A, %get3A_0, %get3A_1, %get3A_2] : memref<1x1x1024x128xbf16, #tpu.memory_space<vmem>>, vector<1x1x1024x128xbf16>
    %get3A_4 = vector.shape_cast %get3A_3 : vector<1x1x1024x128xbf16> to vector<1024x128xbf16>
    %get3A_5 = arith.constant 0 : index
    %get3A_6 = arith.constant 0 : index
    %get3A_7 = arith.constant 0 : index
    %get3A_8 = arith.constant 0 : index
    %get3A_9 = vector.load %arg2[%get3A_5, %get3A_6, %get3A_7, %get3A_8] : memref<1x1x1024x128xbf16, #tpu.memory_space<vmem>>, vector<1x1x1024x128xbf16>
    %get3A_10 = vector.shape_cast %get3A_9 : vector<1x1x1024x128xbf16> to vector<1024x128xbf16>
    %get3A_11 = arith.constant 0 : index
    %get3A_12 = arith.constant 0 : index
    %get3A_13 = arith.constant 0 : index
    %get3A_14 = arith.constant 0 : index
    %get3A_15 = vector.load %arg3[%get3A_11, %get3A_12, %get3A_13, %get3A_14] : memref<1x1x1024x128xbf16, #tpu.memory_space<vmem>>, vector<1x1x1024x128xbf16>
    %get3A_16 = vector.shape_cast %get3A_15 : vector<1x1x1024x128xbf16> to vector<1024x128xbf16>
    %iota3A = tpu.iota {dimensions = array<i32: 0>} : vector<512x512xi32>
    %iota3A_17 = tpu.iota {dimensions = array<i32: 1>} : vector<512x512xi32>
    %ge3A = arith.cmpi sge, %iota3A, %iota3A_17 : vector<512x512xi32>
    %slice3A = vector.extract_strided_slice %get3A_4 {offsets = [0, 0], sizes = [1024, 64], strides = [1, 1]} : vector<1024x128xbf16> to vector<1024x64xbf16>
    %slice3A_18 = vector.extract_strided_slice %get3A_10 {offsets = [0, 0], sizes = [1024, 64], strides = [1, 1]} : vector<1024x128xbf16> to vector<1024x64xbf16>
    %slice3A_19 = vector.extract_strided_slice %get3A_16 {offsets = [0, 0], sizes = [1024, 64], strides = [1, 1]} : vector<1024x128xbf16> to vector<1024x64xbf16>
    %slice3A_20 = vector.extract_strided_slice %slice3A {offsets = [0, 0], sizes = [512, 64], strides = [1, 1]} : vector<1024x64xbf16> to vector<512x64xbf16>
    %slice3A_21 = vector.extract_strided_slice %slice3A_18 {offsets = [0, 0], sizes = [512, 64], strides = [1, 1]} : vector<1024x64xbf16> to vector<512x64xbf16>
    %dot_general3A = arith.constant dense<0.000000e+00> : vector<512x512xf32>
    %dot_general3A_22 = tpu.matmul %slice3A_20, %slice3A_21, %dot_general3A {dimension_numbers = #tpu.dot_dimension_numbers<[1], [1], [0], [0], [0, 0, 1, 0], [], []>, transpose_lhs_hint = false} : vector<512x64xbf16>, vector<512x64xbf16>, vector<512x512xf32> -> vector<512x512xf32>
    %mul3A = arith.constant 1.250000e-01 : f32
    %mul3A_23 = vector.broadcast %mul3A : f32 to vector<512x512xf32>
    %mul3A_24 = arith.mulf %dot_general3A_22, %mul3A_23 : vector<512x512xf32>
    %convert_element_type3A = arith.truncf %mul3A_24 : vector<512x512xf32> to vector<512x512xbf16>
    %exp3A = math.exp %convert_element_type3A : vector<512x512xbf16>
    %jit3A = arith.constant 0.000000e+00 : bf16
    %broadcast_in_dim3A = vector.broadcast %jit3A : bf16 to vector<512x512xbf16>
    %select_n3A = arith.select %ge3A, %exp3A, %broadcast_in_dim3A : vector<512x512xi1>, vector<512x512xbf16>
    %slice3A_25 = vector.extract_strided_slice %slice3A {offsets = [512, 0], sizes = [512, 64], strides = [1, 1]} : vector<1024x64xbf16> to vector<512x64xbf16>
    %slice3A_26 = vector.extract_strided_slice %slice3A_18 {offsets = [0, 0], sizes = [512, 64], strides = [1, 1]} : vector<1024x64xbf16> to vector<512x64xbf16>
    %dot_general3A_27 = arith.constant dense<0.000000e+00> : vector<512x512xf32>
    %dot_general3A_28 = tpu.matmul %slice3A_25, %slice3A_26, %dot_general3A_27 {dimension_numbers = #tpu.dot_dimension_numbers<[1], [1], [0], [0], [0, 0, 1, 0], [], []>, transpose_lhs_hint = false} : vector<512x64xbf16>, vector<512x64xbf16>, vector<512x512xf32> -> vector<512x512xf32>
    %mul3A_29 = arith.constant 1.250000e-01 : f32
    %mul3A_30 = vector.broadcast %mul3A_29 : f32 to vector<512x512xf32>
    %mul3A_31 = arith.mulf %dot_general3A_28, %mul3A_30 : vector<512x512xf32>
    %convert_element_type3A_32 = arith.truncf %mul3A_31 : vector<512x512xf32> to vector<512x512xbf16>
    %exp3A_33 = math.exp %convert_element_type3A_32 : vector<512x512xbf16>
    %slice3A_34 = vector.extract_strided_slice %slice3A {offsets = [512, 0], sizes = [512, 64], strides = [1, 1]} : vector<1024x64xbf16> to vector<512x64xbf16>
    %slice3A_35 = vector.extract_strided_slice %slice3A_18 {offsets = [512, 0], sizes = [512, 64], strides = [1, 1]} : vector<1024x64xbf16> to vector<512x64xbf16>
    %dot_general3A_36 = arith.constant dense<0.000000e+00> : vector<512x512xf32>
    %dot_general3A_37 = tpu.matmul %slice3A_34, %slice3A_35, %dot_general3A_36 {dimension_numbers = #tpu.dot_dimension_numbers<[1], [1], [0], [0], [0, 0, 1, 0], [], []>, transpose_lhs_hint = false} : vector<512x64xbf16>, vector<512x64xbf16>, vector<512x512xf32> -> vector<512x512xf32>
    %mul3A_38 = arith.constant 1.250000e-01 : f32
    %mul3A_39 = vector.broadcast %mul3A_38 : f32 to vector<512x512xf32>
    %mul3A_40 = arith.mulf %dot_general3A_37, %mul3A_39 : vector<512x512xf32>
    %convert_element_type3A_41 = arith.truncf %mul3A_40 : vector<512x512xf32> to vector<512x512xbf16>
    %exp3A_42 = math.exp %convert_element_type3A_41 : vector<512x512xbf16>
    %jit3A_43 = arith.constant 0.000000e+00 : bf16
    %broadcast_in_dim3A_44 = vector.broadcast %jit3A_43 : bf16 to vector<512x512xbf16>
    %select_n3A_45 = arith.select %ge3A, %exp3A_42, %broadcast_in_dim3A_44 : vector<512x512xi1>, vector<512x512xbf16>
    %slice3A_46 = vector.extract_strided_slice %slice3A_19 {offsets = [0, 0], sizes = [512, 64], strides = [1, 1]} : vector<1024x64xbf16> to vector<512x64xbf16>
    %dot_general3A_47 = arith.constant dense<0.000000e+00> : vector<512x64xf32>
    %dot_general3A_48 = tpu.matmul %select_n3A, %slice3A_46, %dot_general3A_47 {dimension_numbers = #tpu.dot_dimension_numbers<[1], [0], [0], [1], [0, 0, 1, 1], [], []>, transpose_lhs_hint = false} : vector<512x512xbf16>, vector<512x64xbf16>, vector<512x64xf32> -> vector<512x64xf32>
    %slice3A_49 = vector.extract_strided_slice %slice3A_19 {offsets = [0, 0], sizes = [512, 64], strides = [1, 1]} : vector<1024x64xbf16> to vector<512x64xbf16>
    %dot_general3A_50 = arith.constant dense<0.000000e+00> : vector<512x64xf32>
    %dot_general3A_51 = tpu.matmul %exp3A_33, %slice3A_49, %dot_general3A_50 {dimension_numbers = #tpu.dot_dimension_numbers<[1], [0], [0], [1], [0, 0, 1, 1], [], []>, transpose_lhs_hint = false} : vector<512x512xbf16>, vector<512x64xbf16>, vector<512x64xf32> -> vector<512x64xf32>
    %slice3A_52 = vector.extract_strided_slice %slice3A_19 {offsets = [512, 0], sizes = [512, 64], strides = [1, 1]} : vector<1024x64xbf16> to vector<512x64xbf16>
    %dot_general3A_53 = arith.constant dense<0.000000e+00> : vector<512x64xf32>
    %dot_general3A_54 = tpu.matmul %select_n3A_45, %slice3A_52, %dot_general3A_53 {dimension_numbers = #tpu.dot_dimension_numbers<[1], [0], [0], [1], [0, 0, 1, 1], [], []>, transpose_lhs_hint = false} : vector<512x512xbf16>, vector<512x64xbf16>, vector<512x64xf32> -> vector<512x64xf32>
    %add3A = arith.addf %dot_general3A_51, %dot_general3A_54 : vector<512x64xf32>
    %broadcast_in_dim3A_55 = arith.constant 1.000000e+00 : bf16
    %broadcast_in_dim3A_56 = vector.broadcast %broadcast_in_dim3A_55 : bf16 to vector<512x1xbf16>
    %dot_general3A_57 = arith.constant dense<0.000000e+00> : vector<512x1xf32>
    %dot_general3A_58 = tpu.matmul %select_n3A, %broadcast_in_dim3A_56, %dot_general3A_57 {dimension_numbers = #tpu.dot_dimension_numbers<[1], [0], [0], [1], [0, 0, 1, 1], [], []>, transpose_lhs_hint = false} : vector<512x512xbf16>, vector<512x1xbf16>, vector<512x1xf32> -> vector<512x1xf32>
    %dot_general3A_59 = arith.constant dense<0.000000e+00> : vector<512x1xf32>
    %dot_general3A_60 = tpu.matmul %exp3A_33, %broadcast_in_dim3A_56, %dot_general3A_59 {dimension_numbers = #tpu.dot_dimension_numbers<[1], [0], [0], [1], [0, 0, 1, 1], [], []>, transpose_lhs_hint = false} : vector<512x512xbf16>, vector<512x1xbf16>, vector<512x1xf32> -> vector<512x1xf32>
    %dot_general3A_61 = arith.constant dense<0.000000e+00> : vector<512x1xf32>
    %dot_general3A_62 = tpu.matmul %select_n3A_45, %broadcast_in_dim3A_56, %dot_general3A_61 {dimension_numbers = #tpu.dot_dimension_numbers<[1], [0], [0], [1], [0, 0, 1, 1], [], []>, transpose_lhs_hint = false} : vector<512x512xbf16>, vector<512x1xbf16>, vector<512x1xf32> -> vector<512x1xf32>
    %add3A_63 = arith.addf %dot_general3A_60, %dot_general3A_62 : vector<512x1xf32>
    %div3A = vector.broadcast %dot_general3A_58 : vector<512x1xf32> to vector<512x64xf32>
    %div3A_64 = arith.divf %dot_general3A_48, %div3A : vector<512x64xf32>
    %div3A_65 = vector.broadcast %add3A_63 : vector<512x1xf32> to vector<512x64xf32>
    %div3A_66 = arith.divf %add3A, %div3A_65 : vector<512x64xf32>
    %concatenate3A = tpu.concatenate %div3A_64, %div3A_66 in 0 : vector<512x64xf32>, vector<512x64xf32> -> vector<1024x64xf32>
    %slice3A_67 = vector.extract_strided_slice %get3A_4 {offsets = [0, 64], sizes = [1024, 64], strides = [1, 1]} : vector<1024x128xbf16> to vector<1024x64xbf16>
    %slice3A_68 = vector.extract_strided_slice %get3A_10 {offsets = [0, 64], sizes = [1024, 64], strides = [1, 1]} : vector<1024x128xbf16> to vector<1024x64xbf16>
    %slice3A_69 = vector.extract_strided_slice %get3A_16 {offsets = [0, 64], sizes = [1024, 64], strides = [1, 1]} : vector<1024x128xbf16> to vector<1024x64xbf16>
    %slice3A_70 = vector.extract_strided_slice %slice3A_67 {offsets = [0, 0], sizes = [512, 64], strides = [1, 1]} : vector<1024x64xbf16> to vector<512x64xbf16>
    %slice3A_71 = vector.extract_strided_slice %slice3A_68 {offsets = [0, 0], sizes = [512, 64], strides = [1, 1]} : vector<1024x64xbf16> to vector<512x64xbf16>
    %dot_general3A_72 = arith.constant dense<0.000000e+00> : vector<512x512xf32>
    %dot_general3A_73 = tpu.matmul %slice3A_70, %slice3A_71, %dot_general3A_72 {dimension_numbers = #tpu.dot_dimension_numbers<[1], [1], [0], [0], [0, 0, 1, 0], [], []>, transpose_lhs_hint = false} : vector<512x64xbf16>, vector<512x64xbf16>, vector<512x512xf32> -> vector<512x512xf32>
    %mul3A_74 = arith.constant 1.250000e-01 : f32
    %mul3A_75 = vector.broadcast %mul3A_74 : f32 to vector<512x512xf32>
    %mul3A_76 = arith.mulf %dot_general3A_73, %mul3A_75 : vector<512x512xf32>
    %convert_element_type3A_77 = arith.truncf %mul3A_76 : vector<512x512xf32> to vector<512x512xbf16>
    %exp3A_78 = math.exp %convert_element_type3A_77 : vector<512x512xbf16>
    %jit3A_79 = arith.constant 0.000000e+00 : bf16
    %broadcast_in_dim3A_80 = vector.broadcast %jit3A_79 : bf16 to vector<512x512xbf16>
    %select_n3A_81 = arith.select %ge3A, %exp3A_78, %broadcast_in_dim3A_80 : vector<512x512xi1>, vector<512x512xbf16>
    %slice3A_82 = vector.extract_strided_slice %slice3A_67 {offsets = [512, 0], sizes = [512, 64], strides = [1, 1]} : vector<1024x64xbf16> to vector<512x64xbf16>
    %slice3A_83 = vector.extract_strided_slice %slice3A_68 {offsets = [0, 0], sizes = [512, 64], strides = [1, 1]} : vector<1024x64xbf16> to vector<512x64xbf16>
    %dot_general3A_84 = arith.constant dense<0.000000e+00> : vector<512x512xf32>
    %dot_general3A_85 = tpu.matmul %slice3A_82, %slice3A_83, %dot_general3A_84 {dimension_numbers = #tpu.dot_dimension_numbers<[1], [1], [0], [0], [0, 0, 1, 0], [], []>, transpose_lhs_hint = false} : vector<512x64xbf16>, vector<512x64xbf16>, vector<512x512xf32> -> vector<512x512xf32>
    %mul3A_86 = arith.constant 1.250000e-01 : f32
    %mul3A_87 = vector.broadcast %mul3A_86 : f32 to vector<512x512xf32>
    %mul3A_88 = arith.mulf %dot_general3A_85, %mul3A_87 : vector<512x512xf32>
    %convert_element_type3A_89 = arith.truncf %mul3A_88 : vector<512x512xf32> to vector<512x512xbf16>
    %exp3A_90 = math.exp %convert_element_type3A_89 : vector<512x512xbf16>
    %slice3A_91 = vector.extract_strided_slice %slice3A_67 {offsets = [512, 0], sizes = [512, 64], strides = [1, 1]} : vector<1024x64xbf16> to vector<512x64xbf16>
    %slice3A_92 = vector.extract_strided_slice %slice3A_68 {offsets = [512, 0], sizes = [512, 64], strides = [1, 1]} : vector<1024x64xbf16> to vector<512x64xbf16>
    %dot_general3A_93 = arith.constant dense<0.000000e+00> : vector<512x512xf32>
    %dot_general3A_94 = tpu.matmul %slice3A_91, %slice3A_92, %dot_general3A_93 {dimension_numbers = #tpu.dot_dimension_numbers<[1], [1], [0], [0], [0, 0, 1, 0], [], []>, transpose_lhs_hint = false} : vector<512x64xbf16>, vector<512x64xbf16>, vector<512x512xf32> -> vector<512x512xf32>
    %mul3A_95 = arith.constant 1.250000e-01 : f32
    %mul3A_96 = vector.broadcast %mul3A_95 : f32 to vector<512x512xf32>
    %mul3A_97 = arith.mulf %dot_general3A_94, %mul3A_96 : vector<512x512xf32>
    %convert_element_type3A_98 = arith.truncf %mul3A_97 : vector<512x512xf32> to vector<512x512xbf16>
    %exp3A_99 = math.exp %convert_element_type3A_98 : vector<512x512xbf16>
    %jit3A_100 = arith.constant 0.000000e+00 : bf16
    %broadcast_in_dim3A_101 = vector.broadcast %jit3A_100 : bf16 to vector<512x512xbf16>
    %select_n3A_102 = arith.select %ge3A, %exp3A_99, %broadcast_in_dim3A_101 : vector<512x512xi1>, vector<512x512xbf16>
    %slice3A_103 = vector.extract_strided_slice %slice3A_69 {offsets = [0, 0], sizes = [512, 64], strides = [1, 1]} : vector<1024x64xbf16> to vector<512x64xbf16>
    %dot_general3A_104 = arith.constant dense<0.000000e+00> : vector<512x64xf32>
    %dot_general3A_105 = tpu.matmul %select_n3A_81, %slice3A_103, %dot_general3A_104 {dimension_numbers = #tpu.dot_dimension_numbers<[1], [0], [0], [1], [0, 0, 1, 1], [], []>, transpose_lhs_hint = false} : vector<512x512xbf16>, vector<512x64xbf16>, vector<512x64xf32> -> vector<512x64xf32>
    %slice3A_106 = vector.extract_strided_slice %slice3A_69 {offsets = [0, 0], sizes = [512, 64], strides = [1, 1]} : vector<1024x64xbf16> to vector<512x64xbf16>
    %dot_general3A_107 = arith.constant dense<0.000000e+00> : vector<512x64xf32>
    %dot_general3A_108 = tpu.matmul %exp3A_90, %slice3A_106, %dot_general3A_107 {dimension_numbers = #tpu.dot_dimension_numbers<[1], [0], [0], [1], [0, 0, 1, 1], [], []>, transpose_lhs_hint = false} : vector<512x512xbf16>, vector<512x64xbf16>, vector<512x64xf32> -> vector<512x64xf32>
    %slice3A_109 = vector.extract_strided_slice %slice3A_69 {offsets = [512, 0], sizes = [512, 64], strides = [1, 1]} : vector<1024x64xbf16> to vector<512x64xbf16>
    %dot_general3A_110 = arith.constant dense<0.000000e+00> : vector<512x64xf32>
    %dot_general3A_111 = tpu.matmul %select_n3A_102, %slice3A_109, %dot_general3A_110 {dimension_numbers = #tpu.dot_dimension_numbers<[1], [0], [0], [1], [0, 0, 1, 1], [], []>, transpose_lhs_hint = false} : vector<512x512xbf16>, vector<512x64xbf16>, vector<512x64xf32> -> vector<512x64xf32>
    %add3A_112 = arith.addf %dot_general3A_108, %dot_general3A_111 : vector<512x64xf32>
    %broadcast_in_dim3A_113 = arith.constant 1.000000e+00 : bf16
    %broadcast_in_dim3A_114 = vector.broadcast %broadcast_in_dim3A_113 : bf16 to vector<512x1xbf16>
    %dot_general3A_115 = arith.constant dense<0.000000e+00> : vector<512x1xf32>
    %dot_general3A_116 = tpu.matmul %select_n3A_81, %broadcast_in_dim3A_114, %dot_general3A_115 {dimension_numbers = #tpu.dot_dimension_numbers<[1], [0], [0], [1], [0, 0, 1, 1], [], []>, transpose_lhs_hint = false} : vector<512x512xbf16>, vector<512x1xbf16>, vector<512x1xf32> -> vector<512x1xf32>
    %dot_general3A_117 = arith.constant dense<0.000000e+00> : vector<512x1xf32>
    %dot_general3A_118 = tpu.matmul %exp3A_90, %broadcast_in_dim3A_114, %dot_general3A_117 {dimension_numbers = #tpu.dot_dimension_numbers<[1], [0], [0], [1], [0, 0, 1, 1], [], []>, transpose_lhs_hint = false} : vector<512x512xbf16>, vector<512x1xbf16>, vector<512x1xf32> -> vector<512x1xf32>
    %dot_general3A_119 = arith.constant dense<0.000000e+00> : vector<512x1xf32>
    %dot_general3A_120 = tpu.matmul %select_n3A_102, %broadcast_in_dim3A_114, %dot_general3A_119 {dimension_numbers = #tpu.dot_dimension_numbers<[1], [0], [0], [1], [0, 0, 1, 1], [], []>, transpose_lhs_hint = false} : vector<512x512xbf16>, vector<512x1xbf16>, vector<512x1xf32> -> vector<512x1xf32>
    %add3A_121 = arith.addf %dot_general3A_118, %dot_general3A_120 : vector<512x1xf32>
    %div3A_122 = vector.broadcast %dot_general3A_116 : vector<512x1xf32> to vector<512x64xf32>
    %div3A_123 = arith.divf %dot_general3A_105, %div3A_122 : vector<512x64xf32>
    %div3A_124 = vector.broadcast %add3A_121 : vector<512x1xf32> to vector<512x64xf32>
    %div3A_125 = arith.divf %add3A_112, %div3A_124 : vector<512x64xf32>
    %concatenate3A_126 = tpu.concatenate %div3A_123, %div3A_125 in 0 : vector<512x64xf32>, vector<512x64xf32> -> vector<1024x64xf32>
    %concatenate3A_127 = tpu.concatenate %concatenate3A, %concatenate3A_126 in 1 : vector<1024x64xf32>, vector<1024x64xf32> -> vector<1024x128xf32>
    %convert_element_type3A_128 = arith.truncf %concatenate3A_127 : vector<1024x128xf32> to vector<1024x128xbf16>
    %swap3A = arith.constant 0 : index
    %swap3A_129 = arith.constant 0 : index
    %swap3A_130 = arith.constant 0 : index
    %swap3A_131 = vector.load %arg4[%swap3A, %swap3A_129, %swap3A_130] : memref<1x1024x128xbf16, #tpu.memory_space<vmem>>, vector<1x1024x128xbf16>
    %swap3A_132 = vector.shape_cast %swap3A_131 : vector<1x1024x128xbf16> to vector<1024x128xbf16>
    %swap3A_133 = vector.shape_cast %convert_element_type3A_128 : vector<1024x128xbf16> to vector<1x1024x128xbf16>
    tpu.vector_store %arg4[%swap3A, %swap3A_129, %swap3A_130], %swap3A_133 {strides = array<i32>} : memref<1x1024x128xbf16, #tpu.memory_space<vmem>>, vector<1x1024x128xbf16>,
    return
  }
  func.func @transform_0(%arg0: i32) -> (i32, i32, i32, i32) {
    %jit3A = arith.constant 6 : i32
    %div3A = arith.divsi %arg0, %jit3A : i32
    %sign3A = arith.constant 0 : i32
    %sign3A_0 = arith.cmpi sgt, %arg0, %sign3A : i32
    %sign3A_1 = arith.extui %sign3A_0 : i1 to i32
    %sign3A_2 = arith.constant 0 : i32
    %sign3A_3 = arith.cmpi slt, %arg0, %sign3A_2 : i32
    %sign3A_4 = arith.extui %sign3A_3 : i1 to i32
    %sign3A_5 = arith.subi %sign3A_1, %sign3A_4 : i32
    %sign3A_6 = arith.constant 0 : i32
    %sign3A_7 = arith.cmpi sgt, %jit3A, %sign3A_6 : i32
    %sign3A_8 = arith.extui %sign3A_7 : i1 to i32
    %sign3A_9 = arith.constant 0 : i32
    %sign3A_10 = arith.cmpi slt, %jit3A, %sign3A_9 : i32
    %sign3A_11 = arith.extui %sign3A_10 : i1 to i32
    %sign3A_12 = arith.subi %sign3A_8, %sign3A_11 : i32
    %ne3A = arith.cmpi ne, %sign3A_5, %sign3A_12 : i32
    %rem3A = arith.remsi %arg0, %jit3A : i32
    %ne3A_13 = arith.constant 0 : i32
    %ne3A_14 = arith.cmpi ne, %rem3A, %ne3A_13 : i32
    %and3A = arith.andi %ne3A, %ne3A_14 : i1
    %sub3A = arith.constant 1 : i32
    %sub3A_15 = arith.subi %div3A, %sub3A : i32
    %select_n3A = arith.select %and3A, %sub3A_15, %div3A : i32
    %jit3A_16 = arith.constant 6 : i32
    %eq3A = arith.constant 0 : i32
    %eq3A_17 = arith.cmpi eq, %jit3A_16, %eq3A : i32
    %jit3A_18 = arith.constant 1 : i32
    %select_n3A_19 = arith.select %eq3A_17, %jit3A_18, %jit3A_16 : i32
    %rem3A_20 = arith.remsi %arg0, %select_n3A_19 : i32
    %ne3A_21 = arith.constant 0 : i32
    %ne3A_22 = arith.cmpi ne, %rem3A_20, %ne3A_21 : i32
    %lt3A = arith.constant 0 : i32
    %lt3A_23 = arith.cmpi slt, %rem3A_20, %lt3A : i32
    %lt3A_24 = arith.constant 0 : i32
    %lt3A_25 = arith.cmpi slt, %select_n3A_19, %lt3A_24 : i32
    %ne3A_26 = arith.xori %lt3A_23, %lt3A_25 : i1
    %and3A_27 = arith.andi %ne3A_26, %ne3A_22 : i1
    %add3A = arith.addi %rem3A_20, %select_n3A_19 : i32
    %select_n3A_28 = arith.select %and3A_27, %add3A, %rem3A_20 : i32
    %c0_i32 = arith.constant 0 : i32
    %c0_i32_29 = arith.constant 0 : i32
    %c0_i32_30 = arith.constant 0 : i32
    return %select_n3A, %select_n3A_28, %c0_i32, %c0_i32_29 : i32, i32, i32, i32
  }
  func.func @transform_1(%arg0: i32) -> (i32, i32, i32, i32) {
    %jit3A = arith.constant 6 : i32
    %div3A = arith.divsi %arg0, %jit3A : i32
    %sign3A = arith.constant 0 : i32
    %sign3A_0 = arith.cmpi sgt, %arg0, %sign3A : i32
    %sign3A_1 = arith.extui %sign3A_0 : i1 to i32
    %sign3A_2 = arith.constant 0 : i32
    %sign3A_3 = arith.cmpi slt, %arg0, %sign3A_2 : i32
    %sign3A_4 = arith.extui %sign3A_3 : i1 to i32
    %sign3A_5 = arith.subi %sign3A_1, %sign3A_4 : i32
    %sign3A_6 = arith.constant 0 : i32
    %sign3A_7 = arith.cmpi sgt, %jit3A, %sign3A_6 : i32
    %sign3A_8 = arith.extui %sign3A_7 : i1 to i32
    %sign3A_9 = arith.constant 0 : i32
    %sign3A_10 = arith.cmpi slt, %jit3A, %sign3A_9 : i32
    %sign3A_11 = arith.extui %sign3A_10 : i1 to i32
    %sign3A_12 = arith.subi %sign3A_8, %sign3A_11 : i32
    %ne3A = arith.cmpi ne, %sign3A_5, %sign3A_12 : i32
    %rem3A = arith.remsi %arg0, %jit3A : i32
    %ne3A_13 = arith.constant 0 : i32
    %ne3A_14 = arith.cmpi ne, %rem3A, %ne3A_13 : i32
    %and3A = arith.andi %ne3A, %ne3A_14 : i1
    %sub3A = arith.constant 1 : i32
    %sub3A_15 = arith.subi %div3A, %sub3A : i32
    %select_n3A = arith.select %and3A, %sub3A_15, %div3A : i32
    %jit3A_16 = arith.constant 6 : i32
    %eq3A = arith.constant 0 : i32
    %eq3A_17 = arith.cmpi eq, %jit3A_16, %eq3A : i32
    %jit3A_18 = arith.constant 1 : i32
    %select_n3A_19 = arith.select %eq3A_17, %jit3A_18, %jit3A_16 : i32
    %rem3A_20 = arith.remsi %arg0, %select_n3A_19 : i32
    %ne3A_21 = arith.constant 0 : i32
    %ne3A_22 = arith.cmpi ne, %rem3A_20, %ne3A_21 : i32
    %lt3A = arith.constant 0 : i32
    %lt3A_23 = arith.cmpi slt, %rem3A_20, %lt3A : i32
    %lt3A_24 = arith.constant 0 : i32
    %lt3A_25 = arith.cmpi slt, %select_n3A_19, %lt3A_24 : i32
    %ne3A_26 = arith.xori %lt3A_23, %lt3A_25 : i1
    %and3A_27 = arith.andi %ne3A_26, %ne3A_22 : i1
    %add3A = arith.addi %rem3A_20, %select_n3A_19 : i32
    %select_n3A_28 = arith.select %and3A_27, %add3A, %rem3A_20 : i32
    %c0_i32 = arith.constant 0 : i32
    %c0_i32_29 = arith.constant 0 : i32
    %c0_i32_30 = arith.constant 0 : i32
    return %select_n3A, %select_n3A_28, %c0_i32, %c0_i32_29 : i32, i32, i32, i32
  }
  func.func @transform_2(%arg0: i32) -> (i32, i32, i32, i32) {
    %jit3A = arith.constant 6 : i32
    %div3A = arith.divsi %arg0, %jit3A : i32
    %sign3A = arith.constant 0 : i32
    %sign3A_0 = arith.cmpi sgt, %arg0, %sign3A : i32
    %sign3A_1 = arith.extui %sign3A_0 : i1 to i32
    %sign3A_2 = arith.constant 0 : i32
    %sign3A_3 = arith.cmpi slt, %arg0, %sign3A_2 : i32
    %sign3A_4 = arith.extui %sign3A_3 : i1 to i32
    %sign3A_5 = arith.subi %sign3A_1, %sign3A_4 : i32
    %sign3A_6 = arith.constant 0 : i32
    %sign3A_7 = arith.cmpi sgt, %jit3A, %sign3A_6 : i32
    %sign3A_8 = arith.extui %sign3A_7 : i1 to i32
    %sign3A_9 = arith.constant 0 : i32
    %sign3A_10 = arith.cmpi slt, %jit3A, %sign3A_9 : i32
    %sign3A_11 = arith.extui %sign3A_10 : i1 to i32
    %sign3A_12 = arith.subi %sign3A_8, %sign3A_11 : i32
    %ne3A = arith.cmpi ne, %sign3A_5, %sign3A_12 : i32
    %rem3A = arith.remsi %arg0, %jit3A : i32
    %ne3A_13 = arith.constant 0 : i32
    %ne3A_14 = arith.cmpi ne, %rem3A, %ne3A_13 : i32
    %and3A = arith.andi %ne3A, %ne3A_14 : i1
    %sub3A = arith.constant 1 : i32
    %sub3A_15 = arith.subi %div3A, %sub3A : i32
    %select_n3A = arith.select %and3A, %sub3A_15, %div3A : i32
    %jit3A_16 = arith.constant 6 : i32
    %eq3A = arith.constant 0 : i32
    %eq3A_17 = arith.cmpi eq, %jit3A_16, %eq3A : i32
    %jit3A_18 = arith.constant 1 : i32
    %select_n3A_19 = arith.select %eq3A_17, %jit3A_18, %jit3A_16 : i32
    %rem3A_20 = arith.remsi %arg0, %select_n3A_19 : i32
    %ne3A_21 = arith.constant 0 : i32
    %ne3A_22 = arith.cmpi ne, %rem3A_20, %ne3A_21 : i32
    %lt3A = arith.constant 0 : i32
    %lt3A_23 = arith.cmpi slt, %rem3A_20, %lt3A : i32
    %lt3A_24 = arith.constant 0 : i32
    %lt3A_25 = arith.cmpi slt, %select_n3A_19, %lt3A_24 : i32
    %ne3A_26 = arith.xori %lt3A_23, %lt3A_25 : i1
    %and3A_27 = arith.andi %ne3A_26, %ne3A_22 : i1
    %add3A = arith.addi %rem3A_20, %select_n3A_19 : i32
    %select_n3A_28 = arith.select %and3A_27, %add3A, %rem3A_20 : i32
    %c0_i32 = arith.constant 0 : i32
    %c0_i32_29 = arith.constant 0 : i32
    %c0_i32_30 = arith.constant 0 : i32
    return %select_n3A, %select_n3A_28, %c0_i32, %c0_i32_29 : i32, i32, i32, i32
  }
  func.func @transform_3(%arg0: i32) -> (i32, i32, i32) {
    %jit3A = arith.constant 6 : i32
    %div3A = arith.divsi %arg0, %jit3A : i32
    %sign3A = arith.constant 0 : i32
    %sign3A_0 = arith.cmpi sgt, %arg0, %sign3A : i32
    %sign3A_1 = arith.extui %sign3A_0 : i1 to i32
    %sign3A_2 = arith.constant 0 : i32
    %sign3A_3 = arith.cmpi slt, %arg0, %sign3A_2 : i32
    %sign3A_4 = arith.extui %sign3A_3 : i1 to i32
    %sign3A_5 = arith.subi %sign3A_1, %sign3A_4 : i32
    %sign3A_6 = arith.constant 0 : i32
    %sign3A_7 = arith.cmpi sgt, %jit3A, %sign3A_6 : i32
    %sign3A_8 = arith.extui %sign3A_7 : i1 to i32
    %sign3A_9 = arith.constant 0 : i32
    %sign3A_10 = arith.cmpi slt, %jit3A, %sign3A_9 : i32
    %sign3A_11 = arith.extui %sign3A_10 : i1 to i32
    %sign3A_12 = arith.subi %sign3A_8, %sign3A_11 : i32
    %ne3A = arith.cmpi ne, %sign3A_5, %sign3A_12 : i32
    %rem3A = arith.remsi %arg0, %jit3A : i32
    %ne3A_13 = arith.constant 0 : i32
    %ne3A_14 = arith.cmpi ne, %rem3A, %ne3A_13 : i32
    %and3A = arith.andi %ne3A, %ne3A_14 : i1
    %sub3A = arith.constant 1 : i32
    %sub3A_15 = arith.subi %div3A, %sub3A : i32
    %select_n3A = arith.select %and3A, %sub3A_15, %div3A : i32
    %jit3A_16 = arith.constant 6 : i32
    %eq3A = arith.constant 0 : i32
    %eq3A_17 = arith.cmpi eq, %jit3A_16, %eq3A : i32
    %jit3A_18 = arith.constant 1 : i32
    %select_n3A_19 = arith.select %eq3A_17, %jit3A_18, %jit3A_16 : i32
    %rem3A_20 = arith.remsi %arg0, %select_n3A_19 : i32
    %ne3A_21 = arith.constant 0 : i32
    %ne3A_22 = arith.cmpi ne, %rem3A_20, %ne3A_21 : i32
    %lt3A = arith.constant 0 : i32
    %lt3A_23 = arith.cmpi slt, %rem3A_20, %lt3A : i32
    %lt3A_24 = arith.constant 0 : i32
    %lt3A_25 = arith.cmpi slt, %select_n3A_19, %lt3A_24 : i32
    %ne3A_26 = arith.xori %lt3A_23, %lt3A_25 : i1
    %and3A_27 = arith.andi %ne3A_26, %ne3A_22 : i1
    %add3A = arith.addi %rem3A_20, %select_n3A_19 : i32
    %select_n3A_28 = arith.select %and3A_27, %add3A, %rem3A_20 : i32
    %c0_i32 = arith.constant 0 : i32
    %c0_i32_29 = arith.constant 0 : i32
    return %select_n3A, %c0_i32, %select_n3A_28 : i32, i32, i32
  }
}

module attributes {stable_mosaic.version = 14 : i64} {
  func.func @body(%arg0: i32, %arg1: memref<1024x768xf32, #tpu.memory_space<vmem>>, %arg2: memref<1024x768xbf16, #tpu.memory_space<vmem>>, %arg3: memref<1024x1xf32, #tpu.memory_space<vmem>>, %arg4: memref<768x768xbf16, #tpu.memory_space<vmem>>, %arg5: memref<1x768xf32, #tpu.memory_space<vmem>>, %arg6: memref<1x768xf32, #tpu.memory_space<vmem>>, %arg7: memref<1x768xf32, #tpu.memory_space<vmem>>, %arg8: memref<768x3072xbf16, #tpu.memory_space<vmem>>, %arg9: memref<1x3072xf32, #tpu.memory_space<vmem>>, %arg10: memref<3072x768xbf16, #tpu.memory_space<vmem>>, %arg11: memref<1x768xf32, #tpu.memory_space<vmem>>, %arg12: memref<1024x768xf32, #tpu.memory_space<vmem>>) attributes {dimension_semantics = [#tpu.dimension_semantics<arbitrary>], iteration_bounds = array<i64: 4>, scalar_prefetch = 0 : i64, scratch_operands = 0 : i64, tpu.core_type = #tpu.core_type<tc>, window_params = [{transform_indices = @transform_0, window_bounds = array<i64: 1024, 768>}, {transform_indices = @transform_1, window_bounds = array<i64: 1024, 768>}, {transform_indices = @transform_2, window_bounds = array<i64: 1024, 1>}, {pipeline_mode = #tpu.pipeline_mode<synchronous>, transform_indices = @transform_3, window_bounds = array<i64: 768, 768>}, {pipeline_mode = #tpu.pipeline_mode<synchronous>, transform_indices = @transform_4, window_bounds = array<i64: 1, 768>}, {pipeline_mode = #tpu.pipeline_mode<synchronous>, transform_indices = @transform_5, window_bounds = array<i64: 1, 768>}, {pipeline_mode = #tpu.pipeline_mode<synchronous>, transform_indices = @transform_6, window_bounds = array<i64: 1, 768>}, {pipeline_mode = #tpu.pipeline_mode<synchronous>, transform_indices = @transform_7, window_bounds = array<i64: 768, 3072>}, {pipeline_mode = #tpu.pipeline_mode<synchronous>, transform_indices = @transform_8, window_bounds = array<i64: 1, 3072>}, {pipeline_mode = #tpu.pipeline_mode<synchronous>, transform_indices = @transform_9, window_bounds = array<i64: 3072, 768>}, {pipeline_mode = #tpu.pipeline_mode<synchronous>, transform_indices = @transform_10, window_bounds = array<i64: 1, 768>}, {transform_indices = @transform_11, window_bounds = array<i64: 1024, 768>}]} {
    %get3A = arith.constant 0 : index
    %get3A_0 = arith.constant 0 : index
    %get3A_1 = vector.load %arg1[%get3A, %get3A_0] : memref<1024x768xf32, #tpu.memory_space<vmem>>, vector<1024x768xf32>
    %get3A_2 = arith.constant 0 : index
    %get3A_3 = arith.constant 0 : index
    %get3A_4 = vector.load %arg2[%get3A_2, %get3A_3] : memref<1024x768xbf16, #tpu.memory_space<vmem>>, vector<1024x768xbf16>
    %get3A_5 = arith.constant 0 : index
    %get3A_6 = arith.constant 0 : index
    %get3A_7 = vector.load %arg4[%get3A_5, %get3A_6] : memref<768x768xbf16, #tpu.memory_space<vmem>>, vector<768x768xbf16>
    %dot_general3A = arith.constant dense<0.000000e+00> : vector<1024x768xf32>
    %dot_general3A_8 = tpu.matmul %get3A_4, %get3A_7, %dot_general3A {dimension_numbers = #tpu.dot_dimension_numbers<[1], [0], [0], [1], [0, 0, 1, 1], [], []>, transpose_lhs_hint = false} : vector<1024x768xbf16>, vector<768x768xbf16>, vector<1024x768xf32> -> vector<1024x768xf32>
    %add3A = arith.addf %get3A_1, %dot_general3A_8 : vector<1024x768xf32>
    %get3A_9 = arith.constant 0 : index
    %get3A_10 = arith.constant 0 : index
    %get3A_11 = vector.load %arg5[%get3A_9, %get3A_10] : memref<1x768xf32, #tpu.memory_space<vmem>>, vector<1x768xf32>
    %add3A_12 = vector.broadcast %get3A_11 : vector<1x768xf32> to vector<1024x768xf32>
    %add3A_13 = arith.addf %add3A, %add3A_12 : vector<1024x768xf32>
    %reduce_sum3A = arith.constant dense<0.000000e+00> : vector<1024xf32>
    %reduce_sum3A_14 = vector.multi_reduction <add>, %add3A_13, %reduce_sum3A [1] : vector<1024x768xf32> to vector<1024xf32>
    %broadcast_in_dim3A = vector.shape_cast %reduce_sum3A_14 : vector<1024xf32> to vector<1024x1xf32>
    %div3A = arith.constant 7.680000e+02 : f32
    %div3A_15 = vector.broadcast %div3A : f32 to vector<1024x1xf32>
    %div3A_16 = arith.divf %broadcast_in_dim3A, %div3A_15 : vector<1024x1xf32>
    %sub3A = vector.broadcast %div3A_16 : vector<1024x1xf32> to vector<1024x768xf32>
    %sub3A_17 = arith.subf %add3A_13, %sub3A : vector<1024x768xf32>
    %integer_pow3A = arith.mulf %sub3A_17, %sub3A_17 : vector<1024x768xf32>
    %reduce_sum3A_18 = arith.constant dense<0.000000e+00> : vector<1024xf32>
    %reduce_sum3A_19 = vector.multi_reduction <add>, %integer_pow3A, %reduce_sum3A_18 [1] : vector<1024x768xf32> to vector<1024xf32>
    %broadcast_in_dim3A_20 = vector.shape_cast %reduce_sum3A_19 : vector<1024xf32> to vector<1024x1xf32>
    %div3A_21 = arith.constant 7.680000e+02 : f32
    %div3A_22 = vector.broadcast %div3A_21 : f32 to vector<1024x1xf32>
    %div3A_23 = arith.divf %broadcast_in_dim3A_20, %div3A_22 : vector<1024x1xf32>
    %sub3A_24 = vector.broadcast %div3A_16 : vector<1024x1xf32> to vector<1024x768xf32>
    %sub3A_25 = arith.subf %add3A_13, %sub3A_24 : vector<1024x768xf32>
    %add3A_26 = arith.constant 9.99999974E-6 : f32
    %add3A_27 = vector.broadcast %add3A_26 : f32 to vector<1024x1xf32>
    %add3A_28 = arith.addf %div3A_23, %add3A_27 : vector<1024x1xf32>
    %rsqrt3A = math.rsqrt %add3A_28 : vector<1024x1xf32>
    %mul3A = vector.broadcast %rsqrt3A : vector<1024x1xf32> to vector<1024x768xf32>
    %mul3A_29 = arith.mulf %sub3A_25, %mul3A : vector<1024x768xf32>
    %get3A_30 = arith.constant 0 : index
    %get3A_31 = arith.constant 0 : index
    %get3A_32 = vector.load %arg6[%get3A_30, %get3A_31] : memref<1x768xf32, #tpu.memory_space<vmem>>, vector<1x768xf32>
    %mul3A_33 = vector.broadcast %get3A_32 : vector<1x768xf32> to vector<1024x768xf32>
    %mul3A_34 = arith.mulf %mul3A_29, %mul3A_33 : vector<1024x768xf32>
    %get3A_35 = arith.constant 0 : index
    %get3A_36 = arith.constant 0 : index
    %get3A_37 = vector.load %arg7[%get3A_35, %get3A_36] : memref<1x768xf32, #tpu.memory_space<vmem>>, vector<1x768xf32>
    %add3A_38 = vector.broadcast %get3A_37 : vector<1x768xf32> to vector<1024x768xf32>
    %add3A_39 = arith.addf %mul3A_34, %add3A_38 : vector<1024x768xf32>
    %convert_element_type3A = arith.truncf %add3A_39 : vector<1024x768xf32> to vector<1024x768xbf16>
    %get3A_40 = arith.constant 0 : index
    %get3A_41 = arith.constant 0 : index
    %get3A_42 = vector.load %arg8[%get3A_40, %get3A_41] : memref<768x3072xbf16, #tpu.memory_space<vmem>>, vector<768x3072xbf16>
    %dot_general3A_43 = arith.constant dense<0.000000e+00> : vector<1024x3072xf32>
    %dot_general3A_44 = tpu.matmul %convert_element_type3A, %get3A_42, %dot_general3A_43 {dimension_numbers = #tpu.dot_dimension_numbers<[1], [0], [0], [1], [0, 0, 1, 1], [], []>, transpose_lhs_hint = false} : vector<1024x768xbf16>, vector<768x3072xbf16>, vector<1024x3072xf32> -> vector<1024x3072xf32>
    %get3A_45 = arith.constant 0 : index
    %get3A_46 = arith.constant 0 : index
    %get3A_47 = vector.load %arg9[%get3A_45, %get3A_46] : memref<1x3072xf32, #tpu.memory_space<vmem>>, vector<1x3072xf32>
    %add3A_48 = vector.broadcast %get3A_47 : vector<1x3072xf32> to vector<1024x3072xf32>
    %add3A_49 = arith.addf %dot_general3A_44, %add3A_48 : vector<1024x3072xf32>
    %convert_element_type3A_50 = arith.truncf %add3A_49 : vector<1024x3072xf32> to vector<1024x3072xbf16>
    %integer_pow3A_51 = arith.mulf %convert_element_type3A_50, %convert_element_type3A_50 : vector<1024x3072xbf16>
    %integer_pow3A_52 = arith.mulf %convert_element_type3A_50, %integer_pow3A_51 : vector<1024x3072xbf16>
    %mul3A_53 = arith.constant 4.467770e-02 : bf16
    %mul3A_54 = vector.broadcast %mul3A_53 : bf16 to vector<1024x3072xbf16>
    %mul3A_55 = arith.mulf %mul3A_54, %integer_pow3A_52 : vector<1024x3072xbf16>
    %add3A_56 = arith.addf %convert_element_type3A_50, %mul3A_55 : vector<1024x3072xbf16>
    %mul3A_57 = arith.constant 7.968750e-01 : bf16
    %mul3A_58 = vector.broadcast %mul3A_57 : bf16 to vector<1024x3072xbf16>
    %mul3A_59 = arith.mulf %mul3A_58, %add3A_56 : vector<1024x3072xbf16>
    %tanh3A = math.tanh %mul3A_59 : vector<1024x3072xbf16>
    %add3A_60 = arith.constant 1.000000e+00 : bf16
    %add3A_61 = vector.broadcast %add3A_60 : bf16 to vector<1024x3072xbf16>
    %add3A_62 = arith.addf %add3A_61, %tanh3A : vector<1024x3072xbf16>
    %mul3A_63 = arith.constant 5.000000e-01 : bf16
    %mul3A_64 = vector.broadcast %mul3A_63 : bf16 to vector<1024x3072xbf16>
    %mul3A_65 = arith.mulf %mul3A_64, %add3A_62 : vector<1024x3072xbf16>
    %mul3A_66 = arith.mulf %convert_element_type3A_50, %mul3A_65 : vector<1024x3072xbf16>
    %get3A_67 = arith.constant 0 : index
    %get3A_68 = arith.constant 0 : index
    %get3A_69 = vector.load %arg10[%get3A_67, %get3A_68] : memref<3072x768xbf16, #tpu.memory_space<vmem>>, vector<3072x768xbf16>
    %dot_general3A_70 = arith.constant dense<0.000000e+00> : vector<1024x768xf32>
    %dot_general3A_71 = tpu.matmul %mul3A_66, %get3A_69, %dot_general3A_70 {dimension_numbers = #tpu.dot_dimension_numbers<[1], [0], [0], [1], [0, 0, 1, 1], [], []>, transpose_lhs_hint = false} : vector<1024x3072xbf16>, vector<3072x768xbf16>, vector<1024x768xf32> -> vector<1024x768xf32>
    %get3A_72 = arith.constant 0 : index
    %get3A_73 = arith.constant 0 : index
    %get3A_74 = vector.load %arg11[%get3A_72, %get3A_73] : memref<1x768xf32, #tpu.memory_space<vmem>>, vector<1x768xf32>
    %add3A_75 = vector.broadcast %get3A_74 : vector<1x768xf32> to vector<1024x768xf32>
    %add3A_76 = arith.addf %dot_general3A_71, %add3A_75 : vector<1024x768xf32>
    %get3A_77 = arith.constant 0 : index
    %get3A_78 = arith.constant 0 : index
    %get3A_79 = vector.load %arg3[%get3A_77, %get3A_78] : memref<1024x1xf32, #tpu.memory_space<vmem>>, vector<1024x1xf32>
    %add3A_80 = arith.addf %add3A_13, %add3A_76 : vector<1024x768xf32>
    %mul3A_81 = vector.broadcast %get3A_79 : vector<1024x1xf32> to vector<1024x768xf32>
    %mul3A_82 = arith.mulf %mul3A_81, %add3A_80 : vector<1024x768xf32>
    %add3A_83 = arith.addf %get3A_1, %mul3A_82 : vector<1024x768xf32>
    %swap3A = arith.constant 0 : index
    %swap3A_84 = arith.constant 0 : index
    %swap3A_85 = vector.load %arg12[%swap3A, %swap3A_84] : memref<1024x768xf32, #tpu.memory_space<vmem>>, vector<1024x768xf32>
    tpu.vector_store %arg12[%swap3A, %swap3A_84], %add3A_83 {strides = array<i32>} : memref<1024x768xf32, #tpu.memory_space<vmem>>, vector<1024x768xf32>,
    return
  }
  func.func @transform_0(%arg0: i32) -> (i32, i32) {
    %c0_i32 = arith.constant 0 : i32
    %c0_i32_0 = arith.constant 0 : i32
    return %arg0, %c0_i32 : i32, i32
  }
  func.func @transform_1(%arg0: i32) -> (i32, i32) {
    %c0_i32 = arith.constant 0 : i32
    %c0_i32_0 = arith.constant 0 : i32
    return %arg0, %c0_i32 : i32, i32
  }
  func.func @transform_2(%arg0: i32) -> (i32, i32) {
    %c0_i32 = arith.constant 0 : i32
    %c0_i32_0 = arith.constant 0 : i32
    return %arg0, %c0_i32 : i32, i32
  }
  func.func @transform_3(%arg0: i32) -> (i32, i32) {
    %c0_i32 = arith.constant 0 : i32
    %c0_i32_0 = arith.constant 0 : i32
    %c0_i32_1 = arith.constant 0 : i32
    return %c0_i32, %c0_i32_0 : i32, i32
  }
  func.func @transform_4(%arg0: i32) -> (i32, i32) {
    %c0_i32 = arith.constant 0 : i32
    %c0_i32_0 = arith.constant 0 : i32
    %c0_i32_1 = arith.constant 0 : i32
    return %c0_i32, %c0_i32_0 : i32, i32
  }
  func.func @transform_5(%arg0: i32) -> (i32, i32) {
    %c0_i32 = arith.constant 0 : i32
    %c0_i32_0 = arith.constant 0 : i32
    %c0_i32_1 = arith.constant 0 : i32
    return %c0_i32, %c0_i32_0 : i32, i32
  }
  func.func @transform_6(%arg0: i32) -> (i32, i32) {
    %c0_i32 = arith.constant 0 : i32
    %c0_i32_0 = arith.constant 0 : i32
    %c0_i32_1 = arith.constant 0 : i32
    return %c0_i32, %c0_i32_0 : i32, i32
  }
  func.func @transform_7(%arg0: i32) -> (i32, i32) {
    %c0_i32 = arith.constant 0 : i32
    %c0_i32_0 = arith.constant 0 : i32
    %c0_i32_1 = arith.constant 0 : i32
    return %c0_i32, %c0_i32_0 : i32, i32
  }
  func.func @transform_8(%arg0: i32) -> (i32, i32) {
    %c0_i32 = arith.constant 0 : i32
    %c0_i32_0 = arith.constant 0 : i32
    %c0_i32_1 = arith.constant 0 : i32
    return %c0_i32, %c0_i32_0 : i32, i32
  }
  func.func @transform_9(%arg0: i32) -> (i32, i32) {
    %c0_i32 = arith.constant 0 : i32
    %c0_i32_0 = arith.constant 0 : i32
    %c0_i32_1 = arith.constant 0 : i32
    return %c0_i32, %c0_i32_0 : i32, i32
  }
  func.func @transform_10(%arg0: i32) -> (i32, i32) {
    %c0_i32 = arith.constant 0 : i32
    %c0_i32_0 = arith.constant 0 : i32
    %c0_i32_1 = arith.constant 0 : i32
    return %c0_i32, %c0_i32_0 : i32, i32
  }
  func.func @transform_11(%arg0: i32) -> (i32, i32) {
    %c0_i32 = arith.constant 0 : i32
    %c0_i32_0 = arith.constant 0 : i32
    return %arg0, %c0_i32 : i32, i32
  }
}

</mosaic_0001>

<sc_bundles>
// kernel: gather_offload_async_start.1
scs
__scs_entry_jumppad:
0x0: {  	(pc) =	sbr.rel $0x88, $3  }
0x1: {  	(tag) =	ssettag $0x0;
	lr =	simm.s32 $0x1  }
0x2: {  	[smem:$0x3F93] =	sst lr;
	_ =	strace $0xD0000000  }
0x3: {  	_ = 	snop  }
0x4: {  	_ = 	snop  }
0x5: {  	_ = 	snop  }
0x6: {  	_ = 	snop  }
0x7: {  	_ = 	snop  }
__scs_overlays_trampoline_lowered:
0x8: {  	[smem:$0x3FA2] =	sst s0  }
0x9: {  	[smem:$0x3FA3] =	sst s1  }
0xa: {  	[smem:$0x3FA4] =	sst s2  }
0xb: {  	[smem:$0x3FA5] =	sst s3  }
0xc: {  	[smem:$0x3FA6] =	sst s4  }
0xd: {  	[smem:$0x3FA7] =	sst s5  }
0xe: {  	[smem:$0x3FA8] =	sst s6  }
0xf: {  	[smem:$0x3FA9] =	sst s7  }
0x10: {  	[smem:$0x3FAA] =	sst s8  }
0x11: {  	[smem:$0x3FAB] =	sst s9;
	s0 =	simm.s32 @!p0 $0x0  }
0x12: {  	s1 =	sld [smem:$0x3F91];
	s0 =	simm.s32 @p0 $0x1  }
0x13: {  	[smem:$0x3FAC] =	sst s0;
	s0 =	simm.s32 @!p1 $0x0  }
0x14: {  	s2 =	sld [smem:$0x3F90];
	s0 =	simm.s32 @p1 $0x1  }
0x15: {  	[smem:$0x3FAD] =	sst s0;
	s0 =	simm.s32 @!p2 $0x0  }
0x16: {  	s3 =	sld [smem:$0x3FDB];
	s0 =	simm.s32 @p2 $0x1  }
0x17: {  	s4 =	simm.s32 $0x1BF5;
	[smem:$0x3FAF] =	sst s0  }
0x18: {  	s0 =	sld [smem:$0x3F92];
	_ =	swait.ge [sflag:s4], $0x0  }
0x19: {  	s7 =	sld [smem:$0x3F93]  }
0x1a: {  	s8 =	sadd.s32 $0xFFFFE003, lr  }
0x1b: {  	s9 =	sadd.s32 $0xFFFFFEF7, lr;
	s5 =	simm.s32 $0xFFFFFFFF;
	p2 =	slt.u32 s8, $0xFFFFF086  }
0x1c: {  	p1 =	slt.u32 s9, $0xF7A;
	s5 =	simm.s32 @!p2 $0x0  }
0x1d: {  	s5 =	simm.s32 @p1 $0x1;
	p0 =	seq.s32 s7, s2  }
0x1e: {  	s7 =	smul.u32 @!p0 $0xF7A, s2;
	p2 =	seq.s32 @!p0 s5, $0x0  }
0x1f: {  	s9 =	smul.u32 $0xF7A, s1;
	s8 =	simm.s32 @!p0 $0x1BF5;
	p2 =	por !p2, p0  }
0x20: {  	[sflag:s8] =	ssyncset.s32 @!p0 $0xFFFFF086;
	s6 =	sadd.s32 @!p0 s3, s7;
	s7 =	simm.s32 @!p0 $0x108  }
0x21: {  	s3 =	sadd.s32 s3, s9;
	s6 =	sadd.s32 @!p0 $0x88, s6;
	s7 =	simm.s32 @p2 $0x1082  }
0x22: {  	[simem:s7], [sflag:s8] =	dma.local @!p0 [hbm:s6], $0xF7A  }
0x23: {  	s9 =	sor.u32 $0xD0000000, s2;
	s6 =	simm.s32 $0x108;
	_ =	swait.ge @!p0 [sflag:s8], $0x0  }
0x24: {  	s3 =	sadd.s32 $0x88, s3;
	s6 =	simm.s32 @!p1 $0x1082;
	[sflag:s4] =	ssyncset.s32 $0xFFFFF086  }
0x25: {  	[simem:s6], [sflag:s4] =	dma.local [hbm:s3], $0xF7A  }
0x26: {  	[smem:$0x3F93] =	sst s1;
	(tag) =	ssettag s2;
	_ =	strace s9  }
0x27: {  	s1 =	sld [smem:$0x3FA3]  }
0x28: {  	s2 =	sld [smem:$0x3FA4]  }
0x29: {  	s4 =	sld [smem:$0x3FA6]  }
0x2a: {  	p0 =	seq.s32 s5, $0x0;
	s5 =	sld [smem:$0x3FA7]  }
0x2b: {  	s6 =	sld [smem:$0x3FA8]  }
0x2c: {  	s7 =	sld [smem:$0x3FA9]  }
0x2d: {  	s3 =	simm.s32 $0x108;
	s8 =	sld [smem:$0x3FAA]  }
0x2e: {  	s3 =	simm.s32 @!p0 $0x1082;
	s9 =	sld [smem:$0x3FAB]  }
0x2f: {  	lr =	sadd.s32 s0, s3;
	s0 =	sld [smem:$0x3FA2]  }
0x30: {  	s3 =	sld [smem:$0x3FA5]  }
0x31: {  	[smem:$0x3FAE] =	sst s10  }
0x32: {  	s10 =	sld [smem:$0x3FAC];
	_ =	sdelay $0x3  }
0x33: {  	p0 =	seq.s32 s10, $0x1;
	s10 =	sld [smem:$0x3FAE];
	_ =	sdelay $0x3  }
0x34: {  	[smem:$0x3FAE] =	sst s10  }
0x35: {  	s10 =	sld [smem:$0x3FAD];
	_ =	sdelay $0x3  }
0x36: {  	p1 =	seq.s32 s10, $0x1;
	s10 =	sld [smem:$0x3FAE];
	_ =	sdelay $0x3  }
0x37: {  	[smem:$0x3FAE] =	sst s10  }
0x38: {  	s10 =	sld [smem:$0x3FAF]  }
0x39: {  	_ = 	snop;
	(pc) =	sbr.ind lr, $3  }
0x3a: {  	_ = 	snop  }
0x3b: {  	_ = 	snop  }
0x3c: {  	p2 =	seq.s32 s10, $0x1;
	s10 =	sld [smem:$0x3FAE]  }
0x3d: {  	_ =	shalt  }
0x3e: {  	_ =	shalt  }
0x3f: {  	_ =	shalt  }
0x40: {  	_ =	shalt  }
0x41: {  	_ =	shalt  }
0x42: {  	_ =	shalt  }
0x43: {  	_ =	shalt  }
0x44: {  	_ =	shalt  }
0x45: {  	_ =	shalt  }
0x46: {  	_ =	shalt  }
0x47: {  	_ =	shalt  }
0x48: {  	_ =	shalt  }
0x49: {  	_ =	shalt  }
0x4a: {  	_ =	shalt  }
0x4b: {  	_ =	shalt  }
0x4c: {  	_ =	shalt  }
0x4d: {  	_ =	shalt  }
0x4e: {  	_ =	shalt  }
0x4f: {  	_ =	shalt  }
0x50: {  	_ =	shalt  }
0x51: {  	_ =	shalt  }
0x52: {  	_ =	shalt  }
0x53: {  	_ =	shalt  }
0x54: {  	_ =	shalt  }
0x55: {  	_ =	shalt  }
0x56: {  	_ =	shalt  }
0x57: {  	_ =	shalt  }
0x58: {  	_ =	shalt  }
0x59: {  	_ =	shalt  }
0x5a: {  	_ =	shalt  }
0x5b: {  	_ =	shalt  }
0x5c: {  	_ =	shalt  }
0x5d: {  	_ =	shalt  }
0x5e: {  	_ =	shalt  }
0x5f: {  	_ =	shalt  }
0x60: {  	_ =	shalt  }
0x61: {  	_ =	shalt  }
0x62: {  	_ =	shalt  }
0x63: {  	_ =	shalt  }
0x64: {  	_ =	shalt  }
0x65: {  	_ =	shalt  }
0x66: {  	_ =	shalt  }
0x67: {  	_ =	shalt  }
0x68: {  	_ =	shalt  }
0x69: {  	_ =	shalt  }
0x6a: {  	_ =	shalt  }
0x6b: {  	_ =	shalt  }
0x6c: {  	_ =	shalt  }
0x6d: {  	_ =	shalt  }
0x6e: {  	_ =	shalt  }
0x6f: {  	_ =	shalt  }
0x70: {  	_ =	shalt  }
0x71: {  	_ =	shalt  }
0x72: {  	_ =	shalt  }
0x73: {  	_ =	shalt  }
0x74: {  	_ =	shalt  }
0x75: {  	_ =	shalt  }
0x76: {  	_ =	shalt  }
0x77: {  	_ =	shalt  }
0x78: {  	_ =	shalt  }
0x79: {  	_ =	shalt  }
0x7a: {  	_ =	shalt  }
0x7b: {  	_ =	shalt  }
0x7c: {  	_ =	shalt  }
0x7d: {  	_ =	shalt  }
0x7e: {  	_ =	shalt  }
0x7f: {  	_ =	shalt  }
0x80: {  	_ =	shalt  }
0x81: {  	_ =	shalt  }
0x82: {  	_ =	shalt  }
0x83: {  	_ =	shalt  }
0x84: {  	_ =	shalt  }
0x85: {  	_ =	shalt  }
0x86: {  	_ =	shalt  }
0x87: {  	_ =	shalt  }
.Lfunc_end0:
.L_simem_size_0:
called_computation.1_lowered:
.L_overlay_start_0:
0x88: {  	s2 =	sld [smem:$0x3FD9]  }
0x89: {  	s3 =	sld [smem:$0x3FFE];
	_ =	sdelay $0x1  }
0x8a: {  	s1 =	srdreg.scid  }
0x8b: {  	s0 =	sand.u32 $0x1, s1  }
0x8c: {  	s17 =	sshll.u32 s0, $0xA;
	s2 =	sadd.s32 s3, s2  }
0x8d: {  	s2 =	sadd.s32 s2, s17  }
0x8e: {  	[smem:$0x3FBA] =	sst s2  }
0x8f: {  	_ = 	snop  }
0x90: {  	s2 =	sld [smem:$0x3FD0];
	(tm) =	ssettm $0x1  }
0x91: {  	s18 =	sld [smem:$0x3FFB];
	_ =	sdelay $0x3  }
0x92: {  	_ =	strace s18  }
0x93: {  	s3 =	sld [smem:$0x3FFC];
	_ =	sdelay $0x3  }
0x94: {  	_ =	strace s3  }
0x95: {  	s3 =	sld [smem:$0x3FFD];
	_ =	sdelay $0x3  }
0x96: {  	_ =	strace s3  }
0x97: {  	_ =	strace $0x8FFFFFFF  }
0x98: {  	s19 =	sld [smem:$0x3FDB];
	_ =	sdelay $0x1  }
0x99: {  	s4 =	simm.s32 $_scs_section_size  }
0x9a: {  	s5 =	simm.s32 $_size__tile_overlayer_lowered;
	s6 =	simm.s32 $_tile_overlayer_lowered  }
0x9b: {  	s22 =	simm.s32 $0x1BFF;
	s21 =	sshll.u32 s6, $0x1;
	s3 =	sadd.s32 s4, s19  }
0x9c: {  	s7 =	simm.s32 $0x0;
	s20 =	sshll.u32 s5, $0x1;
	s5 =	sadd.s32 s21, s3  }
0x9d: {  	[timem:s7], [sflag:s22] =	dma.local [hbm:s5], s20  }
0x9e: {  	_ =	swait.ge [sflag:s22], s20  }
0x9f: {  	s4 =	ssub.s32 $0x0, s20;
	[sflag:s22] =	ssyncset.done $0x0  }
0xa0: {  	[sflag:s22] =	ssyncadd.s32 s4;
	_ =	sdelay $0x1  }
0xa1: {  	s23 =	simm.s32 $0x1B8B  }
0xa2: {  	_ =	swait.ge [sflag:s23], $0x1  }
0xa3: {  	[sflag:s23] =	ssyncset.done $0x0  }
0xa4: {  	s25 =	simm.s32 $0x1B8E;
	s24 =	sld [smem:$0x3FFE];
	[sflag:s23] =	ssyncadd.s32 $0xFFFFFFFF  }
0xa5: {  	s26 =	simm.s32 $execute0_lowered;
	[smem:$0x3FD2] =	sst s25  }
0xa6: {  	s5 =	sshll.u32 s26, $0x1;
	_ =	strace $0x80000046;
	[dreg:$0x1] =	wrdreg $0xFFFFFFFF  }
0xa7: {  	s28 =	simm.s32 $_size_execute0_lowered;
	s3 =	sadd.s32 s3, s5;
	[dreg:$0x0] =	wrdreg $0x0  }
0xa8: {  	s5 =	sshll.u32 s28, $0x1;
	[dreg:$0x2] =	wrdreg s3  }
0xa9: {  	[dreg:$0x3] =	wrdreg s5  }
0xaa: {  	[dreg:$0x4] =	wrdreg $0xC0  }
0xab: {  	_ =	task [dreg:s7], $0x5FFFF  }
0xac: {  	[dreg:$0x1] =	wrdreg $0xFFFFFFFF  }
0xad: {  	[dreg:$0x0] =	wrdreg $0x60  }
0xae: {  	[dreg:$0x2] =	wrdreg s2  }
0xaf: {  	[dreg:$0x3] =	wrdreg s24  }
0xb0: {  	[dreg:$0x4] =	wrdreg $0x9  }
0xb1: {  	_ =	task.clear_ibuf [dreg:s7], $0x5FFFF;
	_ =	strace $0x90000046  }
0xb2: {  	s29 =	simm.s32 $0x9;
	_ =	strace $0x80000048  }
0xb3: {  	_ =	swait.ge [sflag:s29], $0x1  }
0xb4: {  	[sflag:s29] =	ssyncadd.s32 $0xFFFFFFFF  }
0xb5: {  	_ =	strace $0x90000048  }
0xb6: {  	_ =	sfence  }
0xb7: {  	s30 =	sld [smem:$0x0];
	_ =	sdelay $0x2  }
0xb8: {  	s31 =	sshll.u32 s1, $0xD;
	s1 =	sshrl.u32 s1, $0x2  }
0xb9: {  	s3 =	sand.u32 $0x4000, s31;
	s1 =	sadd.s32 s1, s30  }
0xba: {  	s0 =	sor.u32 s3, s0;
	s1 =	sshll.u32 s1, $0x11  }
0xbb: {  	s0 =	sor.u32 s1, s0  }
0xbc: {  	s0 =	sadd.s32 $0x8F2B, s0  }
0xbd: {  	[sflag:s0] =	ssyncadd.remote.s32 $0x1  }
0xbe: {  	_ =	sfence.sel $0xFFFF  }
0xbf: {  	[dreg:$0x0] =	wrdreg $0xFFFFFFFF;
	(pc) =	sbr.abs _section_cstart, $3  }
0xc0: {  	[dreg:$0x1] =	wrdreg $0xFFFFFFFF  }
0xc1: {  	_ =	task.clear_ibuf [dreg:s7], $0x2FFFF;
	_ =	strace $0x9FFFFFFF  }
0xc2: {  	(tm) =	ssettm $0x7FFFFFFF  }
0xc3: {  	_ =	shalt  }
tec
execute0_lowered:
.L_overlay_start_1:
0x0: {  	(tag) =	ssettag $0x1  }
0x1: {  	s1 =	srdreg.scid;
	s2 =	rddreg [dreg:$0x0]  }
0x2: {  	s0 =	stileid.u32;
	s5 =	rddreg [dreg:$0x1];
	s6 =	simm.s32 $0x1  }
0x3: {  	s9 =	simm.s32 $0x1;
	s10 =	simm.s32 $0x3;
	s1 =	sshll.u32 s1, $0x6  }
0x4: {  	s13 =	simm.s32 $0x0;
	s3 =	sshll.u32 s0, $0x7;
	s4 =	sand.u32 $0x40, s1  }
0x5: {  	s12 =	simm.s32 $0x0;
	s1 =	rddreg [dreg:$0x2];
	s3 =	sor.u32 s3, s4  }
0x6: {  	_ =	strace $0x80000047;
	s4 =	sadd.s32 $0x1000, s5;
	s8 =	ssub.s32 $0x1000, s3  }
.Ltmp0:
0x7: {  	s5 =	sadd.s32 $0x1200, s5;
	s7 =	sand.u32 $0x7C0, s8;
	(pc) =	sbr.rel .LBB2_1-.Ltmp0, $4  }
0x8: {  	[sflag:s6] =	ssyncpa.u1 $0x0;
	s11 =	smov.u32 s3;
	p0 =	sne.s32 s7, $0x0  }
0x9: {  	s8 =	sshrl.u32 s8, $0xB;
	s7 =	simm.s32 $0x2;
	s9 =	simm.s32 @!p0 $0x0  }
0xa: {  	[sflag:s7] =	ssyncpa.u1 $0x0;
	p0 =	por $0x0, $0x0;
	s8 =	sadd.s32 s9, s8  }
0xb: {  	vm0 =	vmmov $0xffff;
	[sflag:s10] =	ssyncpa.u1 $0x0;
	s10 =	simm.s32 $0x0;
	s9 =	sadd.s32 $0x1, s8  }
.LBB2_4:
0xc: {  	vm1 =	veq.s32 v1, $0x80000000;
	v2 =	vand.u32 $0x3FF, v2  }
0xd: {  	v63 =	vand.u32 $0x3, v1;
	v2 =	vsel vm1, $0xFFFFFFFF, v2  }
0xe: {  	v1 =	vsel vm1, $0xFFFFFFFF, v63;
	v3 =	vshll.u32 v2, $0x2  }
0xf: {  	v4 =	vand.u32 $0xFFFFF000, v1;
	v1 =	vshll.u32 v1, $0x7;
	v3 =	vand.u32 $0xFFFFFE00, v3  }
0x10: {  	v1 =	vand.u32 $0x180, v1;
	v3 =	vadd.s32 v4, v3  }
0x11: {  	v2 =	vand.u32 $0x7F, v2;
	v1 =	vor.u32 v1, v3  }
0x12: {  	v1 =	vor.u32 v2, v1;
	_ =	sdelay $0x1  }
0x13: {  	(ifvalue) =	ssetifvalue $0x7FFFFFFF;
	s14 =	sadd.s32 $0x10, s14  }
0x14: {  	[tilespmem:s14], [sflag:$0x1] =	stream.indirect_vreg.gather [hbm4b:s2+s10], $0x1, v0, vm0, $0x4038;
	[tilespmem:$0x100] =	vst v63  }
0x15: {  	(ifvalue) =	ssetifvalue $0x7FFFFFFF;
	s14 =	sadd.s32 $0x10, s14  }
0x16: {  	[tilespmem:s14], [sflag:$0x1] =	stream.indirect_vreg.gather [hbm4b:s2+s10], $0x1, v1, vm0, $0x4038;
	[tilespmem:$0x100] =	vst v63  }
0x17: {  	_ =	swait.ge [sflag:s6], $0x40  }
0x18: {  	s30 =	sshrl.u32 s13, $0x3;
	[sflag:s6] =	ssyncset.done $0x0  }
0x19: {  	s31 =	sand.u32 $0x7, s13;
	s14 =	sadd.s32 s5, s30;
	[sflag:s6] =	ssyncadd.s32 $0xFFFFFFC0  }
0x1a: {  	[hbm4b:s14+s31] =	stream.linear.scatter [tilespmem:s15], [sflag:$0x3], $0x40, $0x38;
	[tilespmem:$0x100] =	vst v63  }
.LBB2_5:
0x1b: {  	s15 =	sadd.s32 $0x800, s11  }
0x1c: {  	p2 =	sgt.s32 s15, $0xFFF  }
0x1d: {  	s15 =	smov.u32 @p2 s3;
	p2 =	sne.s32 s12, s9  }
.Ltmp1:
0x1e: {  	p1 =	slt.u32 s12, $0x2;
	(pc) =	sbr.rel @!p2 .LBB2_6-.Ltmp1, $4  }
0x1f: {  	s14 =	simm.s32 @!p1 $0x3  }
0x20: {  	s16 =	sadd.s32 $0x1, s12;
	_ =	swait.ge @!p1 [sflag:s14], $0x40  }
0x21: {  	s13 =	smov.u32 s11;
	p0 =	por !p0, !p0;
	[sflag:s14] =	ssyncset.done @!p1 $0x0  }
0x22: {  	s12 =	smov.u32 s16;
	s11 =	smov.u32 s15;
	[sflag:s14] =	ssyncadd.s32 @!p1 $0xFFFFFFC0  }
.LBB2_1:
0x23: {  	p1 =	sge.u32 s12, s8  }
0x24: {  	s14 =	sxor.u32 @!p1 $0xFFFFFFFF, s12  }
0x25: {  	s31 =	sadd.s32 $0xFFFFFFFF, s12;
	s15 =	sshrl.u32 @!p1 s11, $0x3;
	s14 =	sshll.u32 @!p1 s14, $0x6  }
0x26: {  	s16 =	sand.u32 @!p1 $0x7, s11;
	s15 =	sadd.s32 @!p1 s4, s15;
	s14 =	sand.u32 @!p1 $0x40, s14  }
0x27: {  	[tilespmem:s14], [sflag:$0x2] =	stream.linear.gather @!p1 [hbm4b:s15+s16], $0x40, $0x38;
	[tilespmem:$0x100] =	vst v63  }
0x28: {  	p1 =	sge.u32 s31, s8  }
.Ltmp2:
0x29: {  	_ = 	snop;
	(pc) =	sbr.rel @p1 .LBB2_5-.Ltmp2, $1  }
0x2a: {  	_ =	sdelay $0x3  }
0x2b: {  	s14 =	simm.s32 $0x1  }
0x2c: {  	_ =	swait.ge [sflag:s7], $0x40;
	s14 =	simm.s32 @!p0 $0x0  }
0x2d: {  	[sflag:s7] =	ssyncset.done $0x0;
	s14 =	sshll.u32 s14, $0x6  }
0x2e: {  	[sflag:s7] =	ssyncadd.s32 $0xFFFFFFC0;
	(ifvalue) =	ssetifvalue $0x7FFFFFFF;
	v0 =	vld.msk [tilespmem:s14+$0x0 ss:$0x1], $0xffff;
	_ =	sdelay $0x4  }
0x2f: {  	s15 =	sadd.s32 $0x10, s14;
	v1 =	vshrl.u32 v0, $0x2  }
0x30: {  	v2 =	vld.msk [tilespmem:s15+$0x0 ss:$0x1], $0xffff;
	vm1 =	veq.s32 v0, $0x80000000;
	v1 =	vand.u32 $0x3FF, v1  }
0x31: {  	v0 =	vand.u32 $0x3, v0;
	v1 =	vsel vm1, $0xFFFFFFFF, v1  }
0x32: {  	v0 =	vsel vm1, $0xFFFFFFFF, v0;
	v3 =	vshll.u32 v1, $0x2  }
0x33: {  	v4 =	vand.u32 $0xFFFFF000, v0;
	v0 =	vshll.u32 v0, $0x7;
	v3 =	vand.u32 $0xFFFFFE00, v3  }
0x34: {  	v0 =	vand.u32 $0x180, v0;
	v3 =	vadd.s32 v4, v3  }
0x35: {  	v1 =	vand.u32 $0x7F, v1;
	v0 =	vor.u32 v0, v3;
	v3 =	vshrl.u32 v2, $0x2  }
0x36: {  	s17 =	sadd.s32 $0x10, s15;
	vm1 =	veq.s32 v2, $0x80000000;
	v0 =	vor.u32 v1, v0;
	v3 =	vand.u32 $0x3FF, v3  }
0x37: {  	v2 =	vand.u32 $0x3, v2;
	v1 =	vld.msk [tilespmem:s17+$0x0 ss:$0x1], $0xffff;
	v3 =	vsel vm1, $0xFFFFFFFF, v3  }
0x38: {  	v2 =	vsel vm1, $0xFFFFFFFF, v2;
	v63 =	vshll.u32 v3, $0x2  }
0x39: {  	s31 =	sshll.u32 s12, $0x6;
	v5 =	vand.u32 $0xFFFFF000, v2;
	v2 =	vshll.u32 v2, $0x7;
	v4 =	vand.u32 $0xFFFFFE00, v63  }
0x3a: {  	s14 =	sor.u32 $0x80, s14;
	s15 =	sand.u32 $0x40, s31;
	(ifvalue) =	ssetifvalue $0x7FFFFFFF;
	v2 =	vand.u32 $0x180, v2;
	v4 =	vadd.s32 v5, v4  }
0x3b: {  	[tilespmem:s14], [sflag:$0x1] =	stream.indirect_vreg.gather [hbm4b:s2+s10], $0x1, v0, vm0, $0x4038;
	v0 =	vand.u32 $0x7F, v3;
	v3 =	vor.u32 v2, v4;
	[tilespmem:$0x100] =	vst v63  }
0x3c: {  	s16 =	simm.s32 $0x20;
	s15 =	sor.u32 $0x80, s15;
	s17 =	sadd.s32 $0x10, s17;
	v2 =	vshrl.u32 v1, $0x2;
	v0 =	vor.u32 v0, v3  }
.LBB2_3:
0x3d: {  	v3 =	vld.msk [tilespmem:s17+$0x0 ss:$0x1], $0xffff;
	s16 =	sadd.s32 $0x10, s16;
	vm1 =	veq.s32 v1, $0x80000000;
	v2 =	vand.u32 $0x3FF, v2  }
0x3e: {  	v1 =	vand.u32 $0x3, v1;
	p1 =	slt.u32 s16, $0x30;
	v2 =	vsel vm1, $0xFFFFFFFF, v2  }
.Ltmp3:
0x3f: {  	v1 =	vsel vm1, $0xFFFFFFFF, v1;
	v4 =	vshll.u32 v2, $0x2;
	(pc) =	sbr.rel @p1 .LBB2_3-.Ltmp3, $4  }
0x40: {  	s14 =	sadd.s32 $0x10, s14;
	v5 =	vand.u32 $0xFFFFF000, v1;
	v1 =	vshll.u32 v1, $0x7;
	v4 =	vand.u32 $0xFFFFFE00, v4;
	(ifvalue) =	ssetifvalue $0x7FFFFFFF  }
0x41: {  	v4 =	vadd.s32 v5, v4;
	v5 =	vand.u32 $0x180, v1;
	[tilespmem:s14], [sflag:$0x1] =	stream.indirect_vreg.gather [hbm4b:s2+s10], $0x1, v0, vm0, $0x4038;
	[tilespmem:$0x100] =	vst v63  }
0x42: {  	v0 =	vand.u32 $0x7F, v2;
	v4 =	vor.u32 v5, v4  }
0x43: {  	s17 =	sadd.s32 $0x10, s17;
	v2 =	vshrl.u32 v3, $0x2;
	v1 =	vmov v3;
	v0 =	vor.u32 v0, v4  }
.Ltmp4:
0x44: {  	_ = 	snop;
	(pc) =	sbr.rel .LBB2_4-.Ltmp4, $1  }
0x45: {  	_ =	sdelay $0x3  }
.LBB2_6:
0x46: {  	_ =	sfence.sel $0x180000  }
0x47: {  	s2 =	simm.s32 $0x2;
	[bflag:$0x0] =	sbarrier.arrive $0xFFFF  }
0x48: {  	s30 =	simm.s32 $0x3;
	[sflag:s2] =	ssyncpa.u1 $0x1  }
0x49: {  	s31 =	simm.s32 $0x1;
	[sflag:s30] =	ssyncpa.u1 $0x1  }
0x4a: {  	[sflag:s31] =	ssyncpa.u1 $0x1  }
0x4b: {  	p0 =	sne.s32 s0, $0x0;
	_ =	strace $0x90000047  }
0x4c: {  	s0 =	sadd.s32 @!p0 $0x100000, s1;
	[bflag:$0x2] =	sbarrier.arrive $0xFFFF  }
0x4d: {  	[sflag:s0] =	ssyncadd.tile.s32 @!p0 $0x1;
	_ =	shalt  }
.Lfunc_end2:
_tile_overlayer_lowered:
.L_overlay_start_2:
0x4e: {  	(tag) =	ssettag $0x2  }
0x4f: {  	s0 =	rddreg [dreg:$0x0];
	s2 =	stileid.u32  }
0x50: {  	s1 =	rddreg [dreg:$0x1];
	p0 =	sne.s32 s2, $0x0  }
0x51: {  	s3 =	rddreg [dreg:$0x2];
	[bflag:$0x3] =	sbarrier.arrive $0xFFFF;
	s2 =	simm.s32 @!p0 $0x1C01  }
0x52: {  	[timem:s3], [sflag:s2] =	dma.local @!p0 [hbm:s0], s1  }
0x53: {  	s0 =	simm.s32 @!p0 $0x1  }
0x54: {  	_ =	swait.ge @!p0 [sflag:s0], s1  }
0x55: {  	s1 =	ssub.s32 @!p0 $0x0, s1;
	[sflag:s0] =	ssyncset.done @!p0 $0x0  }
0x56: {  	[sflag:s0] =	ssyncadd.s32 @!p0 s1  }
0x57: {  	[bflag:$0x3] =	sbarrier.arrive $0xFFFF  }
0x58: {  	_ =	shalt  }

// kernel: gather_offload_async_start
scs
__scs_entry_jumppad:
0x0: {  	(pc) =	sbr.rel $0x88, $3  }
0x1: {  	(tag) =	ssettag $0x0;
	lr =	simm.s32 $0x1  }
0x2: {  	[smem:$0x3F93] =	sst lr;
	_ =	strace $0xD0000000  }
0x3: {  	_ = 	snop  }
0x4: {  	_ = 	snop  }
0x5: {  	_ = 	snop  }
0x6: {  	_ = 	snop  }
0x7: {  	_ = 	snop  }
__scs_overlays_trampoline_lowered:
0x8: {  	[smem:$0x3FA2] =	sst s0  }
0x9: {  	[smem:$0x3FA3] =	sst s1  }
0xa: {  	[smem:$0x3FA4] =	sst s2  }
0xb: {  	[smem:$0x3FA5] =	sst s3  }
0xc: {  	[smem:$0x3FA6] =	sst s4  }
0xd: {  	[smem:$0x3FA7] =	sst s5  }
0xe: {  	[smem:$0x3FA8] =	sst s6  }
0xf: {  	[smem:$0x3FA9] =	sst s7  }
0x10: {  	[smem:$0x3FAA] =	sst s8  }
0x11: {  	[smem:$0x3FAB] =	sst s9;
	s0 =	simm.s32 @!p0 $0x0  }
0x12: {  	s1 =	sld [smem:$0x3F91];
	s0 =	simm.s32 @p0 $0x1  }
0x13: {  	[smem:$0x3FAC] =	sst s0;
	s0 =	simm.s32 @!p1 $0x0  }
0x14: {  	s2 =	sld [smem:$0x3F90];
	s0 =	simm.s32 @p1 $0x1  }
0x15: {  	[smem:$0x3FAD] =	sst s0;
	s0 =	simm.s32 @!p2 $0x0  }
0x16: {  	s3 =	sld [smem:$0x3FDB];
	s0 =	simm.s32 @p2 $0x1  }
0x17: {  	s4 =	simm.s32 $0x1BF5;
	[smem:$0x3FAF] =	sst s0  }
0x18: {  	s0 =	sld [smem:$0x3F92];
	_ =	swait.ge [sflag:s4], $0x0  }
0x19: {  	s7 =	sld [smem:$0x3F93]  }
0x1a: {  	s8 =	sadd.s32 $0xFFFFE003, lr  }
0x1b: {  	s9 =	sadd.s32 $0xFFFFFEF7, lr;
	s5 =	simm.s32 $0xFFFFFFFF;
	p2 =	slt.u32 s8, $0xFFFFF086  }
0x1c: {  	p1 =	slt.u32 s9, $0xF7A;
	s5 =	simm.s32 @!p2 $0x0  }
0x1d: {  	s5 =	simm.s32 @p1 $0x1;
	p0 =	seq.s32 s7, s2  }
0x1e: {  	s7 =	smul.u32 @!p0 $0xF7A, s2;
	p2 =	seq.s32 @!p0 s5, $0x0  }
0x1f: {  	s9 =	smul.u32 $0xF7A, s1;
	s8 =	simm.s32 @!p0 $0x1BF5;
	p2 =	por !p2, p0  }
0x20: {  	[sflag:s8] =	ssyncset.s32 @!p0 $0xFFFFF086;
	s6 =	sadd.s32 @!p0 s3, s7;
	s7 =	simm.s32 @!p0 $0x108  }
0x21: {  	s3 =	sadd.s32 s3, s9;
	s6 =	sadd.s32 @!p0 $0x88, s6;
	s7 =	simm.s32 @p2 $0x1082  }
0x22: {  	[simem:s7], [sflag:s8] =	dma.local @!p0 [hbm:s6], $0xF7A  }
0x23: {  	s9 =	sor.u32 $0xD0000000, s2;
	s6 =	simm.s32 $0x108;
	_ =	swait.ge @!p0 [sflag:s8], $0x0  }
0x24: {  	s3 =	sadd.s32 $0x88, s3;
	s6 =	simm.s32 @!p1 $0x1082;
	[sflag:s4] =	ssyncset.s32 $0xFFFFF086  }
0x25: {  	[simem:s6], [sflag:s4] =	dma.local [hbm:s3], $0xF7A  }
0x26: {  	[smem:$0x3F93] =	sst s1;
	(tag) =	ssettag s2;
	_ =	strace s9  }
0x27: {  	s1 =	sld [smem:$0x3FA3]  }
0x28: {  	s2 =	sld [smem:$0x3FA4]  }
0x29: {  	s4 =	sld [smem:$0x3FA6]  }
0x2a: {  	p0 =	seq.s32 s5, $0x0;
	s5 =	sld [smem:$0x3FA7]  }
0x2b: {  	s6 =	sld [smem:$0x3FA8]  }
0x2c: {  	s7 =	sld [smem:$0x3FA9]  }
0x2d: {  	s3 =	simm.s32 $0x108;
	s8 =	sld [smem:$0x3FAA]  }
0x2e: {  	s3 =	simm.s32 @!p0 $0x1082;
	s9 =	sld [smem:$0x3FAB]  }
0x2f: {  	lr =	sadd.s32 s0, s3;
	s0 =	sld [smem:$0x3FA2]  }
0x30: {  	s3 =	sld [smem:$0x3FA5]  }
0x31: {  	[smem:$0x3FAE] =	sst s10  }
0x32: {  	s10 =	sld [smem:$0x3FAC];
	_ =	sdelay $0x3  }
0x33: {  	p0 =	seq.s32 s10, $0x1;
	s10 =	sld [smem:$0x3FAE];
	_ =	sdelay $0x3  }
0x34: {  	[smem:$0x3FAE] =	sst s10  }
0x35: {  	s10 =	sld [smem:$0x3FAD];
	_ =	sdelay $0x3  }
0x36: {  	p1 =	seq.s32 s10, $0x1;
	s10 =	sld [smem:$0x3FAE];
	_ =	sdelay $0x3  }
0x37: {  	[smem:$0x3FAE] =	sst s10  }
0x38: {  	s10 =	sld [smem:$0x3FAF]  }
0x39: {  	_ = 	snop;
	(pc) =	sbr.ind lr, $3  }
0x3a: {  	_ = 	snop  }
0x3b: {  	_ = 	snop  }
0x3c: {  	p2 =	seq.s32 s10, $0x1;
	s10 =	sld [smem:$0x3FAE]  }
0x3d: {  	_ =	shalt  }
0x3e: {  	_ =	shalt  }
0x3f: {  	_ =	shalt  }
0x40: {  	_ =	shalt  }
0x41: {  	_ =	shalt  }
0x42: {  	_ =	shalt  }
0x43: {  	_ =	shalt  }
0x44: {  	_ =	shalt  }
0x45: {  	_ =	shalt  }
0x46: {  	_ =	shalt  }
0x47: {  	_ =	shalt  }
0x48: {  	_ =	shalt  }
0x49: {  	_ =	shalt  }
0x4a: {  	_ =	shalt  }
0x4b: {  	_ =	shalt  }
0x4c: {  	_ =	shalt  }
0x4d: {  	_ =	shalt  }
0x4e: {  	_ =	shalt  }
0x4f: {  	_ =	shalt  }
0x50: {  	_ =	shalt  }
0x51: {  	_ =	shalt  }
0x52: {  	_ =	shalt  }
0x53: {  	_ =	shalt  }
0x54: {  	_ =	shalt  }
0x55: {  	_ =	shalt  }
0x56: {  	_ =	shalt  }
0x57: {  	_ =	shalt  }
0x58: {  	_ =	shalt  }
0x59: {  	_ =	shalt  }
0x5a: {  	_ =	shalt  }
0x5b: {  	_ =	shalt  }
0x5c: {  	_ =	shalt  }
0x5d: {  	_ =	shalt  }
0x5e: {  	_ =	shalt  }
0x5f: {  	_ =	shalt  }
0x60: {  	_ =	shalt  }
0x61: {  	_ =	shalt  }
0x62: {  	_ =	shalt  }
0x63: {  	_ =	shalt  }
0x64: {  	_ =	shalt  }
0x65: {  	_ =	shalt  }
0x66: {  	_ =	shalt  }
0x67: {  	_ =	shalt  }
0x68: {  	_ =	shalt  }
0x69: {  	_ =	shalt  }
0x6a: {  	_ =	shalt  }
0x6b: {  	_ =	shalt  }
0x6c: {  	_ =	shalt  }
0x6d: {  	_ =	shalt  }
0x6e: {  	_ =	shalt  }
0x6f: {  	_ =	shalt  }
0x70: {  	_ =	shalt  }
0x71: {  	_ =	shalt  }
0x72: {  	_ =	shalt  }
0x73: {  	_ =	shalt  }
0x74: {  	_ =	shalt  }
0x75: {  	_ =	shalt  }
0x76: {  	_ =	shalt  }
0x77: {  	_ =	shalt  }
0x78: {  	_ =	shalt  }
0x79: {  	_ =	shalt  }
0x7a: {  	_ =	shalt  }
0x7b: {  	_ =	shalt  }
0x7c: {  	_ =	shalt  }
0x7d: {  	_ =	shalt  }
0x7e: {  	_ =	shalt  }
0x7f: {  	_ =	shalt  }
0x80: {  	_ =	shalt  }
0x81: {  	_ =	shalt  }
0x82: {  	_ =	shalt  }
0x83: {  	_ =	shalt  }
0x84: {  	_ =	shalt  }
0x85: {  	_ =	shalt  }
0x86: {  	_ =	shalt  }
0x87: {  	_ =	shalt  }
.Lfunc_end0:
.L_simem_size_0:
called_computation_lowered:
.L_overlay_start_0:
0x88: {  	s2 =	sld [smem:$0x3FD9]  }
0x89: {  	s3 =	sld [smem:$0x3FFE];
	_ =	sdelay $0x1  }
0x8a: {  	s1 =	srdreg.scid  }
0x8b: {  	s0 =	sand.u32 $0x1, s1  }
0x8c: {  	s17 =	sshll.u32 s0, $0xA;
	s2 =	sadd.s32 s3, s2  }
0x8d: {  	s2 =	sadd.s32 s2, s17  }
0x8e: {  	[smem:$0x3FBA] =	sst s2  }
0x8f: {  	_ = 	snop  }
0x90: {  	s2 =	sld [smem:$0x3FD0];
	(tm) =	ssettm $0x1  }
0x91: {  	s18 =	sld [smem:$0x3FFB];
	_ =	sdelay $0x3  }
0x92: {  	_ =	strace s18  }
0x93: {  	s3 =	sld [smem:$0x3FFC];
	_ =	sdelay $0x3  }
0x94: {  	_ =	strace s3  }
0x95: {  	s3 =	sld [smem:$0x3FFD];
	_ =	sdelay $0x3  }
0x96: {  	_ =	strace s3  }
0x97: {  	_ =	strace $0x8FFFFFFF  }
0x98: {  	s19 =	sld [smem:$0x3FDB];
	_ =	sdelay $0x1  }
0x99: {  	s4 =	simm.s32 $_scs_section_size  }
0x9a: {  	s5 =	simm.s32 $_size__tile_overlayer_lowered;
	s6 =	simm.s32 $_tile_overlayer_lowered  }
0x9b: {  	s22 =	simm.s32 $0x1BFF;
	s21 =	sshll.u32 s6, $0x1;
	s3 =	sadd.s32 s4, s19  }
0x9c: {  	s7 =	simm.s32 $0x0;
	s20 =	sshll.u32 s5, $0x1;
	s5 =	sadd.s32 s21, s3  }
0x9d: {  	[timem:s7], [sflag:s22] =	dma.local [hbm:s5], s20  }
0x9e: {  	_ =	swait.ge [sflag:s22], s20  }
0x9f: {  	s4 =	ssub.s32 $0x0, s20;
	[sflag:s22] =	ssyncset.done $0x0  }
0xa0: {  	[sflag:s22] =	ssyncadd.s32 s4;
	_ =	sdelay $0x1  }
0xa1: {  	s23 =	simm.s32 $0x1B8B  }
0xa2: {  	_ =	swait.ge [sflag:s23], $0x1  }
0xa3: {  	[sflag:s23] =	ssyncset.done $0x0  }
0xa4: {  	s25 =	simm.s32 $0x1B8E;
	s24 =	sld [smem:$0x3FFE];
	[sflag:s23] =	ssyncadd.s32 $0xFFFFFFFF  }
0xa5: {  	s26 =	simm.s32 $execute0_lowered;
	[smem:$0x3FD2] =	sst s25  }
0xa6: {  	s5 =	sshll.u32 s26, $0x1;
	_ =	strace $0x80000049;
	[dreg:$0x1] =	wrdreg $0xFFFFFFFF  }
0xa7: {  	s28 =	simm.s32 $_size_execute0_lowered;
	s3 =	sadd.s32 s3, s5;
	[dreg:$0x0] =	wrdreg $0x0  }
0xa8: {  	s5 =	sshll.u32 s28, $0x1;
	[dreg:$0x2] =	wrdreg s3  }
0xa9: {  	[dreg:$0x3] =	wrdreg s5  }
0xaa: {  	[dreg:$0x4] =	wrdreg $0xC0  }
0xab: {  	_ =	task [dreg:s7], $0x5FFFF  }
0xac: {  	[dreg:$0x1] =	wrdreg $0xFFFFFFFF  }
0xad: {  	[dreg:$0x0] =	wrdreg $0x60  }
0xae: {  	[dreg:$0x2] =	wrdreg s24  }
0xaf: {  	[dreg:$0x3] =	wrdreg s2  }
0xb0: {  	[dreg:$0x4] =	wrdreg $0x9  }
0xb1: {  	_ =	task.clear_ibuf [dreg:s7], $0x5FFFF;
	_ =	strace $0x90000049  }
0xb2: {  	s29 =	simm.s32 $0x9;
	_ =	strace $0x8000004B  }
0xb3: {  	_ =	swait.ge [sflag:s29], $0x1  }
0xb4: {  	[sflag:s29] =	ssyncadd.s32 $0xFFFFFFFF  }
0xb5: {  	_ =	strace $0x9000004B  }
0xb6: {  	_ =	sfence  }
0xb7: {  	s30 =	sld [smem:$0x0];
	_ =	sdelay $0x2  }
0xb8: {  	s31 =	sshll.u32 s1, $0xD;
	s1 =	sshrl.u32 s1, $0x2  }
0xb9: {  	s3 =	sand.u32 $0x4000, s31;
	s1 =	sadd.s32 s1, s30  }
0xba: {  	s0 =	sor.u32 s3, s0;
	s1 =	sshll.u32 s1, $0x11  }
0xbb: {  	s0 =	sor.u32 s1, s0  }
0xbc: {  	s0 =	sadd.s32 $0x8F2B, s0  }
0xbd: {  	[sflag:s0] =	ssyncadd.remote.s32 $0x1  }
0xbe: {  	_ =	sfence.sel $0xFFFF  }
0xbf: {  	[dreg:$0x0] =	wrdreg $0xFFFFFFFF;
	(pc) =	sbr.abs _section_cstart, $3  }
0xc0: {  	[dreg:$0x1] =	wrdreg $0xFFFFFFFF  }
0xc1: {  	_ =	task.clear_ibuf [dreg:s7], $0x2FFFF;
	_ =	strace $0x9FFFFFFF  }
0xc2: {  	(tm) =	ssettm $0x7FFFFFFF  }
0xc3: {  	_ =	shalt  }
tec
execute0_lowered:
.L_overlay_start_1:
0x0: {  	(tag) =	ssettag $0x1  }
0x1: {  	s1 =	srdreg.scid;
	s5 =	rddreg [dreg:$0x0]  }
0x2: {  	s0 =	stileid.u32;
	s2 =	rddreg [dreg:$0x1];
	s6 =	simm.s32 $0x1  }
0x3: {  	s9 =	simm.s32 $0x1;
	s10 =	simm.s32 $0x3;
	s1 =	sshll.u32 s1, $0x6  }
0x4: {  	s13 =	simm.s32 $0x0;
	s3 =	sshll.u32 s0, $0x7;
	s4 =	sand.u32 $0x40, s1  }
0x5: {  	s12 =	simm.s32 $0x0;
	s1 =	rddreg [dreg:$0x2];
	s3 =	sor.u32 s3, s4  }
0x6: {  	_ =	strace $0x8000004A;
	s4 =	sadd.s32 $0xE00, s5;
	s8 =	ssub.s32 $0x1000, s3  }
.Ltmp0:
0x7: {  	s5 =	sadd.s32 $0x1000, s5;
	s7 =	sand.u32 $0x7C0, s8;
	(pc) =	sbr.rel .LBB2_1-.Ltmp0, $4  }
0x8: {  	[sflag:s6] =	ssyncpa.u1 $0x0;
	s11 =	smov.u32 s3;
	p0 =	sne.s32 s7, $0x0  }
0x9: {  	s8 =	sshrl.u32 s8, $0xB;
	s7 =	simm.s32 $0x2;
	s9 =	simm.s32 @!p0 $0x0  }
0xa: {  	[sflag:s7] =	ssyncpa.u1 $0x0;
	p0 =	por $0x0, $0x0;
	s8 =	sadd.s32 s9, s8  }
0xb: {  	vm0 =	vmmov $0xffff;
	[sflag:s10] =	ssyncpa.u1 $0x0;
	s10 =	simm.s32 $0x0;
	s9 =	sadd.s32 $0x1, s8  }
.LBB2_4:
0xc: {  	vm1 =	veq.s32 v1, $0x80000000;
	v2 =	vand.u32 $0x3FF, v2  }
0xd: {  	v63 =	vand.u32 $0x3, v1;
	v2 =	vsel vm1, $0xFFFFFFFF, v2  }
0xe: {  	v1 =	vsel vm1, $0xFFFFFFFF, v63;
	v3 =	vshll.u32 v2, $0x2  }
0xf: {  	v4 =	vand.u32 $0xFFFFF000, v1;
	v1 =	vshll.u32 v1, $0x7;
	v3 =	vand.u32 $0xFFFFFE00, v3  }
0x10: {  	v1 =	vand.u32 $0x180, v1;
	v3 =	vadd.s32 v4, v3  }
0x11: {  	v2 =	vand.u32 $0x7F, v2;
	v1 =	vor.u32 v1, v3  }
0x12: {  	v1 =	vor.u32 v2, v1;
	_ =	sdelay $0x1  }
0x13: {  	(ifvalue) =	ssetifvalue $0x7FFFFFFF;
	s14 =	sadd.s32 $0x10, s14  }
0x14: {  	[tilespmem:s14], [sflag:$0x1] =	stream.indirect_vreg.gather [hbm4b:s4+s10], $0x1, v0, vm0, $0x4038;
	[tilespmem:$0x100] =	vst v63  }
0x15: {  	(ifvalue) =	ssetifvalue $0x7FFFFFFF;
	s14 =	sadd.s32 $0x10, s14  }
0x16: {  	[tilespmem:s14], [sflag:$0x1] =	stream.indirect_vreg.gather [hbm4b:s4+s10], $0x1, v1, vm0, $0x4038;
	[tilespmem:$0x100] =	vst v63  }
0x17: {  	_ =	swait.ge [sflag:s6], $0x40  }
0x18: {  	s30 =	sshrl.u32 s13, $0x3;
	[sflag:s6] =	ssyncset.done $0x0  }
0x19: {  	s31 =	sand.u32 $0x7, s13;
	s14 =	sadd.s32 s2, s30;
	[sflag:s6] =	ssyncadd.s32 $0xFFFFFFC0  }
0x1a: {  	[hbm4b:s14+s31] =	stream.linear.scatter [tilespmem:s15], [sflag:$0x3], $0x40, $0x38;
	[tilespmem:$0x100] =	vst v63  }
.LBB2_5:
0x1b: {  	s15 =	sadd.s32 $0x800, s11  }
0x1c: {  	p2 =	sgt.s32 s15, $0xFFF  }
0x1d: {  	s15 =	smov.u32 @p2 s3;
	p2 =	sne.s32 s12, s9  }
.Ltmp1:
0x1e: {  	p1 =	slt.u32 s12, $0x2;
	(pc) =	sbr.rel @!p2 .LBB2_6-.Ltmp1, $4  }
0x1f: {  	s14 =	simm.s32 @!p1 $0x3  }
0x20: {  	s16 =	sadd.s32 $0x1, s12;
	_ =	swait.ge @!p1 [sflag:s14], $0x40  }
0x21: {  	s13 =	smov.u32 s11;
	p0 =	por !p0, !p0;
	[sflag:s14] =	ssyncset.done @!p1 $0x0  }
0x22: {  	s12 =	smov.u32 s16;
	s11 =	smov.u32 s15;
	[sflag:s14] =	ssyncadd.s32 @!p1 $0xFFFFFFC0  }
.LBB2_1:
0x23: {  	p1 =	sge.u32 s12, s8  }
0x24: {  	s14 =	sxor.u32 @!p1 $0xFFFFFFFF, s12  }
0x25: {  	s31 =	sadd.s32 $0xFFFFFFFF, s12;
	s15 =	sshrl.u32 @!p1 s11, $0x3;
	s14 =	sshll.u32 @!p1 s14, $0x6  }
0x26: {  	s16 =	sand.u32 @!p1 $0x7, s11;
	s15 =	sadd.s32 @!p1 s5, s15;
	s14 =	sand.u32 @!p1 $0x40, s14  }
0x27: {  	[tilespmem:s14], [sflag:$0x2] =	stream.linear.gather @!p1 [hbm4b:s15+s16], $0x40, $0x38;
	[tilespmem:$0x100] =	vst v63  }
0x28: {  	p1 =	sge.u32 s31, s8  }
.Ltmp2:
0x29: {  	_ = 	snop;
	(pc) =	sbr.rel @p1 .LBB2_5-.Ltmp2, $1  }
0x2a: {  	_ =	sdelay $0x3  }
0x2b: {  	s14 =	simm.s32 $0x1  }
0x2c: {  	_ =	swait.ge [sflag:s7], $0x40;
	s14 =	simm.s32 @!p0 $0x0  }
0x2d: {  	[sflag:s7] =	ssyncset.done $0x0;
	s14 =	sshll.u32 s14, $0x6  }
0x2e: {  	[sflag:s7] =	ssyncadd.s32 $0xFFFFFFC0;
	(ifvalue) =	ssetifvalue $0x7FFFFFFF;
	v0 =	vld.msk [tilespmem:s14+$0x0 ss:$0x1], $0xffff;
	_ =	sdelay $0x4  }
0x2f: {  	s15 =	sadd.s32 $0x10, s14;
	v1 =	vshrl.u32 v0, $0x2  }
0x30: {  	v2 =	vld.msk [tilespmem:s15+$0x0 ss:$0x1], $0xffff;
	vm1 =	veq.s32 v0, $0x80000000;
	v1 =	vand.u32 $0x3FF, v1  }
0x31: {  	v0 =	vand.u32 $0x3, v0;
	v1 =	vsel vm1, $0xFFFFFFFF, v1  }
0x32: {  	v0 =	vsel vm1, $0xFFFFFFFF, v0;
	v3 =	vshll.u32 v1, $0x2  }
0x33: {  	v4 =	vand.u32 $0xFFFFF000, v0;
	v0 =	vshll.u32 v0, $0x7;
	v3 =	vand.u32 $0xFFFFFE00, v3  }
0x34: {  	v0 =	vand.u32 $0x180, v0;
	v3 =	vadd.s32 v4, v3  }
0x35: {  	v1 =	vand.u32 $0x7F, v1;
	v0 =	vor.u32 v0, v3;
	v3 =	vshrl.u32 v2, $0x2  }
0x36: {  	s17 =	sadd.s32 $0x10, s15;
	vm1 =	veq.s32 v2, $0x80000000;
	v0 =	vor.u32 v1, v0;
	v3 =	vand.u32 $0x3FF, v3  }
0x37: {  	v2 =	vand.u32 $0x3, v2;
	v1 =	vld.msk [tilespmem:s17+$0x0 ss:$0x1], $0xffff;
	v3 =	vsel vm1, $0xFFFFFFFF, v3  }
0x38: {  	v2 =	vsel vm1, $0xFFFFFFFF, v2;
	v63 =	vshll.u32 v3, $0x2  }
0x39: {  	s31 =	sshll.u32 s12, $0x6;
	v5 =	vand.u32 $0xFFFFF000, v2;
	v2 =	vshll.u32 v2, $0x7;
	v4 =	vand.u32 $0xFFFFFE00, v63  }
0x3a: {  	s14 =	sor.u32 $0x80, s14;
	s15 =	sand.u32 $0x40, s31;
	(ifvalue) =	ssetifvalue $0x7FFFFFFF;
	v2 =	vand.u32 $0x180, v2;
	v4 =	vadd.s32 v5, v4  }
0x3b: {  	[tilespmem:s14], [sflag:$0x1] =	stream.indirect_vreg.gather [hbm4b:s4+s10], $0x1, v0, vm0, $0x4038;
	v0 =	vand.u32 $0x7F, v3;
	v3 =	vor.u32 v2, v4;
	[tilespmem:$0x100] =	vst v63  }
0x3c: {  	s16 =	simm.s32 $0x20;
	s15 =	sor.u32 $0x80, s15;
	s17 =	sadd.s32 $0x10, s17;
	v2 =	vshrl.u32 v1, $0x2;
	v0 =	vor.u32 v0, v3  }
.LBB2_3:
0x3d: {  	v3 =	vld.msk [tilespmem:s17+$0x0 ss:$0x1], $0xffff;
	s16 =	sadd.s32 $0x10, s16;
	vm1 =	veq.s32 v1, $0x80000000;
	v2 =	vand.u32 $0x3FF, v2  }
0x3e: {  	v1 =	vand.u32 $0x3, v1;
	p1 =	slt.u32 s16, $0x30;
	v2 =	vsel vm1, $0xFFFFFFFF, v2  }
.Ltmp3:
0x3f: {  	v1 =	vsel vm1, $0xFFFFFFFF, v1;
	v4 =	vshll.u32 v2, $0x2;
	(pc) =	sbr.rel @p1 .LBB2_3-.Ltmp3, $4  }
0x40: {  	s14 =	sadd.s32 $0x10, s14;
	v5 =	vand.u32 $0xFFFFF000, v1;
	v1 =	vshll.u32 v1, $0x7;
	v4 =	vand.u32 $0xFFFFFE00, v4;
	(ifvalue) =	ssetifvalue $0x7FFFFFFF  }
0x41: {  	v4 =	vadd.s32 v5, v4;
	v5 =	vand.u32 $0x180, v1;
	[tilespmem:s14], [sflag:$0x1] =	stream.indirect_vreg.gather [hbm4b:s4+s10], $0x1, v0, vm0, $0x4038;
	[tilespmem:$0x100] =	vst v63  }
0x42: {  	v0 =	vand.u32 $0x7F, v2;
	v4 =	vor.u32 v5, v4  }
0x43: {  	s17 =	sadd.s32 $0x10, s17;
	v2 =	vshrl.u32 v3, $0x2;
	v1 =	vmov v3;
	v0 =	vor.u32 v0, v4  }
.Ltmp4:
0x44: {  	_ = 	snop;
	(pc) =	sbr.rel .LBB2_4-.Ltmp4, $1  }
0x45: {  	_ =	sdelay $0x3  }
.LBB2_6:
0x46: {  	_ =	sfence.sel $0x180000  }
0x47: {  	s2 =	simm.s32 $0x2;
	[bflag:$0x0] =	sbarrier.arrive $0xFFFF  }
0x48: {  	s30 =	simm.s32 $0x3;
	[sflag:s2] =	ssyncpa.u1 $0x1  }
0x49: {  	s31 =	simm.s32 $0x1;
	[sflag:s30] =	ssyncpa.u1 $0x1  }
0x4a: {  	[sflag:s31] =	ssyncpa.u1 $0x1  }
0x4b: {  	p0 =	sne.s32 s0, $0x0;
	_ =	strace $0x9000004A  }
0x4c: {  	s0 =	sadd.s32 @!p0 $0x100000, s1;
	[bflag:$0x2] =	sbarrier.arrive $0xFFFF  }
0x4d: {  	[sflag:s0] =	ssyncadd.tile.s32 @!p0 $0x1;
	_ =	shalt  }
.Lfunc_end2:
_tile_overlayer_lowered:
.L_overlay_start_2:
0x4e: {  	(tag) =	ssettag $0x2  }
0x4f: {  	s0 =	rddreg [dreg:$0x0];
	s2 =	stileid.u32  }
0x50: {  	s1 =	rddreg [dreg:$0x1];
	p0 =	sne.s32 s2, $0x0  }
0x51: {  	s3 =	rddreg [dreg:$0x2];
	[bflag:$0x3] =	sbarrier.arrive $0xFFFF;
	s2 =	simm.s32 @!p0 $0x1C01  }
0x52: {  	[timem:s3], [sflag:s2] =	dma.local @!p0 [hbm:s0], s1  }
0x53: {  	s0 =	simm.s32 @!p0 $0x1  }
0x54: {  	_ =	swait.ge @!p0 [sflag:s0], s1  }
0x55: {  	s1 =	ssub.s32 @!p0 $0x0, s1;
	[sflag:s0] =	ssyncset.done @!p0 $0x0  }
0x56: {  	[sflag:s0] =	ssyncadd.s32 @!p0 s1  }
0x57: {  	[bflag:$0x3] =	sbarrier.arrive $0xFFFF  }
0x58: {  	_ =	shalt  }

// kernel: mod_sc_copy.3.cloned.1.call-start
scs
__scs_entry_jumppad:
0x0: {  	(pc) =	sbr.rel $0x88, $3  }
0x1: {  	(tag) =	ssettag $0x0;
	lr =	simm.s32 $0x1  }
0x2: {  	[smem:$0x3F93] =	sst lr;
	_ =	strace $0xD0000000  }
0x3: {  	_ = 	snop  }
0x4: {  	_ = 	snop  }
0x5: {  	_ = 	snop  }
0x6: {  	_ = 	snop  }
0x7: {  	_ = 	snop  }
__scs_overlays_trampoline_lowered:
0x8: {  	[smem:$0x3FA2] =	sst s0  }
0x9: {  	[smem:$0x3FA3] =	sst s1  }
0xa: {  	[smem:$0x3FA4] =	sst s2  }
0xb: {  	[smem:$0x3FA5] =	sst s3  }
0xc: {  	[smem:$0x3FA6] =	sst s4  }
0xd: {  	[smem:$0x3FA7] =	sst s5  }
0xe: {  	[smem:$0x3FA8] =	sst s6  }
0xf: {  	[smem:$0x3FA9] =	sst s7  }
0x10: {  	[smem:$0x3FAA] =	sst s8  }
0x11: {  	[smem:$0x3FAB] =	sst s9;
	s0 =	simm.s32 @!p0 $0x0  }
0x12: {  	s1 =	sld [smem:$0x3F91];
	s0 =	simm.s32 @p0 $0x1  }
0x13: {  	[smem:$0x3FAC] =	sst s0;
	s0 =	simm.s32 @!p1 $0x0  }
0x14: {  	s2 =	sld [smem:$0x3F90];
	s0 =	simm.s32 @p1 $0x1  }
0x15: {  	[smem:$0x3FAD] =	sst s0;
	s0 =	simm.s32 @!p2 $0x0  }
0x16: {  	s3 =	sld [smem:$0x3FDB];
	s0 =	simm.s32 @p2 $0x1  }
0x17: {  	s4 =	simm.s32 $0x1BF5;
	[smem:$0x3FAF] =	sst s0  }
0x18: {  	s0 =	sld [smem:$0x3F92];
	_ =	swait.ge [sflag:s4], $0x0  }
0x19: {  	s7 =	sld [smem:$0x3F93]  }
0x1a: {  	s8 =	sadd.s32 $0xFFFFE003, lr  }
0x1b: {  	s9 =	sadd.s32 $0xFFFFFEF7, lr;
	s5 =	simm.s32 $0xFFFFFFFF;
	p2 =	slt.u32 s8, $0xFFFFF086  }
0x1c: {  	p1 =	slt.u32 s9, $0xF7A;
	s5 =	simm.s32 @!p2 $0x0  }
0x1d: {  	s5 =	simm.s32 @p1 $0x1;
	p0 =	seq.s32 s7, s2  }
0x1e: {  	s7 =	smul.u32 @!p0 $0xF7A, s2;
	p2 =	seq.s32 @!p0 s5, $0x0  }
0x1f: {  	s9 =	smul.u32 $0xF7A, s1;
	s8 =	simm.s32 @!p0 $0x1BF5;
	p2 =	por !p2, p0  }
0x20: {  	[sflag:s8] =	ssyncset.s32 @!p0 $0xFFFFF086;
	s6 =	sadd.s32 @!p0 s3, s7;
	s7 =	simm.s32 @!p0 $0x108  }
0x21: {  	s3 =	sadd.s32 s3, s9;
	s6 =	sadd.s32 @!p0 $0x88, s6;
	s7 =	simm.s32 @p2 $0x1082  }
0x22: {  	[simem:s7], [sflag:s8] =	dma.local @!p0 [hbm:s6], $0xF7A  }
0x23: {  	s9 =	sor.u32 $0xD0000000, s2;
	s6 =	simm.s32 $0x108;
	_ =	swait.ge @!p0 [sflag:s8], $0x0  }
0x24: {  	s3 =	sadd.s32 $0x88, s3;
	s6 =	simm.s32 @!p1 $0x1082;
	[sflag:s4] =	ssyncset.s32 $0xFFFFF086  }
0x25: {  	[simem:s6], [sflag:s4] =	dma.local [hbm:s3], $0xF7A  }
0x26: {  	[smem:$0x3F93] =	sst s1;
	(tag) =	ssettag s2;
	_ =	strace s9  }
0x27: {  	s1 =	sld [smem:$0x3FA3]  }
0x28: {  	s2 =	sld [smem:$0x3FA4]  }
0x29: {  	s4 =	sld [smem:$0x3FA6]  }
0x2a: {  	p0 =	seq.s32 s5, $0x0;
	s5 =	sld [smem:$0x3FA7]  }
0x2b: {  	s6 =	sld [smem:$0x3FA8]  }
0x2c: {  	s7 =	sld [smem:$0x3FA9]  }
0x2d: {  	s3 =	simm.s32 $0x108;
	s8 =	sld [smem:$0x3FAA]  }
0x2e: {  	s3 =	simm.s32 @!p0 $0x1082;
	s9 =	sld [smem:$0x3FAB]  }
0x2f: {  	lr =	sadd.s32 s0, s3;
	s0 =	sld [smem:$0x3FA2]  }
0x30: {  	s3 =	sld [smem:$0x3FA5]  }
0x31: {  	[smem:$0x3FAE] =	sst s10  }
0x32: {  	s10 =	sld [smem:$0x3FAC];
	_ =	sdelay $0x3  }
0x33: {  	p0 =	seq.s32 s10, $0x1;
	s10 =	sld [smem:$0x3FAE];
	_ =	sdelay $0x3  }
0x34: {  	[smem:$0x3FAE] =	sst s10  }
0x35: {  	s10 =	sld [smem:$0x3FAD];
	_ =	sdelay $0x3  }
0x36: {  	p1 =	seq.s32 s10, $0x1;
	s10 =	sld [smem:$0x3FAE];
	_ =	sdelay $0x3  }
0x37: {  	[smem:$0x3FAE] =	sst s10  }
0x38: {  	s10 =	sld [smem:$0x3FAF]  }
0x39: {  	_ = 	snop;
	(pc) =	sbr.ind lr, $3  }
0x3a: {  	_ = 	snop  }
0x3b: {  	_ = 	snop  }
0x3c: {  	p2 =	seq.s32 s10, $0x1;
	s10 =	sld [smem:$0x3FAE]  }
0x3d: {  	_ =	shalt  }
0x3e: {  	_ =	shalt  }
0x3f: {  	_ =	shalt  }
0x40: {  	_ =	shalt  }
0x41: {  	_ =	shalt  }
0x42: {  	_ =	shalt  }
0x43: {  	_ =	shalt  }
0x44: {  	_ =	shalt  }
0x45: {  	_ =	shalt  }
0x46: {  	_ =	shalt  }
0x47: {  	_ =	shalt  }
0x48: {  	_ =	shalt  }
0x49: {  	_ =	shalt  }
0x4a: {  	_ =	shalt  }
0x4b: {  	_ =	shalt  }
0x4c: {  	_ =	shalt  }
0x4d: {  	_ =	shalt  }
0x4e: {  	_ =	shalt  }
0x4f: {  	_ =	shalt  }
0x50: {  	_ =	shalt  }
0x51: {  	_ =	shalt  }
0x52: {  	_ =	shalt  }
0x53: {  	_ =	shalt  }
0x54: {  	_ =	shalt  }
0x55: {  	_ =	shalt  }
0x56: {  	_ =	shalt  }
0x57: {  	_ =	shalt  }
0x58: {  	_ =	shalt  }
0x59: {  	_ =	shalt  }
0x5a: {  	_ =	shalt  }
0x5b: {  	_ =	shalt  }
0x5c: {  	_ =	shalt  }
0x5d: {  	_ =	shalt  }
0x5e: {  	_ =	shalt  }
0x5f: {  	_ =	shalt  }
0x60: {  	_ =	shalt  }
0x61: {  	_ =	shalt  }
0x62: {  	_ =	shalt  }
0x63: {  	_ =	shalt  }
0x64: {  	_ =	shalt  }
0x65: {  	_ =	shalt  }
0x66: {  	_ =	shalt  }
0x67: {  	_ =	shalt  }
0x68: {  	_ =	shalt  }
0x69: {  	_ =	shalt  }
0x6a: {  	_ =	shalt  }
0x6b: {  	_ =	shalt  }
0x6c: {  	_ =	shalt  }
0x6d: {  	_ =	shalt  }
0x6e: {  	_ =	shalt  }
0x6f: {  	_ =	shalt  }
0x70: {  	_ =	shalt  }
0x71: {  	_ =	shalt  }
0x72: {  	_ =	shalt  }
0x73: {  	_ =	shalt  }
0x74: {  	_ =	shalt  }
0x75: {  	_ =	shalt  }
0x76: {  	_ =	shalt  }
0x77: {  	_ =	shalt  }
0x78: {  	_ =	shalt  }
0x79: {  	_ =	shalt  }
0x7a: {  	_ =	shalt  }
0x7b: {  	_ =	shalt  }
0x7c: {  	_ =	shalt  }
0x7d: {  	_ =	shalt  }
0x7e: {  	_ =	shalt  }
0x7f: {  	_ =	shalt  }
0x80: {  	_ =	shalt  }
0x81: {  	_ =	shalt  }
0x82: {  	_ =	shalt  }
0x83: {  	_ =	shalt  }
0x84: {  	_ =	shalt  }
0x85: {  	_ =	shalt  }
0x86: {  	_ =	shalt  }
0x87: {  	_ =	shalt  }
.Lfunc_end0:
.L_simem_size_0:
called_computation.2_lowered:
.L_overlay_start_0:
0x88: {  	s2 =	sld [smem:$0x3FD9]  }
0x89: {  	s3 =	sld [smem:$0x3FFE];
	_ =	sdelay $0x1  }
0x8a: {  	s1 =	srdreg.scid  }
0x8b: {  	s0 =	sand.u32 $0x1, s1  }
0x8c: {  	s18 =	sshll.u32 s0, $0xA;
	s2 =	sadd.s32 s3, s2  }
0x8d: {  	s2 =	sadd.s32 s2, s18  }
0x8e: {  	[smem:$0x3FBA] =	sst s2  }
0x8f: {  	_ = 	snop  }
0x90: {  	s19 =	sld [smem:$0x3FC9]  }
0x91: {  	s4 =	sld [smem:$0x3FD0];
	(tm) =	ssettm $0x1  }
0x92: {  	s20 =	sld [smem:$0x3FFB];
	_ =	sdelay $0x3  }
0x93: {  	_ =	strace s20  }
0x94: {  	s2 =	sld [smem:$0x3FFC];
	_ =	sdelay $0x3  }
0x95: {  	_ =	strace s2  }
0x96: {  	s2 =	sld [smem:$0x3FFD];
	_ =	sdelay $0x3  }
0x97: {  	_ =	strace s2  }
0x98: {  	_ =	strace $0x8FFFFFFF  }
0x99: {  	s21 =	sld [smem:$0x3FDB];
	_ =	sdelay $0x1  }
0x9a: {  	s5 =	simm.s32 $_scs_section_size  }
0x9b: {  	s6 =	simm.s32 $_size__tile_overlayer_lowered;
	s7 =	simm.s32 $_tile_overlayer_lowered  }
0x9c: {  	s8 =	simm.s32 $0x1BFF;
	s22 =	sshll.u32 s7, $0x1;
	s5 =	sadd.s32 s5, s21  }
0x9d: {  	s23 =	simm.s32 $0x0;
	s6 =	sshll.u32 s6, $0x1;
	s7 =	sadd.s32 s22, s5  }
0x9e: {  	[timem:s23], [sflag:s8] =	dma.local [hbm:s7], s6  }
0x9f: {  	_ =	swait.ge [sflag:s8], s6  }
0xa0: {  	s6 =	ssub.s32 $0x0, s6;
	[sflag:s8] =	ssyncset.done $0x0  }
0xa1: {  	[sflag:s8] =	ssyncadd.s32 s6;
	_ =	sdelay $0x1  }
0xa2: {  	s24 =	simm.s32 $0x1B8B  }
0xa3: {  	_ =	swait.ge [sflag:s24], $0x1  }
0xa4: {  	[sflag:s24] =	ssyncset.done $0x0  }
0xa5: {  	[sflag:s24] =	ssyncadd.s32 $0xFFFFFFFF  }
0xa6: {  	s6 =	sld [smem:$0x0]  }
0xa7: {  	s7 =	sand.u32 $0xFFFFFFFE, s1  }
0xa8: {  	p0 =	sne.s32 s1, s7  }
0xa9: {  	s7 =	sshll.u32 @p0 s7, $0xE  }
0xaa: {  	s7 =	sadd.s32 @p0 $0x11B8D, s7;
	s8 =	sshll.u32 @p0 s6, $0x11  }
0xab: {  	s7 =	sor.u32 @p0 s8, s7  }
0xac: {  	[sflag:s7] =	ssyncadd.remote.s32 @p0 $0x1;
	_ =	sdelay $0x1  }
0xad: {  	s7 =	simm.s32 @p0 $0x1B8D  }
0xae: {  	_ =	swait.eq @p0 [sflag:s7], $0x1  }
0xaf: {  	[sflag:s7] =	ssyncadd.s32 @p0 $0xFFFFFFFF  }
0xb0: {  	s8 =	sshll.u32 @!p0 s1, $0xE  }
0xb1: {  	s8 =	sor.u32 @!p0 $0x4000, s8;
	s7 =	simm.s32 @!p0 $0x1B8D  }
0xb2: {  	s6 =	sshll.u32 @!p0 s6, $0x11;
	s8 =	sadd.s32 @!p0 $0x11B8D, s8;
	_ =	swait.eq @!p0 [sflag:s7], $0x1  }
0xb3: {  	s6 =	sor.u32 @!p0 s6, s8;
	[sflag:s7] =	ssyncadd.s32 @!p0 $0xFFFFFFFF  }
0xb4: {  	s25 =	simm.s32 $0x1B8E;
	[sflag:s6] =	ssyncadd.remote.s32 @!p0 $0x1  }
0xb5: {  	s26 =	simm.s32 $execute0_lowered;
	[smem:$0x3FD2] =	sst s25  }
0xb6: {  	s6 =	sshll.u32 s26, $0x1;
	_ =	strace $0x8000004F;
	[dreg:$0x1] =	wrdreg $0xFFFFFFFF  }
0xb7: {  	s28 =	simm.s32 $_size_execute0_lowered;
	s5 =	sadd.s32 s5, s6;
	[dreg:$0x0] =	wrdreg $0x0  }
0xb8: {  	s6 =	sshll.u32 s28, $0x1;
	[dreg:$0x2] =	wrdreg s5  }
0xb9: {  	[dreg:$0x3] =	wrdreg s6  }
0xba: {  	[dreg:$0x4] =	wrdreg $0xC0  }
0xbb: {  	_ =	task [dreg:s23], $0x5FFFF  }
0xbc: {  	[dreg:$0x1] =	wrdreg $0xFFFFFFFF  }
0xbd: {  	[dreg:$0x0] =	wrdreg $0x60  }
0xbe: {  	[dreg:$0x2] =	wrdreg s19  }
0xbf: {  	[dreg:$0x3] =	wrdreg s4  }
0xc0: {  	[dreg:$0x4] =	wrdreg $0x9  }
0xc1: {  	_ =	task.clear_ibuf [dreg:s23], $0x5FFFF;
	_ =	strace $0x9000004F  }
0xc2: {  	s29 =	simm.s32 $0x9;
	_ =	strace $0x80000051  }
0xc3: {  	_ =	swait.ge [sflag:s29], $0x1  }
0xc4: {  	[sflag:s29] =	ssyncadd.s32 $0xFFFFFFFF  }
0xc5: {  	_ =	strace $0x90000051  }
0xc6: {  	_ =	sfence  }
0xc7: {  	s30 =	sld [smem:$0x0];
	_ =	sdelay $0x2  }
0xc8: {  	s31 =	sshll.u32 s1, $0xD;
	s1 =	sshrl.u32 s1, $0x2  }
0xc9: {  	s4 =	sand.u32 $0x4000, s31;
	s1 =	sadd.s32 s1, s30  }
0xca: {  	s0 =	sor.u32 s4, s0;
	s1 =	sshll.u32 s1, $0x11  }
0xcb: {  	s0 =	sor.u32 s1, s0  }
0xcc: {  	s0 =	sadd.s32 $0x8F2B, s0  }
0xcd: {  	[sflag:s0] =	ssyncadd.remote.s32 $0x1  }
0xce: {  	_ =	sfence.sel $0xFFFF  }
0xcf: {  	[dreg:$0x0] =	wrdreg $0xFFFFFFFF;
	(pc) =	sbr.abs _section_cstart, $3  }
0xd0: {  	[dreg:$0x1] =	wrdreg $0xFFFFFFFF  }
0xd1: {  	_ =	task.clear_ibuf [dreg:s23], $0x2FFFF;
	_ =	strace $0x9FFFFFFF  }
0xd2: {  	(tm) =	ssettm $0x7FFFFFFF  }
0xd3: {  	_ =	shalt  }
tec
execute0_lowered:
.L_overlay_start_1:
0x0: {  	(tag) =	ssettag $0x1  }
0x1: {  	s1 =	srdreg.scid  }
0x2: {  	s0 =	stileid.u32;
	s1 =	sand.u32 $0x1, s1  }
0x3: {  	s2 =	sshll.u32 s0, $0x8;
	s3 =	sshll.u32 s1, $0x7  }
0x4: {  	s29 =	rddreg [dreg:$0x0];
	s10 =	sor.u32 s3, s2  }
0x5: {  	[dreg:$0xd] =	wrdreg s1;
	s2 =	simm.s32 $0x0;
	s8 =	smul.u32 $0x300, s10  }
0x6: {  	[smem:$0x7FF] =	sst s2  }
0x7: {  	s31 =	rddreg [dreg:$0x1];
	_ =	strace $0x80000050;
	s6 =	sadd.s32 s29, s8  }
0x8: {  	s4 =	sor.u32 $0x1800, s8;
	s9 =	sadd.s32 s31, s8;
	[dreg:$0x3] =	wrdreg s6  }
0x9: {  	s5 =	sor.u32 $0x3000, s8;
	s7 =	sadd.s32 s29, s4;
	[dreg:$0x5] =	wrdreg s9  }
0xa: {  	s11 =	sadd.s32 s29, s5;
	[dreg:$0x4] =	wrdreg s7  }
0xb: {  	s13 =	sor.u32 $0x4800, s8;
	s12 =	sadd.s32 s31, s4;
	[dreg:$0x6] =	wrdreg s11  }
0xc: {  	s14 =	sadd.s32 s29, s13;
	[dreg:$0x7] =	wrdreg s12  }
0xd: {  	s15 =	sadd.s32 s31, s5;
	[dreg:$0x8] =	wrdreg s14  }
0xe: {  	s16 =	sor.u32 $0x6000, s8;
	[dreg:$0x9] =	wrdreg s15  }
0xf: {  	s17 =	sadd.s32 s29, s16;
	s18 =	rddreg [dreg:$0x3]  }
0x10: {  	s19 =	sadd.s32 s31, s13;
	[dreg:$0xa] =	wrdreg s17  }
0x11: {  	[dreg:$0xb] =	wrdreg s19  }
0x12: {  	[tilespmem:s2], [sflag:$0x1] =	stream.linear.gather [hbm4b:s18+s2], $0xC000, $0x38;
	[tilespmem:$0x18000] =	vst v63  }
0x13: {  	s3 =	simm.s32 $0xC000;
	s4 =	simm.s32 $0x1;
	s6 =	rddreg [dreg:$0x4]  }
0x14: {  	[tilespmem:s3], [sflag:$0x2] =	stream.linear.gather [hbm4b:s6+s2], $0xC000, $0x38;
	[tilespmem:$0x18000] =	vst v63  }
0x15: {  	_ =	swait.ge [sflag:s4], $0xC000  }
0x16: {  	[sflag:s4] =	ssyncset.done $0x0  }
0x17: {  	s5 =	simm.s32 $0x3;
	s20 =	rddreg [dreg:$0x5];
	[sflag:s4] =	ssyncadd.s32 $0xFFFF4000  }
0x18: {  	[hbm4b:s20+s2] =	stream.linear.scatter [tilespmem:s2], [sflag:$0x3], $0xC000, $0x38;
	[tilespmem:$0x18000] =	vst v63  }
0x19: {  	_ =	swait.ge [sflag:s5], $0xC000  }
0x1a: {  	[sflag:s5] =	ssyncset.done $0x0  }
0x1b: {  	s6 =	simm.s32 $0x2;
	s7 =	rddreg [dreg:$0x6];
	[sflag:s5] =	ssyncadd.s32 $0xFFFF4000  }
0x1c: {  	[tilespmem:s2], [sflag:$0x1] =	stream.linear.gather [hbm4b:s7+s2], $0xC000, $0x38;
	[tilespmem:$0x18000] =	vst v63  }
0x1d: {  	_ =	swait.ge [sflag:s6], $0xC000  }
0x1e: {  	[sflag:s6] =	ssyncset.done $0x0  }
0x1f: {  	s7 =	simm.s32 $0x4;
	s11 =	rddreg [dreg:$0x7];
	[sflag:s6] =	ssyncadd.s32 $0xFFFF4000  }
0x20: {  	[hbm4b:s11+s2] =	stream.linear.scatter [tilespmem:s3], [sflag:$0x4], $0xC000, $0x38;
	[tilespmem:$0x18000] =	vst v63  }
0x21: {  	_ =	swait.ge [sflag:s7], $0xC000  }
0x22: {  	[sflag:s7] =	ssyncset.done $0x0  }
0x23: {  	s21 =	rddreg [dreg:$0x8];
	[sflag:s7] =	ssyncadd.s32 $0xFFFF4000  }
0x24: {  	[tilespmem:s3], [sflag:$0x2] =	stream.linear.gather [hbm4b:s21+s2], $0xC000, $0x38;
	[tilespmem:$0x18000] =	vst v63  }
0x25: {  	_ =	swait.ge [sflag:s4], $0xC000  }
0x26: {  	[sflag:s4] =	ssyncset.done $0x0  }
0x27: {  	s22 =	rddreg [dreg:$0x9];
	[sflag:s4] =	ssyncadd.s32 $0xFFFF4000  }
0x28: {  	[hbm4b:s22+s2] =	stream.linear.scatter [tilespmem:s2], [sflag:$0x3], $0xC000, $0x38;
	[tilespmem:$0x18000] =	vst v63  }
0x29: {  	_ =	swait.ge [sflag:s5], $0xC000  }
0x2a: {  	[sflag:s5] =	ssyncset.done $0x0  }
0x2b: {  	s23 =	rddreg [dreg:$0xa];
	[sflag:s5] =	ssyncadd.s32 $0xFFFF4000  }
0x2c: {  	[tilespmem:s2], [sflag:$0x1] =	stream.linear.gather [hbm4b:s23+s2], $0xC000, $0x38;
	[tilespmem:$0x18000] =	vst v63  }
0x2d: {  	_ =	swait.ge [sflag:s6], $0xC000  }
0x2e: {  	[sflag:s6] =	ssyncset.done $0x0  }
0x2f: {  	s24 =	rddreg [dreg:$0xb];
	[sflag:s6] =	ssyncadd.s32 $0xFFFF4000  }
0x30: {  	[hbm4b:s24+s2] =	stream.linear.scatter [tilespmem:s3], [sflag:$0x4], $0xC000, $0x38;
	[tilespmem:$0x18000] =	vst v63  }
0x31: {  	s25 =	sor.u32 $0x7800, s8;
	_ =	swait.ge [sflag:s7], $0xC000  }
0x32: {  	s26 =	sadd.s32 s29, s25;
	[sflag:s7] =	ssyncset.done $0x0  }
0x33: {  	[dreg:$0xc] =	wrdreg s26;
	[sflag:s7] =	ssyncadd.s32 $0xFFFF4000  }
0x34: {  	[tilespmem:s3], [sflag:$0x2] =	stream.linear.gather [hbm4b:s26+s2], $0xC000, $0x38;
	[tilespmem:$0x18000] =	vst v63  }
0x35: {  	_ =	swait.ge [sflag:s4], $0xC000  }
0x36: {  	[sflag:s4] =	ssyncset.done $0x0  }
0x37: {  	s10 =	smul.u32 $0x1800, s10;
	s0 =	sadd.s32 s31, s16;
	[sflag:s4] =	ssyncadd.s32 $0xFFFF4000  }
0x38: {  	[hbm4b:s0+s2] =	stream.linear.scatter [tilespmem:s2], [sflag:$0x3], $0xC000, $0x38;
	[tilespmem:$0x18000] =	vst v63  }
0x39: {  	s30 =	sshrl.u32 s10, $0x3;
	_ =	swait.ge [sflag:s5], $0xC000  }
0x3a: {  	s13 =	sadd.s32 $0x9000, s30;
	[sflag:s5] =	ssyncset.done $0x0  }
0x3b: {  	s10 =	sadd.s32 s29, s13;
	[sflag:s5] =	ssyncadd.s32 $0xFFFF4000  }
0x3c: {  	[tilespmem:s2], [sflag:$0x1] =	stream.linear.gather [hbm4b:s10+s2], $0xC000, $0x38;
	[tilespmem:$0x18000] =	vst v63  }
0x3d: {  	_ =	swait.ge [sflag:s6], $0xC000  }
0x3e: {  	[sflag:s6] =	ssyncset.done $0x0  }
0x3f: {  	s11 =	sadd.s32 s31, s25;
	[sflag:s6] =	ssyncadd.s32 $0xFFFF4000  }
0x40: {  	[hbm4b:s11+s2] =	stream.linear.scatter [tilespmem:s3], [sflag:$0x4], $0xC000, $0x38;
	[tilespmem:$0x18000] =	vst v63  }
0x41: {  	_ =	swait.ge [sflag:s7], $0xC000  }
0x42: {  	s15 =	sadd.s32 $0xA800, s30;
	[sflag:s7] =	ssyncset.done $0x0  }
0x43: {  	s12 =	sadd.s32 s29, s15;
	[sflag:s7] =	ssyncadd.s32 $0xFFFF4000  }
0x44: {  	[tilespmem:s3], [sflag:$0x2] =	stream.linear.gather [hbm4b:s12+s2], $0xC000, $0x38;
	[tilespmem:$0x18000] =	vst v63  }
0x45: {  	_ =	swait.ge [sflag:s4], $0xC000  }
0x46: {  	[sflag:s4] =	ssyncset.done $0x0  }
0x47: {  	s13 =	sadd.s32 s31, s13;
	[sflag:s4] =	ssyncadd.s32 $0xFFFF4000  }
0x48: {  	[hbm4b:s13+s2] =	stream.linear.scatter [tilespmem:s2], [sflag:$0x3], $0xC000, $0x38;
	[tilespmem:$0x18000] =	vst v63  }
0x49: {  	_ =	swait.ge [sflag:s5], $0xC000  }
0x4a: {  	s17 =	sadd.s32 $0xC000, s30;
	[sflag:s5] =	ssyncset.done $0x0  }
0x4b: {  	s14 =	sadd.s32 s29, s17;
	[sflag:s5] =	ssyncadd.s32 $0xFFFF4000  }
0x4c: {  	[tilespmem:s2], [sflag:$0x1] =	stream.linear.gather [hbm4b:s14+s2], $0xC000, $0x38;
	[tilespmem:$0x18000] =	vst v63  }
0x4d: {  	_ =	swait.ge [sflag:s6], $0xC000  }
0x4e: {  	[sflag:s6] =	ssyncset.done $0x0  }
0x4f: {  	s15 =	sadd.s32 s31, s15;
	[sflag:s6] =	ssyncadd.s32 $0xFFFF4000  }
0x50: {  	[hbm4b:s15+s2] =	stream.linear.scatter [tilespmem:s3], [sflag:$0x4], $0xC000, $0x38;
	[tilespmem:$0x18000] =	vst v63  }
0x51: {  	_ =	swait.ge [sflag:s7], $0xC000  }
0x52: {  	s19 =	sadd.s32 $0xD800, s30;
	[sflag:s7] =	ssyncset.done $0x0  }
0x53: {  	s16 =	sadd.s32 s29, s19;
	[sflag:s7] =	ssyncadd.s32 $0xFFFF4000  }
0x54: {  	[tilespmem:s3], [sflag:$0x2] =	stream.linear.gather [hbm4b:s16+s2], $0xC000, $0x38;
	[tilespmem:$0x18000] =	vst v63  }
0x55: {  	_ =	swait.ge [sflag:s4], $0xC000  }
0x56: {  	[sflag:s4] =	ssyncset.done $0x0  }
0x57: {  	s17 =	sadd.s32 s31, s17;
	[sflag:s4] =	ssyncadd.s32 $0xFFFF4000  }
0x58: {  	[hbm4b:s17+s2] =	stream.linear.scatter [tilespmem:s2], [sflag:$0x3], $0xC000, $0x38;
	[tilespmem:$0x18000] =	vst v63  }
0x59: {  	_ =	swait.ge [sflag:s5], $0xC000  }
0x5a: {  	s21 =	sadd.s32 $0xF000, s30;
	[sflag:s5] =	ssyncset.done $0x0  }
0x5b: {  	s18 =	sadd.s32 s29, s21;
	[sflag:s5] =	ssyncadd.s32 $0xFFFF4000  }
0x5c: {  	[tilespmem:s2], [sflag:$0x1] =	stream.linear.gather [hbm4b:s18+s2], $0xC000, $0x38;
	[tilespmem:$0x18000] =	vst v63  }
0x5d: {  	_ =	swait.ge [sflag:s6], $0xC000  }
0x5e: {  	[sflag:s6] =	ssyncset.done $0x0  }
0x5f: {  	s19 =	sadd.s32 s31, s19;
	[sflag:s6] =	ssyncadd.s32 $0xFFFF4000  }
0x60: {  	[hbm4b:s19+s2] =	stream.linear.scatter [tilespmem:s3], [sflag:$0x4], $0xC000, $0x38;
	[tilespmem:$0x18000] =	vst v63  }
0x61: {  	_ =	swait.ge [sflag:s7], $0xC000  }
0x62: {  	s23 =	sadd.s32 $0x10800, s30;
	[sflag:s7] =	ssyncset.done $0x0  }
0x63: {  	s20 =	sadd.s32 s29, s23;
	[sflag:s7] =	ssyncadd.s32 $0xFFFF4000  }
0x64: {  	[tilespmem:s3], [sflag:$0x2] =	stream.linear.gather [hbm4b:s20+s2], $0xC000, $0x38;
	[tilespmem:$0x18000] =	vst v63  }
0x65: {  	_ =	swait.ge [sflag:s4], $0xC000  }
0x66: {  	[sflag:s4] =	ssyncset.done $0x0  }
0x67: {  	s21 =	sadd.s32 s31, s21;
	[sflag:s4] =	ssyncadd.s32 $0xFFFF4000  }
0x68: {  	[hbm4b:s21+s2] =	stream.linear.scatter [tilespmem:s2], [sflag:$0x3], $0xC000, $0x38;
	[tilespmem:$0x18000] =	vst v63  }
0x69: {  	_ =	swait.ge [sflag:s5], $0xC000  }
0x6a: {  	s25 =	sadd.s32 $0x12000, s30;
	[sflag:s5] =	ssyncset.done $0x0  }
0x6b: {  	s22 =	sadd.s32 s29, s25;
	[sflag:s5] =	ssyncadd.s32 $0xFFFF4000  }
0x6c: {  	[tilespmem:s2], [sflag:$0x1] =	stream.linear.gather [hbm4b:s22+s2], $0xC000, $0x38;
	[tilespmem:$0x18000] =	vst v63  }
0x6d: {  	_ =	swait.ge [sflag:s6], $0xC000  }
0x6e: {  	[sflag:s6] =	ssyncset.done $0x0  }
0x6f: {  	s23 =	sadd.s32 s31, s23;
	[sflag:s6] =	ssyncadd.s32 $0xFFFF4000  }
0x70: {  	[hbm4b:s23+s2] =	stream.linear.scatter [tilespmem:s3], [sflag:$0x4], $0xC000, $0x38;
	[tilespmem:$0x18000] =	vst v63  }
0x71: {  	_ =	swait.ge [sflag:s7], $0xC000  }
0x72: {  	s28 =	sadd.s32 $0x13800, s30;
	[sflag:s7] =	ssyncset.done $0x0  }
0x73: {  	s24 =	sadd.s32 s29, s28;
	[sflag:s7] =	ssyncadd.s32 $0xFFFF4000  }
0x74: {  	[tilespmem:s3], [sflag:$0x2] =	stream.linear.gather [hbm4b:s24+s2], $0xC000, $0x38;
	[tilespmem:$0x18000] =	vst v63  }
0x75: {  	_ =	swait.ge [sflag:s4], $0xC000  }
0x76: {  	[sflag:s4] =	ssyncset.done $0x0  }
0x77: {  	s25 =	sadd.s32 s31, s25;
	[sflag:s4] =	ssyncadd.s32 $0xFFFF4000  }
0x78: {  	[hbm4b:s25+s2] =	stream.linear.scatter [tilespmem:s2], [sflag:$0x3], $0xC000, $0x38;
	[tilespmem:$0x18000] =	vst v63  }
0x79: {  	_ =	swait.ge [sflag:s5], $0xC000  }
0x7a: {  	s9 =	smov.u32 s0;
	s0 =	sadd.s32 $0x15000, s30;
	[sflag:s5] =	ssyncset.done $0x0  }
0x7b: {  	s26 =	sadd.s32 s29, s0;
	[sflag:s5] =	ssyncadd.s32 $0xFFFF4000  }
0x7c: {  	[tilespmem:s2], [sflag:$0x1] =	stream.linear.gather [hbm4b:s26+s2], $0xC000, $0x38;
	[tilespmem:$0x18000] =	vst v63  }
0x7d: {  	_ =	swait.ge [sflag:s6], $0xC000  }
0x7e: {  	[sflag:s6] =	ssyncset.done $0x0  }
0x7f: {  	s28 =	sadd.s32 s31, s28;
	[sflag:s6] =	ssyncadd.s32 $0xFFFF4000  }
0x80: {  	[hbm4b:s28+s2] =	stream.linear.scatter [tilespmem:s3], [sflag:$0x4], $0xC000, $0x38;
	[tilespmem:$0x18000] =	vst v63  }
0x81: {  	_ =	swait.ge [sflag:s7], $0xC000  }
0x82: {  	s8 =	sadd.s32 $0x16800, s30;
	[sflag:s7] =	ssyncset.done $0x0  }
0x83: {  	s29 =	sadd.s32 s29, s8;
	[sflag:s7] =	ssyncadd.s32 $0xFFFF4000  }
0x84: {  	[tilespmem:s3], [sflag:$0x2] =	stream.linear.gather [hbm4b:s29+s2], $0xC000, $0x38;
	[tilespmem:$0x18000] =	vst v63  }
0x85: {  	_ =	swait.ge [sflag:s4], $0xC000  }
0x86: {  	[sflag:s4] =	ssyncset.done $0x0  }
0x87: {  	s30 =	sadd.s32 s31, s0;
	[sflag:s4] =	ssyncadd.s32 $0xFFFF4000  }
0x88: {  	[hbm4b:s30+s2] =	stream.linear.scatter [tilespmem:s2], [sflag:$0x3], $0xC000, $0x38;
	[tilespmem:$0x18000] =	vst v63  }
0x89: {  	_ =	swait.ge [sflag:s6], $0xC000  }
0x8a: {  	[sflag:s6] =	ssyncset.done $0x0;
	s1 =	rddreg [dreg:$0xd]  }
0x8b: {  	s31 =	sadd.s32 s31, s8;
	s0 =	ssub.s32 $0x2, s1;
	[sflag:s6] =	ssyncadd.s32 $0xFFFF4000  }
0x8c: {  	[hbm4b:s31+s2] =	stream.linear.scatter [tilespmem:s3], [sflag:$0x4], $0xC000, $0x38;
	[tilespmem:$0x18000] =	vst v63  }
0x8d: {  	s8 =	sshrl.u32 s0, $0x1  }
0x8e: {  	s0 =	ssub.s32 s0, s8  }
0x8f: {  	s0 =	smax.u32 s0, $0x1  }
0x90: {  	p0 =	sne.s32 s0, $0x1  }
.Ltmp0:
0x91: {  	_ =	swait.ge [sflag:s5], $0xC000;
	(pc) =	sbr.rel @!p0 .LBB2_2-.Ltmp0, $4  }
0x92: {  	[sflag:s5] =	ssyncset.done $0x0  }
0x93: {  	[sflag:s5] =	ssyncadd.s32 $0xFFFF4000  }
0x94: {  	_ =	swait.ge [sflag:s7], $0xC000  }
0x95: {  	s1 =	sadd.s32 $0xFFFFFFFF, s0;
	[sflag:s7] =	ssyncset.done $0x0  }
.LBB2_1:
0x96: {  	s0 =	rddreg [dreg:$0x3];
	[sflag:s7] =	ssyncadd.s32 $0xFFFF4000  }
0x97: {  	[tilespmem:s2], [sflag:$0x1] =	stream.linear.gather [hbm4b:s0+s2], $0xC000, $0x38;
	[tilespmem:$0x18000] =	vst v63  }
0x98: {  	s8 =	rddreg [dreg:$0x4]  }
0x99: {  	[tilespmem:s3], [sflag:$0x2] =	stream.linear.gather [hbm4b:s8+s2], $0xC000, $0x38;
	[tilespmem:$0x18000] =	vst v63  }
0x9a: {  	_ =	swait.ge [sflag:s4], $0xC000  }
0x9b: {  	[sflag:s4] =	ssyncset.done $0x0  }
0x9c: {  	s8 =	rddreg [dreg:$0x5];
	[sflag:s4] =	ssyncadd.s32 $0xFFFF4000  }
0x9d: {  	[hbm4b:s8+s2] =	stream.linear.scatter [tilespmem:s2], [sflag:$0x3], $0xC000, $0x38;
	[tilespmem:$0x18000] =	vst v63  }
0x9e: {  	_ =	swait.ge [sflag:s5], $0xC000  }
0x9f: {  	[sflag:s5] =	ssyncset.done $0x0  }
0xa0: {  	s8 =	rddreg [dreg:$0x6];
	[sflag:s5] =	ssyncadd.s32 $0xFFFF4000  }
0xa1: {  	[tilespmem:s2], [sflag:$0x1] =	stream.linear.gather [hbm4b:s8+s2], $0xC000, $0x38;
	[tilespmem:$0x18000] =	vst v63  }
0xa2: {  	_ =	swait.ge [sflag:s6], $0xC000  }
0xa3: {  	[sflag:s6] =	ssyncset.done $0x0  }
0xa4: {  	s8 =	rddreg [dreg:$0x7];
	[sflag:s6] =	ssyncadd.s32 $0xFFFF4000  }
0xa5: {  	[hbm4b:s8+s2] =	stream.linear.scatter [tilespmem:s3], [sflag:$0x4], $0xC000, $0x38;
	[tilespmem:$0x18000] =	vst v63  }
0xa6: {  	_ =	swait.ge [sflag:s7], $0xC000  }
0xa7: {  	[sflag:s7] =	ssyncset.done $0x0  }
0xa8: {  	s8 =	rddreg [dreg:$0x8];
	[sflag:s7] =	ssyncadd.s32 $0xFFFF4000  }
0xa9: {  	[tilespmem:s3], [sflag:$0x2] =	stream.linear.gather [hbm4b:s8+s2], $0xC000, $0x38;
	[tilespmem:$0x18000] =	vst v63  }
0xaa: {  	_ =	swait.ge [sflag:s4], $0xC000  }
0xab: {  	[sflag:s4] =	ssyncset.done $0x0  }
0xac: {  	s8 =	rddreg [dreg:$0x9];
	[sflag:s4] =	ssyncadd.s32 $0xFFFF4000  }
0xad: {  	[hbm4b:s8+s2] =	stream.linear.scatter [tilespmem:s2], [sflag:$0x3], $0xC000, $0x38;
	[tilespmem:$0x18000] =	vst v63  }
0xae: {  	_ =	swait.ge [sflag:s5], $0xC000  }
0xaf: {  	[sflag:s5] =	ssyncset.done $0x0  }
0xb0: {  	s8 =	rddreg [dreg:$0xa];
	[sflag:s5] =	ssyncadd.s32 $0xFFFF4000  }
0xb1: {  	[tilespmem:s2], [sflag:$0x1] =	stream.linear.gather [hbm4b:s8+s2], $0xC000, $0x38;
	[tilespmem:$0x18000] =	vst v63  }
0xb2: {  	_ =	swait.ge [sflag:s6], $0xC000  }
0xb3: {  	[sflag:s6] =	ssyncset.done $0x0  }
0xb4: {  	s8 =	rddreg [dreg:$0xb];
	[sflag:s6] =	ssyncadd.s32 $0xFFFF4000  }
0xb5: {  	[hbm4b:s8+s2] =	stream.linear.scatter [tilespmem:s3], [sflag:$0x4], $0xC000, $0x38;
	[tilespmem:$0x18000] =	vst v63  }
0xb6: {  	_ =	swait.ge [sflag:s7], $0xC000  }
0xb7: {  	[sflag:s7] =	ssyncset.done $0x0  }
0xb8: {  	s8 =	rddreg [dreg:$0xc];
	[sflag:s7] =	ssyncadd.s32 $0xFFFF4000  }
0xb9: {  	[tilespmem:s3], [sflag:$0x2] =	stream.linear.gather [hbm4b:s8+s2], $0xC000, $0x38;
	[tilespmem:$0x18000] =	vst v63  }
0xba: {  	_ =	swait.ge [sflag:s4], $0xC000  }
0xbb: {  	[sflag:s4] =	ssyncset.done $0x0  }
0xbc: {  	[sflag:s4] =	ssyncadd.s32 $0xFFFF4000  }
0xbd: {  	[hbm4b:s9+s2] =	stream.linear.scatter [tilespmem:s2], [sflag:$0x3], $0xC000, $0x38;
	[tilespmem:$0x18000] =	vst v63  }
0xbe: {  	_ =	swait.ge [sflag:s5], $0xC000  }
0xbf: {  	[sflag:s5] =	ssyncset.done $0x0  }
0xc0: {  	[sflag:s5] =	ssyncadd.s32 $0xFFFF4000  }
0xc1: {  	[tilespmem:s2], [sflag:$0x1] =	stream.linear.gather [hbm4b:s10+s2], $0xC000, $0x38;
	[tilespmem:$0x18000] =	vst v63  }
0xc2: {  	_ =	swait.ge [sflag:s6], $0xC000  }
0xc3: {  	[sflag:s6] =	ssyncset.done $0x0  }
0xc4: {  	[sflag:s6] =	ssyncadd.s32 $0xFFFF4000  }
0xc5: {  	[hbm4b:s11+s2] =	stream.linear.scatter [tilespmem:s3], [sflag:$0x4], $0xC000, $0x38;
	[tilespmem:$0x18000] =	vst v63  }
0xc6: {  	_ =	swait.ge [sflag:s7], $0xC000  }
0xc7: {  	[sflag:s7] =	ssyncset.done $0x0  }
0xc8: {  	[sflag:s7] =	ssyncadd.s32 $0xFFFF4000  }
0xc9: {  	[tilespmem:s3], [sflag:$0x2] =	stream.linear.gather [hbm4b:s12+s2], $0xC000, $0x38;
	[tilespmem:$0x18000] =	vst v63  }
0xca: {  	_ =	swait.ge [sflag:s4], $0xC000  }
0xcb: {  	[sflag:s4] =	ssyncset.done $0x0  }
0xcc: {  	[sflag:s4] =	ssyncadd.s32 $0xFFFF4000  }
0xcd: {  	[hbm4b:s13+s2] =	stream.linear.scatter [tilespmem:s2], [sflag:$0x3], $0xC000, $0x38;
	[tilespmem:$0x18000] =	vst v63  }
0xce: {  	_ =	swait.ge [sflag:s5], $0xC000  }
0xcf: {  	[sflag:s5] =	ssyncset.done $0x0  }
0xd0: {  	[sflag:s5] =	ssyncadd.s32 $0xFFFF4000  }
0xd1: {  	[tilespmem:s2], [sflag:$0x1] =	stream.linear.gather [hbm4b:s14+s2], $0xC000, $0x38;
	[tilespmem:$0x18000] =	vst v63  }
0xd2: {  	_ =	swait.ge [sflag:s6], $0xC000  }
0xd3: {  	[sflag:s6] =	ssyncset.done $0x0  }
0xd4: {  	[sflag:s6] =	ssyncadd.s32 $0xFFFF4000  }
0xd5: {  	[hbm4b:s15+s2] =	stream.linear.scatter [tilespmem:s3], [sflag:$0x4], $0xC000, $0x38;
	[tilespmem:$0x18000] =	vst v63  }
0xd6: {  	_ =	swait.ge [sflag:s7], $0xC000  }
0xd7: {  	[sflag:s7] =	ssyncset.done $0x0  }
0xd8: {  	[sflag:s7] =	ssyncadd.s32 $0xFFFF4000  }
0xd9: {  	[tilespmem:s3], [sflag:$0x2] =	stream.linear.gather [hbm4b:s16+s2], $0xC000, $0x38;
	[tilespmem:$0x18000] =	vst v63  }
0xda: {  	_ =	swait.ge [sflag:s4], $0xC000  }
0xdb: {  	[sflag:s4] =	ssyncset.done $0x0  }
0xdc: {  	[sflag:s4] =	ssyncadd.s32 $0xFFFF4000  }
0xdd: {  	[hbm4b:s17+s2] =	stream.linear.scatter [tilespmem:s2], [sflag:$0x3], $0xC000, $0x38;
	[tilespmem:$0x18000] =	vst v63  }
0xde: {  	_ =	swait.ge [sflag:s5], $0xC000  }
0xdf: {  	[sflag:s5] =	ssyncset.done $0x0  }
0xe0: {  	[sflag:s5] =	ssyncadd.s32 $0xFFFF4000  }
0xe1: {  	[tilespmem:s2], [sflag:$0x1] =	stream.linear.gather [hbm4b:s18+s2], $0xC000, $0x38;
	[tilespmem:$0x18000] =	vst v63  }
0xe2: {  	_ =	swait.ge [sflag:s6], $0xC000  }
0xe3: {  	[sflag:s6] =	ssyncset.done $0x0  }
0xe4: {  	[sflag:s6] =	ssyncadd.s32 $0xFFFF4000  }
0xe5: {  	[hbm4b:s19+s2] =	stream.linear.scatter [tilespmem:s3], [sflag:$0x4], $0xC000, $0x38;
	[tilespmem:$0x18000] =	vst v63  }
0xe6: {  	_ =	swait.ge [sflag:s7], $0xC000  }
0xe7: {  	[sflag:s7] =	ssyncset.done $0x0  }
0xe8: {  	[sflag:s7] =	ssyncadd.s32 $0xFFFF4000  }
0xe9: {  	[tilespmem:s3], [sflag:$0x2] =	stream.linear.gather [hbm4b:s20+s2], $0xC000, $0x38;
	[tilespmem:$0x18000] =	vst v63  }
0xea: {  	_ =	swait.ge [sflag:s4], $0xC000  }
0xeb: {  	[sflag:s4] =	ssyncset.done $0x0  }
0xec: {  	[sflag:s4] =	ssyncadd.s32 $0xFFFF4000  }
0xed: {  	[hbm4b:s21+s2] =	stream.linear.scatter [tilespmem:s2], [sflag:$0x3], $0xC000, $0x38;
	[tilespmem:$0x18000] =	vst v63  }
0xee: {  	_ =	swait.ge [sflag:s5], $0xC000  }
0xef: {  	[sflag:s5] =	ssyncset.done $0x0  }
0xf0: {  	[sflag:s5] =	ssyncadd.s32 $0xFFFF4000  }
0xf1: {  	[tilespmem:s2], [sflag:$0x1] =	stream.linear.gather [hbm4b:s22+s2], $0xC000, $0x38;
	[tilespmem:$0x18000] =	vst v63  }
0xf2: {  	_ =	swait.ge [sflag:s6], $0xC000  }
0xf3: {  	[sflag:s6] =	ssyncset.done $0x0  }
0xf4: {  	[sflag:s6] =	ssyncadd.s32 $0xFFFF4000  }
0xf5: {  	[hbm4b:s23+s2] =	stream.linear.scatter [tilespmem:s3], [sflag:$0x4], $0xC000, $0x38;
	[tilespmem:$0x18000] =	vst v63  }
0xf6: {  	_ =	swait.ge [sflag:s7], $0xC000  }
0xf7: {  	[sflag:s7] =	ssyncset.done $0x0  }
0xf8: {  	[sflag:s7] =	ssyncadd.s32 $0xFFFF4000  }
0xf9: {  	[tilespmem:s3], [sflag:$0x2] =	stream.linear.gather [hbm4b:s24+s2], $0xC000, $0x38;
	[tilespmem:$0x18000] =	vst v63  }
0xfa: {  	_ =	swait.ge [sflag:s4], $0xC000  }
0xfb: {  	[sflag:s4] =	ssyncset.done $0x0  }
0xfc: {  	[sflag:s4] =	ssyncadd.s32 $0xFFFF4000  }
0xfd: {  	[hbm4b:s25+s2] =	stream.linear.scatter [tilespmem:s2], [sflag:$0x3], $0xC000, $0x38;
	[tilespmem:$0x18000] =	vst v63  }
0xfe: {  	_ =	swait.ge [sflag:s5], $0xC000  }
0xff: {  	[sflag:s5] =	ssyncset.done $0x0  }
0x100: {  	[sflag:s5] =	ssyncadd.s32 $0xFFFF4000  }
0x101: {  	[tilespmem:s2], [sflag:$0x1] =	stream.linear.gather [hbm4b:s26+s2], $0xC000, $0x38;
	[tilespmem:$0x18000] =	vst v63  }
0x102: {  	_ =	swait.ge [sflag:s6], $0xC000  }
0x103: {  	[sflag:s6] =	ssyncset.done $0x0  }
0x104: {  	[sflag:s6] =	ssyncadd.s32 $0xFFFF4000  }
0x105: {  	[hbm4b:s28+s2] =	stream.linear.scatter [tilespmem:s3], [sflag:$0x4], $0xC000, $0x38;
	[tilespmem:$0x18000] =	vst v63  }
0x106: {  	_ =	swait.ge [sflag:s7], $0xC000  }
0x107: {  	[sflag:s7] =	ssyncset.done $0x0  }
0x108: {  	[sflag:s7] =	ssyncadd.s32 $0xFFFF4000  }
0x109: {  	[tilespmem:s3], [sflag:$0x2] =	stream.linear.gather [hbm4b:s29+s2], $0xC000, $0x38;
	[tilespmem:$0x18000] =	vst v63  }
0x10a: {  	_ =	swait.ge [sflag:s4], $0xC000  }
0x10b: {  	[sflag:s4] =	ssyncset.done $0x0  }
0x10c: {  	[sflag:s4] =	ssyncadd.s32 $0xFFFF4000  }
0x10d: {  	[hbm4b:s30+s2] =	stream.linear.scatter [tilespmem:s2], [sflag:$0x3], $0xC000, $0x38;
	[tilespmem:$0x18000] =	vst v63  }
0x10e: {  	_ =	swait.ge [sflag:s6], $0xC000  }
0x10f: {  	[sflag:s6] =	ssyncset.done $0x0  }
0x110: {  	p0 =	sne.s32 s1, $0x1;
	[sflag:s6] =	ssyncadd.s32 $0xFFFF4000  }
0x111: {  	[hbm4b:s31+s2] =	stream.linear.scatter [tilespmem:s3], [sflag:$0x4], $0xC000, $0x38;
	[tilespmem:$0x18000] =	vst v63  }
.Ltmp1:
0x112: {  	_ =	swait.ge [sflag:s5], $0xC000;
	(pc) =	sbr.rel @p0 .LBB2_1-.Ltmp1, $4  }
0x113: {  	[sflag:s5] =	ssyncset.done $0x0  }
0x114: {  	[sflag:s5] =	ssyncadd.s32 $0xFFFF4000  }
0x115: {  	_ =	swait.ge [sflag:s7], $0xC000  }
0x116: {  	s1 =	sadd.s32 $0xFFFFFFFF, s1;
	[sflag:s7] =	ssyncset.done $0x0  }
.LBB2_2:
0x117: {  	[sflag:s7] =	ssyncadd.s32 $0xFFFF4000  }
0x118: {  	_ =	sfence.sel $0x180000  }
0x119: {  	[bflag:$0x0] =	sbarrier.arrive $0xFFFF  }
0x11a: {  	_ =	strace $0x90000050  }
0x11b: {  	s0 =	stileid.u32;
	[bflag:$0x2] =	sbarrier.arrive $0xFFFF  }
0x11c: {  	p0 =	sne.s32 s0, $0x0;
	s0 =	rddreg [dreg:$0x2]  }
0x11d: {  	s0 =	sadd.s32 @!p0 $0x100000, s0  }
0x11e: {  	[sflag:s0] =	ssyncadd.tile.s32 @!p0 $0x1;
	_ =	shalt  }
.Lfunc_end2:
_tile_overlayer_lowered:
.L_overlay_start_2:
0x11f: {  	(tag) =	ssettag $0x2  }
0x120: {  	s0 =	rddreg [dreg:$0x0];
	s2 =	stileid.u32  }
0x121: {  	s1 =	rddreg [dreg:$0x1];
	p0 =	sne.s32 s2, $0x0  }
0x122: {  	s3 =	rddreg [dreg:$0x2];
	[bflag:$0x3] =	sbarrier.arrive $0xFFFF;
	s2 =	simm.s32 @!p0 $0x1C05  }
0x123: {  	[timem:s3], [sflag:s2] =	dma.local @!p0 [hbm:s0], s1  }
0x124: {  	s0 =	simm.s32 @!p0 $0x5  }
0x125: {  	_ =	swait.ge @!p0 [sflag:s0], s1  }
0x126: {  	s1 =	ssub.s32 @!p0 $0x0, s1;
	[sflag:s0] =	ssyncset.done @!p0 $0x0  }
0x127: {  	[sflag:s0] =	ssyncadd.s32 @!p0 s1  }
0x128: {  	[bflag:$0x3] =	sbarrier.arrive $0xFFFF  }
0x129: {  	_ =	shalt  }

// kernel: mod_sc_gather.3.cloned.1.call-start
scs
__scs_entry_jumppad:
0x0: {  	(pc) =	sbr.rel $0x88, $3  }
0x1: {  	(tag) =	ssettag $0x0;
	lr =	simm.s32 $0x1  }
0x2: {  	[smem:$0x3F93] =	sst lr;
	_ =	strace $0xD0000000  }
0x3: {  	_ = 	snop  }
0x4: {  	_ = 	snop  }
0x5: {  	_ = 	snop  }
0x6: {  	_ = 	snop  }
0x7: {  	_ = 	snop  }
__scs_overlays_trampoline_lowered:
0x8: {  	[smem:$0x3FA2] =	sst s0  }
0x9: {  	[smem:$0x3FA3] =	sst s1  }
0xa: {  	[smem:$0x3FA4] =	sst s2  }
0xb: {  	[smem:$0x3FA5] =	sst s3  }
0xc: {  	[smem:$0x3FA6] =	sst s4  }
0xd: {  	[smem:$0x3FA7] =	sst s5  }
0xe: {  	[smem:$0x3FA8] =	sst s6  }
0xf: {  	[smem:$0x3FA9] =	sst s7  }
0x10: {  	[smem:$0x3FAA] =	sst s8  }
0x11: {  	[smem:$0x3FAB] =	sst s9;
	s0 =	simm.s32 @!p0 $0x0  }
0x12: {  	s1 =	sld [smem:$0x3F91];
	s0 =	simm.s32 @p0 $0x1  }
0x13: {  	[smem:$0x3FAC] =	sst s0;
	s0 =	simm.s32 @!p1 $0x0  }
0x14: {  	s2 =	sld [smem:$0x3F90];
	s0 =	simm.s32 @p1 $0x1  }
0x15: {  	[smem:$0x3FAD] =	sst s0;
	s0 =	simm.s32 @!p2 $0x0  }
0x16: {  	s3 =	sld [smem:$0x3FDB];
	s0 =	simm.s32 @p2 $0x1  }
0x17: {  	s4 =	simm.s32 $0x1BF5;
	[smem:$0x3FAF] =	sst s0  }
0x18: {  	s0 =	sld [smem:$0x3F92];
	_ =	swait.ge [sflag:s4], $0x0  }
0x19: {  	s7 =	sld [smem:$0x3F93]  }
0x1a: {  	s8 =	sadd.s32 $0xFFFFE003, lr  }
0x1b: {  	s9 =	sadd.s32 $0xFFFFFEF7, lr;
	s5 =	simm.s32 $0xFFFFFFFF;
	p2 =	slt.u32 s8, $0xFFFFF086  }
0x1c: {  	p1 =	slt.u32 s9, $0xF7A;
	s5 =	simm.s32 @!p2 $0x0  }
0x1d: {  	s5 =	simm.s32 @p1 $0x1;
	p0 =	seq.s32 s7, s2  }
0x1e: {  	s7 =	smul.u32 @!p0 $0xF7A, s2;
	p2 =	seq.s32 @!p0 s5, $0x0  }
0x1f: {  	s9 =	smul.u32 $0xF7A, s1;
	s8 =	simm.s32 @!p0 $0x1BF5;
	p2 =	por !p2, p0  }
0x20: {  	[sflag:s8] =	ssyncset.s32 @!p0 $0xFFFFF086;
	s6 =	sadd.s32 @!p0 s3, s7;
	s7 =	simm.s32 @!p0 $0x108  }
0x21: {  	s3 =	sadd.s32 s3, s9;
	s6 =	sadd.s32 @!p0 $0x88, s6;
	s7 =	simm.s32 @p2 $0x1082  }
0x22: {  	[simem:s7], [sflag:s8] =	dma.local @!p0 [hbm:s6], $0xF7A  }
0x23: {  	s9 =	sor.u32 $0xD0000000, s2;
	s6 =	simm.s32 $0x108;
	_ =	swait.ge @!p0 [sflag:s8], $0x0  }
0x24: {  	s3 =	sadd.s32 $0x88, s3;
	s6 =	simm.s32 @!p1 $0x1082;
	[sflag:s4] =	ssyncset.s32 $0xFFFFF086  }
0x25: {  	[simem:s6], [sflag:s4] =	dma.local [hbm:s3], $0xF7A  }
0x26: {  	[smem:$0x3F93] =	sst s1;
	(tag) =	ssettag s2;
	_ =	strace s9  }
0x27: {  	s1 =	sld [smem:$0x3FA3]  }
0x28: {  	s2 =	sld [smem:$0x3FA4]  }
0x29: {  	s4 =	sld [smem:$0x3FA6]  }
0x2a: {  	p0 =	seq.s32 s5, $0x0;
	s5 =	sld [smem:$0x3FA7]  }
0x2b: {  	s6 =	sld [smem:$0x3FA8]  }
0x2c: {  	s7 =	sld [smem:$0x3FA9]  }
0x2d: {  	s3 =	simm.s32 $0x108;
	s8 =	sld [smem:$0x3FAA]  }
0x2e: {  	s3 =	simm.s32 @!p0 $0x1082;
	s9 =	sld [smem:$0x3FAB]  }
0x2f: {  	lr =	sadd.s32 s0, s3;
	s0 =	sld [smem:$0x3FA2]  }
0x30: {  	s3 =	sld [smem:$0x3FA5]  }
0x31: {  	[smem:$0x3FAE] =	sst s10  }
0x32: {  	s10 =	sld [smem:$0x3FAC];
	_ =	sdelay $0x3  }
0x33: {  	p0 =	seq.s32 s10, $0x1;
	s10 =	sld [smem:$0x3FAE];
	_ =	sdelay $0x3  }
0x34: {  	[smem:$0x3FAE] =	sst s10  }
0x35: {  	s10 =	sld [smem:$0x3FAD];
	_ =	sdelay $0x3  }
0x36: {  	p1 =	seq.s32 s10, $0x1;
	s10 =	sld [smem:$0x3FAE];
	_ =	sdelay $0x3  }
0x37: {  	[smem:$0x3FAE] =	sst s10  }
0x38: {  	s10 =	sld [smem:$0x3FAF]  }
0x39: {  	_ = 	snop;
	(pc) =	sbr.ind lr, $3  }
0x3a: {  	_ = 	snop  }
0x3b: {  	_ = 	snop  }
0x3c: {  	p2 =	seq.s32 s10, $0x1;
	s10 =	sld [smem:$0x3FAE]  }
0x3d: {  	_ =	shalt  }
0x3e: {  	_ =	shalt  }
0x3f: {  	_ =	shalt  }
0x40: {  	_ =	shalt  }
0x41: {  	_ =	shalt  }
0x42: {  	_ =	shalt  }
0x43: {  	_ =	shalt  }
0x44: {  	_ =	shalt  }
0x45: {  	_ =	shalt  }
0x46: {  	_ =	shalt  }
0x47: {  	_ =	shalt  }
0x48: {  	_ =	shalt  }
0x49: {  	_ =	shalt  }
0x4a: {  	_ =	shalt  }
0x4b: {  	_ =	shalt  }
0x4c: {  	_ =	shalt  }
0x4d: {  	_ =	shalt  }
0x4e: {  	_ =	shalt  }
0x4f: {  	_ =	shalt  }
0x50: {  	_ =	shalt  }
0x51: {  	_ =	shalt  }
0x52: {  	_ =	shalt  }
0x53: {  	_ =	shalt  }
0x54: {  	_ =	shalt  }
0x55: {  	_ =	shalt  }
0x56: {  	_ =	shalt  }
0x57: {  	_ =	shalt  }
0x58: {  	_ =	shalt  }
0x59: {  	_ =	shalt  }
0x5a: {  	_ =	shalt  }
0x5b: {  	_ =	shalt  }
0x5c: {  	_ =	shalt  }
0x5d: {  	_ =	shalt  }
0x5e: {  	_ =	shalt  }
0x5f: {  	_ =	shalt  }
0x60: {  	_ =	shalt  }
0x61: {  	_ =	shalt  }
0x62: {  	_ =	shalt  }
0x63: {  	_ =	shalt  }
0x64: {  	_ =	shalt  }
0x65: {  	_ =	shalt  }
0x66: {  	_ =	shalt  }
0x67: {  	_ =	shalt  }
0x68: {  	_ =	shalt  }
0x69: {  	_ =	shalt  }
0x6a: {  	_ =	shalt  }
0x6b: {  	_ =	shalt  }
0x6c: {  	_ =	shalt  }
0x6d: {  	_ =	shalt  }
0x6e: {  	_ =	shalt  }
0x6f: {  	_ =	shalt  }
0x70: {  	_ =	shalt  }
0x71: {  	_ =	shalt  }
0x72: {  	_ =	shalt  }
0x73: {  	_ =	shalt  }
0x74: {  	_ =	shalt  }
0x75: {  	_ =	shalt  }
0x76: {  	_ =	shalt  }
0x77: {  	_ =	shalt  }
0x78: {  	_ =	shalt  }
0x79: {  	_ =	shalt  }
0x7a: {  	_ =	shalt  }
0x7b: {  	_ =	shalt  }
0x7c: {  	_ =	shalt  }
0x7d: {  	_ =	shalt  }
0x7e: {  	_ =	shalt  }
0x7f: {  	_ =	shalt  }
0x80: {  	_ =	shalt  }
0x81: {  	_ =	shalt  }
0x82: {  	_ =	shalt  }
0x83: {  	_ =	shalt  }
0x84: {  	_ =	shalt  }
0x85: {  	_ =	shalt  }
0x86: {  	_ =	shalt  }
0x87: {  	_ =	shalt  }
.Lfunc_end0:
.L_simem_size_0:
called_computation.3_lowered:
.L_overlay_start_0:
0x88: {  	s2 =	sld [smem:$0x3FD9]  }
0x89: {  	s3 =	sld [smem:$0x3FFE];
	_ =	sdelay $0x1  }
0x8a: {  	s1 =	srdreg.scid  }
0x8b: {  	s0 =	sand.u32 $0x1, s1  }
0x8c: {  	s17 =	sshll.u32 s0, $0xA;
	s2 =	sadd.s32 s3, s2  }
0x8d: {  	s2 =	sadd.s32 s2, s17  }
0x8e: {  	[smem:$0x3FBA] =	sst s2  }
0x8f: {  	_ = 	snop  }
0x90: {  	s2 =	sld [smem:$0x3FC9];
	(tm) =	ssettm $0x1  }
0x91: {  	s18 =	sld [smem:$0x3FFB];
	_ =	sdelay $0x3  }
0x92: {  	_ =	strace s18  }
0x93: {  	s3 =	sld [smem:$0x3FFC];
	_ =	sdelay $0x3  }
0x94: {  	_ =	strace s3  }
0x95: {  	s3 =	sld [smem:$0x3FFD];
	_ =	sdelay $0x3  }
0x96: {  	_ =	strace s3  }
0x97: {  	_ =	strace $0x8FFFFFFF  }
0x98: {  	s19 =	sld [smem:$0x3FDB];
	_ =	sdelay $0x1  }
0x99: {  	s4 =	simm.s32 $_scs_section_size  }
0x9a: {  	s5 =	simm.s32 $_size__tile_overlayer_lowered;
	s6 =	simm.s32 $_tile_overlayer_lowered  }
0x9b: {  	s22 =	simm.s32 $0x1BFF;
	s21 =	sshll.u32 s6, $0x1;
	s3 =	sadd.s32 s4, s19  }
0x9c: {  	s7 =	simm.s32 $0x0;
	s20 =	sshll.u32 s5, $0x1;
	s5 =	sadd.s32 s21, s3  }
0x9d: {  	[timem:s7], [sflag:s22] =	dma.local [hbm:s5], s20  }
0x9e: {  	_ =	swait.ge [sflag:s22], s20  }
0x9f: {  	s4 =	ssub.s32 $0x0, s20;
	[sflag:s22] =	ssyncset.done $0x0  }
0xa0: {  	[sflag:s22] =	ssyncadd.s32 s4;
	_ =	sdelay $0x1  }
0xa1: {  	s23 =	simm.s32 $0x1B8B  }
0xa2: {  	_ =	swait.ge [sflag:s23], $0x1  }
0xa3: {  	[sflag:s23] =	ssyncset.done $0x0  }
0xa4: {  	s25 =	simm.s32 $0x1B8E;
	s24 =	sld [smem:$0x3FFE];
	[sflag:s23] =	ssyncadd.s32 $0xFFFFFFFF  }
0xa5: {  	s26 =	simm.s32 $execute0_lowered;
	[smem:$0x3FD2] =	sst s25  }
0xa6: {  	s5 =	sshll.u32 s26, $0x1;
	_ =	strace $0x8000004C;
	[dreg:$0x1] =	wrdreg $0xFFFFFFFF  }
0xa7: {  	s28 =	simm.s32 $_size_execute0_lowered;
	s3 =	sadd.s32 s3, s5;
	[dreg:$0x0] =	wrdreg $0x0  }
0xa8: {  	s5 =	sshll.u32 s28, $0x1;
	[dreg:$0x2] =	wrdreg s3  }
0xa9: {  	[dreg:$0x3] =	wrdreg s5  }
0xaa: {  	[dreg:$0x4] =	wrdreg $0xC0  }
0xab: {  	_ =	task [dreg:s7], $0x5FFFF  }
0xac: {  	[dreg:$0x1] =	wrdreg $0xFFFFFFFF  }
0xad: {  	[dreg:$0x0] =	wrdreg $0x60  }
0xae: {  	[dreg:$0x2] =	wrdreg s2  }
0xaf: {  	[dreg:$0x3] =	wrdreg s24  }
0xb0: {  	[dreg:$0x4] =	wrdreg $0xA  }
0xb1: {  	_ =	task.clear_ibuf [dreg:s7], $0x5FFFF;
	_ =	strace $0x9000004C  }
0xb2: {  	s29 =	simm.s32 $0xA;
	_ =	strace $0x8000004E  }
0xb3: {  	_ =	swait.ge [sflag:s29], $0x1  }
0xb4: {  	[sflag:s29] =	ssyncadd.s32 $0xFFFFFFFF  }
0xb5: {  	_ =	strace $0x9000004E  }
0xb6: {  	_ =	sfence  }
0xb7: {  	s30 =	sld [smem:$0x0];
	_ =	sdelay $0x2  }
0xb8: {  	s31 =	sshll.u32 s1, $0xD;
	s1 =	sshrl.u32 s1, $0x2  }
0xb9: {  	s3 =	sand.u32 $0x4000, s31;
	s1 =	sadd.s32 s1, s30  }
0xba: {  	s0 =	sor.u32 s3, s0;
	s1 =	sshll.u32 s1, $0x11  }
0xbb: {  	s0 =	sor.u32 s1, s0  }
0xbc: {  	s0 =	sadd.s32 $0x8F2B, s0  }
0xbd: {  	[sflag:s0] =	ssyncadd.remote.s32 $0x1  }
0xbe: {  	_ =	sfence.sel $0xFFFF  }
0xbf: {  	[dreg:$0x0] =	wrdreg $0xFFFFFFFF;
	(pc) =	sbr.abs _section_cstart, $3  }
0xc0: {  	[dreg:$0x1] =	wrdreg $0xFFFFFFFF  }
0xc1: {  	_ =	task.clear_ibuf [dreg:s7], $0x2FFFF;
	_ =	strace $0x9FFFFFFF  }
0xc2: {  	(tm) =	ssettm $0x7FFFFFFF  }
0xc3: {  	_ =	shalt  }
tec
execute0_lowered:
.L_overlay_start_1:
0x0: {  	(tag) =	ssettag $0x1  }
0x1: {  	s1 =	srdreg.scid  }
0x2: {  	s0 =	stileid.u32;
	s1 =	sand.u32 $0x1, s1  }
0x3: {  	s2 =	rddreg [dreg:$0x0];
	s3 =	sshll.u32 s0, $0x5;
	s4 =	sshll.u32 s1, $0x4  }
0x4: {  	s5 =	rddreg [dreg:$0x1];
	s4 =	sor.u32 s4, s3;
	s3 =	simm.s32 $0x0  }
0x5: {  	s25 =	simm.s32 $0x880;
	[smem:$0x7FF] =	sst s3  }
0x6: {  	s26 =	simm.s32 $0x1080;
	_ =	strace $0x8000004D;
	[dreg:$0x5] =	wrdreg s25  }
0x7: {  	s0 =	simm.s32 $0x1880;
	[dreg:$0x6] =	wrdreg s26  }
0x8: {  	s7 =	simm.s32 $0x3080;
	[dreg:$0x7] =	wrdreg s0  }
0x9: {  	s8 =	simm.s32 $0x3880;
	[dreg:$0xa] =	wrdreg s7  }
0xa: {  	s9 =	simm.s32 $0x4080;
	[dreg:$0xb] =	wrdreg s8  }
0xb: {  	s10 =	simm.s32 $0x4880;
	[dreg:$0xc] =	wrdreg s9  }
0xc: {  	s11 =	simm.s32 $0x5080;
	[dreg:$0xd] =	wrdreg s10  }
0xd: {  	s12 =	simm.s32 $0x5880;
	s13 =	simm.s32 $0x6080;
	[dreg:$0xe] =	wrdreg s11  }
0xe: {  	s14 =	simm.s32 $0x6880;
	s15 =	simm.s32 $0x7080;
	[dreg:$0xf] =	wrdreg s12  }
0xf: {  	s16 =	simm.s32 $0x7880;
	s17 =	simm.s32 $0x8080;
	[dreg:$0x10] =	wrdreg s13  }
0x10: {  	s18 =	simm.s32 $0x8880;
	s19 =	simm.s32 $0x9080;
	[dreg:$0x11] =	wrdreg s14  }
0x11: {  	s21 =	simm.s32 $0x9880;
	s22 =	simm.s32 $0xA080;
	[dreg:$0x12] =	wrdreg s15  }
0x12: {  	s23 =	simm.s32 $0xA880;
	s28 =	simm.s32 $0x16080;
	[dreg:$0x13] =	wrdreg s16  }
0x13: {  	s29 =	simm.s32 $0x16880;
	s30 =	simm.s32 $0x17080;
	[dreg:$0x14] =	wrdreg s17  }
0x14: {  	s31 =	simm.s32 $0x17880;
	s1 =	ssub.s32 $0x2, s1;
	[dreg:$0x15] =	wrdreg s18  }
0x15: {  	s20 =	sshrl.u32 s1, $0x1;
	s6 =	smul.u32 $0x300, s4;
	[dreg:$0x16] =	wrdreg s19  }
0x16: {  	s4 =	sadd.s32 s4, s5;
	s1 =	ssub.s32 s1, s20;
	[dreg:$0x17] =	wrdreg s21  }
0x17: {  	s20 =	simm.s32 $0x12880;
	s4 =	sadd.s32 $0xE00, s4;
	[dreg:$0x18] =	wrdreg s22  }
0x18: {  	[dreg:$0x19] =	wrdreg s23;
	s7 =	simm.s32 $0xB080;
	s25 =	simm.s32 $0xC080  }
0x19: {  	s8 =	simm.s32 $0x80;
	s26 =	simm.s32 $0xC880;
	s10 =	simm.s32 $0xD880  }
0x1a: {  	s11 =	simm.s32 $0xE080;
	s12 =	simm.s32 $0xE880;
	s13 =	simm.s32 $0xF080  }
0x1b: {  	s14 =	simm.s32 $0xF880;
	s15 =	simm.s32 $0x10080;
	s16 =	simm.s32 $0x10880  }
0x1c: {  	s17 =	simm.s32 $0x11080;
	s18 =	simm.s32 $0x11880;
	s19 =	simm.s32 $0x12080  }
0x1d: {  	s21 =	simm.s32 $0x13080;
	s22 =	simm.s32 $0x13880;
	[dreg:$0x3] =	wrdreg s4  }
0x1e: {  	s23 =	simm.s32 $0x14080;
	s5 =	sadd.s32 s6, s5;
	[dreg:$0x1a] =	wrdreg s7  }
0x1f: {  	s6 =	simm.s32 $0x2880;
	s4 =	sadd.s32 $0x100, s2;
	[dreg:$0x1c] =	wrdreg s25  }
0x20: {  	s7 =	simm.s32 $0x2;
	[dreg:$0x1d] =	wrdreg s26;
	s25 =	simm.s32 $0x15080  }
0x21: {  	s26 =	simm.s32 $0x15880;
	s24 =	sadd.s32 $0x1400, s5;
	[dreg:$0x9] =	wrdreg s6  }
0x22: {  	v2 =	vlaneseq.u32;
	s5 =	simm.s32 $0x2080;
	s6 =	smax.u32 s1, $0x1;
	[dreg:$0x4] =	wrdreg s24  }
0x23: {  	vm0 =	vmmov $0xffff;
	v1 =	vshrl.u32 v2, $0x3;
	s1 =	simm.s32 $0x1;
	[dreg:$0x8] =	wrdreg s5;
	s24 =	simm.s32 $0xB880  }
0x24: {  	v0 =	vand.u32 $0x7, v2;
	v2 =	vor.u32 $0x8, v2;
	v1 =	vmul.u32 $0x8, v1;
	s5 =	sadd.s32 $0x200, s2;
	[dreg:$0x1b] =	wrdreg s24;
	s24 =	simm.s32 $0x14880  }
.LBB2_1:
0x25: {  	s0 =	rddreg [dreg:$0x3]  }
0x26: {  	[tilespmem:s3], [sflag:$0x2] =	stream.linear.gather [hbm4b:s0+s3], $0x80, $0x38;
	[tilespmem:$0x18080] =	vst v63  }
0x27: {  	_ =	swait.ge [sflag:s7], $0x80  }
0x28: {  	[sflag:s7] =	ssyncset.done $0x0  }
0x29: {  	[sflag:s7] =	ssyncadd.s32 $0xFFFFFF80  }
0x2a: {  	v3 =	vld [tilespmem:$0x0];
	_ =	sdelay $0x4  }
0x2b: {  	v4 =	vshrl.u32 v3, $0x3  }
0x2c: {  	v4 =	vmul.u32 $0x30, v4  }
0x2d: {  	v3 =	vand.u32 $0x7, v3  }
0x2e: {  	v3 =	vor.u32 v3, v4  }
0x2f: {  	v4 =	vperm.xlane v3, v0;
	_ =	sdelay $0x1  }
0x30: {  	v4 =	vadd.s32 v1, v4;
	_ =	sdelay $0x3  }
0x31: {  	v3 =	vperm.xlane v3, v2  }
0x32: {  	[tilespmem:s8], [sflag:$0x1] =	stream.indirect_vreg.gather [hbm4b:s2+s3], $0x80, v4, vm0, $0xb8;
	[tilespmem:$0x18080] =	vst v63  }
0x33: {  	s0 =	rddreg [dreg:$0x5];
	v3 =	vadd.s32 v1, v3  }
0x34: {  	[tilespmem:s0], [sflag:$0x1] =	stream.indirect_vreg.gather [hbm4b:s4+s3], $0x80, v4, vm0, $0xb8;
	[tilespmem:$0x18080] =	vst v63  }
0x35: {  	s9 =	rddreg [dreg:$0x6]  }
0x36: {  	[tilespmem:s9], [sflag:$0x1] =	stream.indirect_vreg.gather [hbm4b:s5+s3], $0x80, v4, vm0, $0xb8;
	[tilespmem:$0x18080] =	vst v63  }
0x37: {  	s0 =	rddreg [dreg:$0x7]  }
0x38: {  	[tilespmem:s0], [sflag:$0x1] =	stream.indirect_vreg.gather [hbm4b:s2+s3], $0x80, v3, vm0, $0xb8;
	[tilespmem:$0x18080] =	vst v63  }
0x39: {  	s9 =	rddreg [dreg:$0x8]  }
0x3a: {  	[tilespmem:s9], [sflag:$0x1] =	stream.indirect_vreg.gather [hbm4b:s4+s3], $0x80, v3, vm0, $0xb8;
	[tilespmem:$0x18080] =	vst v63  }
0x3b: {  	s0 =	rddreg [dreg:$0x9]  }
0x3c: {  	[tilespmem:s0], [sflag:$0x1] =	stream.indirect_vreg.gather [hbm4b:s5+s3], $0x80, v3, vm0, $0xb8;
	[tilespmem:$0x18080] =	vst v63  }
0x3d: {  	v3 =	vld [tilespmem:$0x10];
	_ =	sdelay $0x4  }
0x3e: {  	v57 =	vshrl.u32 v3, $0x3  }
0x3f: {  	v4 =	vmul.u32 $0x30, v57  }
0x40: {  	v3 =	vand.u32 $0x7, v3  }
0x41: {  	v3 =	vor.u32 v3, v4  }
0x42: {  	v4 =	vperm.xlane v3, v0;
	_ =	sdelay $0x1  }
0x43: {  	v4 =	vadd.s32 v1, v4;
	_ =	sdelay $0x3  }
0x44: {  	s0 =	rddreg [dreg:$0xa];
	v3 =	vperm.xlane v3, v2  }
0x45: {  	[tilespmem:s0], [sflag:$0x1] =	stream.indirect_vreg.gather [hbm4b:s2+s3], $0x80, v4, vm0, $0xb8;
	[tilespmem:$0x18080] =	vst v63  }
0x46: {  	s9 =	rddreg [dreg:$0xb];
	v3 =	vadd.s32 v1, v3  }
0x47: {  	[tilespmem:s9], [sflag:$0x1] =	stream.indirect_vreg.gather [hbm4b:s4+s3], $0x80, v4, vm0, $0xb8;
	[tilespmem:$0x18080] =	vst v63  }
0x48: {  	s0 =	rddreg [dreg:$0xc]  }
0x49: {  	[tilespmem:s0], [sflag:$0x1] =	stream.indirect_vreg.gather [hbm4b:s5+s3], $0x80, v4, vm0, $0xb8;
	[tilespmem:$0x18080] =	vst v63  }
0x4a: {  	s9 =	rddreg [dreg:$0xd]  }
0x4b: {  	[tilespmem:s9], [sflag:$0x1] =	stream.indirect_vreg.gather [hbm4b:s2+s3], $0x80, v3, vm0, $0xb8;
	[tilespmem:$0x18080] =	vst v63  }
0x4c: {  	s0 =	rddreg [dreg:$0xe]  }
0x4d: {  	[tilespmem:s0], [sflag:$0x1] =	stream.indirect_vreg.gather [hbm4b:s4+s3], $0x80, v3, vm0, $0xb8;
	[tilespmem:$0x18080] =	vst v63  }
0x4e: {  	s9 =	rddreg [dreg:$0xf]  }
0x4f: {  	[tilespmem:s9], [sflag:$0x1] =	stream.indirect_vreg.gather [hbm4b:s5+s3], $0x80, v3, vm0, $0xb8;
	[tilespmem:$0x18080] =	vst v63  }
0x50: {  	v3 =	vld [tilespmem:$0x20];
	_ =	sdelay $0x4  }
0x51: {  	v58 =	vshrl.u32 v3, $0x3  }
0x52: {  	v4 =	vmul.u32 $0x30, v58  }
0x53: {  	v3 =	vand.u32 $0x7, v3  }
0x54: {  	v3 =	vor.u32 v3, v4  }
0x55: {  	v4 =	vperm.xlane v3, v0;
	_ =	sdelay $0x1  }
0x56: {  	v4 =	vadd.s32 v1, v4;
	_ =	sdelay $0x3  }
0x57: {  	s0 =	rddreg [dreg:$0x10];
	v3 =	vperm.xlane v3, v2  }
0x58: {  	[tilespmem:s0], [sflag:$0x1] =	stream.indirect_vreg.gather [hbm4b:s2+s3], $0x80, v4, vm0, $0xb8;
	[tilespmem:$0x18080] =	vst v63  }
0x59: {  	s9 =	rddreg [dreg:$0x11];
	v3 =	vadd.s32 v1, v3  }
0x5a: {  	[tilespmem:s9], [sflag:$0x1] =	stream.indirect_vreg.gather [hbm4b:s4+s3], $0x80, v4, vm0, $0xb8;
	[tilespmem:$0x18080] =	vst v63  }
0x5b: {  	s0 =	rddreg [dreg:$0x12]  }
0x5c: {  	[tilespmem:s0], [sflag:$0x1] =	stream.indirect_vreg.gather [hbm4b:s5+s3], $0x80, v4, vm0, $0xb8;
	[tilespmem:$0x18080] =	vst v63  }
0x5d: {  	s9 =	rddreg [dreg:$0x13]  }
0x5e: {  	[tilespmem:s9], [sflag:$0x1] =	stream.indirect_vreg.gather [hbm4b:s2+s3], $0x80, v3, vm0, $0xb8;
	[tilespmem:$0x18080] =	vst v63  }
0x5f: {  	s0 =	rddreg [dreg:$0x14]  }
0x60: {  	[tilespmem:s0], [sflag:$0x1] =	stream.indirect_vreg.gather [hbm4b:s4+s3], $0x80, v3, vm0, $0xb8;
	[tilespmem:$0x18080] =	vst v63  }
0x61: {  	s9 =	rddreg [dreg:$0x15]  }
0x62: {  	[tilespmem:s9], [sflag:$0x1] =	stream.indirect_vreg.gather [hbm4b:s5+s3], $0x80, v3, vm0, $0xb8;
	[tilespmem:$0x18080] =	vst v63  }
0x63: {  	v3 =	vld [tilespmem:$0x30];
	_ =	sdelay $0x4  }
0x64: {  	v59 =	vshrl.u32 v3, $0x3  }
0x65: {  	v4 =	vmul.u32 $0x30, v59  }
0x66: {  	v3 =	vand.u32 $0x7, v3  }
0x67: {  	v3 =	vor.u32 v3, v4  }
0x68: {  	v4 =	vperm.xlane v3, v0;
	_ =	sdelay $0x1  }
0x69: {  	v4 =	vadd.s32 v1, v4;
	_ =	sdelay $0x3  }
0x6a: {  	s0 =	rddreg [dreg:$0x16];
	v3 =	vperm.xlane v3, v2  }
0x6b: {  	[tilespmem:s0], [sflag:$0x1] =	stream.indirect_vreg.gather [hbm4b:s2+s3], $0x80, v4, vm0, $0xb8;
	[tilespmem:$0x18080] =	vst v63  }
0x6c: {  	s9 =	rddreg [dreg:$0x17];
	v3 =	vadd.s32 v1, v3  }
0x6d: {  	[tilespmem:s9], [sflag:$0x1] =	stream.indirect_vreg.gather [hbm4b:s4+s3], $0x80, v4, vm0, $0xb8;
	[tilespmem:$0x18080] =	vst v63  }
0x6e: {  	s0 =	rddreg [dreg:$0x18]  }
0x6f: {  	[tilespmem:s0], [sflag:$0x1] =	stream.indirect_vreg.gather [hbm4b:s5+s3], $0x80, v4, vm0, $0xb8;
	[tilespmem:$0x18080] =	vst v63  }
0x70: {  	s9 =	rddreg [dreg:$0x19]  }
0x71: {  	[tilespmem:s9], [sflag:$0x1] =	stream.indirect_vreg.gather [hbm4b:s2+s3], $0x80, v3, vm0, $0xb8;
	[tilespmem:$0x18080] =	vst v63  }
0x72: {  	s0 =	rddreg [dreg:$0x1a]  }
0x73: {  	[tilespmem:s0], [sflag:$0x1] =	stream.indirect_vreg.gather [hbm4b:s4+s3], $0x80, v3, vm0, $0xb8;
	[tilespmem:$0x18080] =	vst v63  }
0x74: {  	s9 =	rddreg [dreg:$0x1b]  }
0x75: {  	[tilespmem:s9], [sflag:$0x1] =	stream.indirect_vreg.gather [hbm4b:s5+s3], $0x80, v3, vm0, $0xb8;
	[tilespmem:$0x18080] =	vst v63  }
0x76: {  	v3 =	vld [tilespmem:$0x40];
	_ =	sdelay $0x4  }
0x77: {  	v60 =	vshrl.u32 v3, $0x3  }
0x78: {  	v4 =	vmul.u32 $0x30, v60  }
0x79: {  	v3 =	vand.u32 $0x7, v3  }
0x7a: {  	v3 =	vor.u32 v3, v4  }
0x7b: {  	v4 =	vperm.xlane v3, v0;
	_ =	sdelay $0x1  }
0x7c: {  	v4 =	vadd.s32 v1, v4;
	_ =	sdelay $0x3  }
0x7d: {  	s0 =	rddreg [dreg:$0x1c];
	v3 =	vperm.xlane v3, v2  }
0x7e: {  	[tilespmem:s0], [sflag:$0x1] =	stream.indirect_vreg.gather [hbm4b:s2+s3], $0x80, v4, vm0, $0xb8;
	[tilespmem:$0x18080] =	vst v63  }
0x7f: {  	s9 =	rddreg [dreg:$0x1d];
	v3 =	vadd.s32 v1, v3  }
0x80: {  	[tilespmem:s9], [sflag:$0x1] =	stream.indirect_vreg.gather [hbm4b:s4+s3], $0x80, v4, vm0, $0xb8;
	[tilespmem:$0x18080] =	vst v63  }
0x81: {  	s9 =	simm.s32 $0xD080  }
0x82: {  	[tilespmem:s9], [sflag:$0x1] =	stream.indirect_vreg.gather [hbm4b:s5+s3], $0x80, v4, vm0, $0xb8;
	[tilespmem:$0x18080] =	vst v63  }
0x83: {  	_ = 	snop  }
0x84: {  	[tilespmem:s10], [sflag:$0x1] =	stream.indirect_vreg.gather [hbm4b:s2+s3], $0x80, v3, vm0, $0xb8;
	[tilespmem:$0x18080] =	vst v63  }
0x85: {  	_ = 	snop  }
0x86: {  	[tilespmem:s11], [sflag:$0x1] =	stream.indirect_vreg.gather [hbm4b:s4+s3], $0x80, v3, vm0, $0xb8;
	[tilespmem:$0x18080] =	vst v63  }
0x87: {  	_ = 	snop  }
0x88: {  	[tilespmem:s12], [sflag:$0x1] =	stream.indirect_vreg.gather [hbm4b:s5+s3], $0x80, v3, vm0, $0xb8;
	[tilespmem:$0x18080] =	vst v63  }
0x89: {  	v3 =	vld [tilespmem:$0x50];
	_ =	sdelay $0x4  }
0x8a: {  	v61 =	vshrl.u32 v3, $0x3  }
0x8b: {  	v4 =	vmul.u32 $0x30, v61  }
0x8c: {  	v3 =	vand.u32 $0x7, v3  }
0x8d: {  	v3 =	vor.u32 v3, v4  }
0x8e: {  	v4 =	vperm.xlane v3, v0;
	_ =	sdelay $0x1  }
0x8f: {  	v4 =	vadd.s32 v1, v4;
	_ =	sdelay $0x3  }
0x90: {  	v3 =	vperm.xlane v3, v2  }
0x91: {  	[tilespmem:s13], [sflag:$0x1] =	stream.indirect_vreg.gather [hbm4b:s2+s3], $0x80, v4, vm0, $0xb8;
	[tilespmem:$0x18080] =	vst v63  }
0x92: {  	v3 =	vadd.s32 v1, v3  }
0x93: {  	[tilespmem:s14], [sflag:$0x1] =	stream.indirect_vreg.gather [hbm4b:s4+s3], $0x80, v4, vm0, $0xb8;
	[tilespmem:$0x18080] =	vst v63  }
0x94: {  	_ = 	snop  }
0x95: {  	[tilespmem:s15], [sflag:$0x1] =	stream.indirect_vreg.gather [hbm4b:s5+s3], $0x80, v4, vm0, $0xb8;
	[tilespmem:$0x18080] =	vst v63  }
0x96: {  	_ = 	snop  }
0x97: {  	[tilespmem:s16], [sflag:$0x1] =	stream.indirect_vreg.gather [hbm4b:s2+s3], $0x80, v3, vm0, $0xb8;
	[tilespmem:$0x18080] =	vst v63  }
0x98: {  	_ = 	snop  }
0x99: {  	[tilespmem:s17], [sflag:$0x1] =	stream.indirect_vreg.gather [hbm4b:s4+s3], $0x80, v3, vm0, $0xb8;
	[tilespmem:$0x18080] =	vst v63  }
0x9a: {  	_ = 	snop  }
0x9b: {  	[tilespmem:s18], [sflag:$0x1] =	stream.indirect_vreg.gather [hbm4b:s5+s3], $0x80, v3, vm0, $0xb8;
	[tilespmem:$0x18080] =	vst v63  }
0x9c: {  	v3 =	vld [tilespmem:$0x60];
	_ =	sdelay $0x4  }
0x9d: {  	v62 =	vshrl.u32 v3, $0x3  }
0x9e: {  	v4 =	vmul.u32 $0x30, v62  }
0x9f: {  	v3 =	vand.u32 $0x7, v3  }
0xa0: {  	v3 =	vor.u32 v3, v4  }
0xa1: {  	v4 =	vperm.xlane v3, v0;
	_ =	sdelay $0x1  }
0xa2: {  	v4 =	vadd.s32 v1, v4;
	_ =	sdelay $0x3  }
0xa3: {  	v3 =	vperm.xlane v3, v2  }
0xa4: {  	[tilespmem:s19], [sflag:$0x1] =	stream.indirect_vreg.gather [hbm4b:s2+s3], $0x80, v4, vm0, $0xb8;
	[tilespmem:$0x18080] =	vst v63  }
0xa5: {  	v3 =	vadd.s32 v1, v3  }
0xa6: {  	[tilespmem:s20], [sflag:$0x1] =	stream.indirect_vreg.gather [hbm4b:s4+s3], $0x80, v4, vm0, $0xb8;
	[tilespmem:$0x18080] =	vst v63  }
0xa7: {  	_ = 	snop  }
0xa8: {  	[tilespmem:s21], [sflag:$0x1] =	stream.indirect_vreg.gather [hbm4b:s5+s3], $0x80, v4, vm0, $0xb8;
	[tilespmem:$0x18080] =	vst v63  }
0xa9: {  	_ = 	snop  }
0xaa: {  	[tilespmem:s22], [sflag:$0x1] =	stream.indirect_vreg.gather [hbm4b:s2+s3], $0x80, v3, vm0, $0xb8;
	[tilespmem:$0x18080] =	vst v63  }
0xab: {  	_ = 	snop  }
0xac: {  	[tilespmem:s23], [sflag:$0x1] =	stream.indirect_vreg.gather [hbm4b:s4+s3], $0x80, v3, vm0, $0xb8;
	[tilespmem:$0x18080] =	vst v63  }
0xad: {  	_ = 	snop  }
0xae: {  	[tilespmem:s24], [sflag:$0x1] =	stream.indirect_vreg.gather [hbm4b:s5+s3], $0x80, v3, vm0, $0xb8;
	[tilespmem:$0x18080] =	vst v63  }
0xaf: {  	v3 =	vld [tilespmem:$0x70];
	_ =	sdelay $0x4  }
0xb0: {  	v63 =	vshrl.u32 v3, $0x3  }
0xb1: {  	v4 =	vmul.u32 $0x30, v63  }
0xb2: {  	v3 =	vand.u32 $0x7, v3  }
0xb3: {  	v3 =	vor.u32 v3, v4  }
0xb4: {  	v4 =	vperm.xlane v3, v0;
	_ =	sdelay $0x1  }
0xb5: {  	v4 =	vadd.s32 v1, v4;
	_ =	sdelay $0x3  }
0xb6: {  	v3 =	vperm.xlane v3, v2  }
0xb7: {  	[tilespmem:s25], [sflag:$0x1] =	stream.indirect_vreg.gather [hbm4b:s2+s3], $0x80, v4, vm0, $0xb8;
	[tilespmem:$0x18080] =	vst v63  }
0xb8: {  	v3 =	vadd.s32 v1, v3  }
0xb9: {  	[tilespmem:s26], [sflag:$0x1] =	stream.indirect_vreg.gather [hbm4b:s4+s3], $0x80, v4, vm0, $0xb8;
	[tilespmem:$0x18080] =	vst v63  }
0xba: {  	_ = 	snop  }
0xbb: {  	[tilespmem:s28], [sflag:$0x1] =	stream.indirect_vreg.gather [hbm4b:s5+s3], $0x80, v4, vm0, $0xb8;
	[tilespmem:$0x18080] =	vst v63  }
0xbc: {  	_ = 	snop  }
0xbd: {  	[tilespmem:s29], [sflag:$0x1] =	stream.indirect_vreg.gather [hbm4b:s2+s3], $0x80, v3, vm0, $0xb8;
	[tilespmem:$0x18080] =	vst v63  }
0xbe: {  	_ = 	snop  }
0xbf: {  	[tilespmem:s30], [sflag:$0x1] =	stream.indirect_vreg.gather [hbm4b:s4+s3], $0x80, v3, vm0, $0xb8;
	[tilespmem:$0x18080] =	vst v63  }
0xc0: {  	_ = 	snop  }
0xc1: {  	[tilespmem:s31], [sflag:$0x1] =	stream.indirect_vreg.gather [hbm4b:s5+s3], $0x80, v3, vm0, $0xb8;
	[tilespmem:$0x18080] =	vst v63  }
0xc2: {  	_ =	swait.ge [sflag:s1], $0x18000  }
0xc3: {  	p0 =	sne.s32 s6, $0x1;
	[sflag:s1] =	ssyncset.done $0x0  }
.Ltmp0:
0xc4: {  	s9 =	rddreg [dreg:$0x4];
	[sflag:s1] =	ssyncadd.s32 $0xFFFE8000;
	(pc) =	sbr.rel @p0 .LBB2_1-.Ltmp0, $4  }
0xc5: {  	[hbm4b:s9+s3] =	stream.linear.scatter [tilespmem:s8], [sflag:$0x2], $0x18000, $0x38;
	[tilespmem:$0x18080] =	vst v63  }
0xc6: {  	_ =	swait.ge [sflag:s7], $0x18000  }
0xc7: {  	[sflag:s7] =	ssyncset.done $0x0  }
0xc8: {  	s6 =	sadd.s32 $0xFFFFFFFF, s6;
	[sflag:s7] =	ssyncadd.s32 $0xFFFE8000  }
0xc9: {  	_ =	sfence.sel $0x180000  }
0xca: {  	[bflag:$0x0] =	sbarrier.arrive $0xFFFF  }
0xcb: {  	_ =	strace $0x9000004D  }
0xcc: {  	s0 =	stileid.u32;
	[bflag:$0x2] =	sbarrier.arrive $0xFFFF  }
0xcd: {  	p0 =	sne.s32 s0, $0x0;
	s0 =	rddreg [dreg:$0x2]  }
0xce: {  	s0 =	sadd.s32 @!p0 $0x100000, s0  }
0xcf: {  	[sflag:s0] =	ssyncadd.tile.s32 @!p0 $0x1;
	_ =	shalt  }
.Lfunc_end2:
_tile_overlayer_lowered:
.L_overlay_start_2:
0xd0: {  	(tag) =	ssettag $0x2  }
0xd1: {  	s0 =	rddreg [dreg:$0x0];
	s2 =	stileid.u32  }
0xd2: {  	s1 =	rddreg [dreg:$0x1];
	p0 =	sne.s32 s2, $0x0  }
0xd3: {  	s3 =	rddreg [dreg:$0x2];
	[bflag:$0x3] =	sbarrier.arrive $0xFFFF;
	s2 =	simm.s32 @!p0 $0x1C02  }
0xd4: {  	[timem:s3], [sflag:s2] =	dma.local @!p0 [hbm:s0], s1  }
0xd5: {  	s0 =	simm.s32 @!p0 $0x2  }
0xd6: {  	_ =	swait.ge @!p0 [sflag:s0], s1  }
0xd7: {  	s1 =	ssub.s32 @!p0 $0x0, s1;
	[sflag:s0] =	ssyncset.done @!p0 $0x0  }
0xd8: {  	[sflag:s0] =	ssyncadd.s32 @!p0 s1  }
0xd9: {  	[bflag:$0x3] =	sbarrier.arrive $0xFFFF  }
0xda: {  	_ =	shalt  }

// kernel: mod_sc_scatter.3.cloned.1.call-start
scs
__scs_entry_jumppad:
0x0: {  	(pc) =	sbr.rel $0x88, $3  }
0x1: {  	(tag) =	ssettag $0x0;
	lr =	simm.s32 $0x1  }
0x2: {  	[smem:$0x3F93] =	sst lr;
	_ =	strace $0xD0000000  }
0x3: {  	_ = 	snop  }
0x4: {  	_ = 	snop  }
0x5: {  	_ = 	snop  }
0x6: {  	_ = 	snop  }
0x7: {  	_ = 	snop  }
__scs_overlays_trampoline_lowered:
0x8: {  	[smem:$0x3FA2] =	sst s0  }
0x9: {  	[smem:$0x3FA3] =	sst s1  }
0xa: {  	[smem:$0x3FA4] =	sst s2  }
0xb: {  	[smem:$0x3FA5] =	sst s3  }
0xc: {  	[smem:$0x3FA6] =	sst s4  }
0xd: {  	[smem:$0x3FA7] =	sst s5  }
0xe: {  	[smem:$0x3FA8] =	sst s6  }
0xf: {  	[smem:$0x3FA9] =	sst s7  }
0x10: {  	[smem:$0x3FAA] =	sst s8  }
0x11: {  	[smem:$0x3FAB] =	sst s9;
	s0 =	simm.s32 @!p0 $0x0  }
0x12: {  	s1 =	sld [smem:$0x3F91];
	s0 =	simm.s32 @p0 $0x1  }
0x13: {  	[smem:$0x3FAC] =	sst s0;
	s0 =	simm.s32 @!p1 $0x0  }
0x14: {  	s2 =	sld [smem:$0x3F90];
	s0 =	simm.s32 @p1 $0x1  }
0x15: {  	[smem:$0x3FAD] =	sst s0;
	s0 =	simm.s32 @!p2 $0x0  }
0x16: {  	s3 =	sld [smem:$0x3FDB];
	s0 =	simm.s32 @p2 $0x1  }
0x17: {  	s4 =	simm.s32 $0x1BF5;
	[smem:$0x3FAF] =	sst s0  }
0x18: {  	s0 =	sld [smem:$0x3F92];
	_ =	swait.ge [sflag:s4], $0x0  }
0x19: {  	s7 =	sld [smem:$0x3F93]  }
0x1a: {  	s8 =	sadd.s32 $0xFFFFE003, lr  }
0x1b: {  	s9 =	sadd.s32 $0xFFFFFEF7, lr;
	s5 =	simm.s32 $0xFFFFFFFF;
	p2 =	slt.u32 s8, $0xFFFFF086  }
0x1c: {  	p1 =	slt.u32 s9, $0xF7A;
	s5 =	simm.s32 @!p2 $0x0  }
0x1d: {  	s5 =	simm.s32 @p1 $0x1;
	p0 =	seq.s32 s7, s2  }
0x1e: {  	s7 =	smul.u32 @!p0 $0xF7A, s2;
	p2 =	seq.s32 @!p0 s5, $0x0  }
0x1f: {  	s9 =	smul.u32 $0xF7A, s1;
	s8 =	simm.s32 @!p0 $0x1BF5;
	p2 =	por !p2, p0  }
0x20: {  	[sflag:s8] =	ssyncset.s32 @!p0 $0xFFFFF086;
	s6 =	sadd.s32 @!p0 s3, s7;
	s7 =	simm.s32 @!p0 $0x108  }
0x21: {  	s3 =	sadd.s32 s3, s9;
	s6 =	sadd.s32 @!p0 $0x88, s6;
	s7 =	simm.s32 @p2 $0x1082  }
0x22: {  	[simem:s7], [sflag:s8] =	dma.local @!p0 [hbm:s6], $0xF7A  }
0x23: {  	s9 =	sor.u32 $0xD0000000, s2;
	s6 =	simm.s32 $0x108;
	_ =	swait.ge @!p0 [sflag:s8], $0x0  }
0x24: {  	s3 =	sadd.s32 $0x88, s3;
	s6 =	simm.s32 @!p1 $0x1082;
	[sflag:s4] =	ssyncset.s32 $0xFFFFF086  }
0x25: {  	[simem:s6], [sflag:s4] =	dma.local [hbm:s3], $0xF7A  }
0x26: {  	[smem:$0x3F93] =	sst s1;
	(tag) =	ssettag s2;
	_ =	strace s9  }
0x27: {  	s1 =	sld [smem:$0x3FA3]  }
0x28: {  	s2 =	sld [smem:$0x3FA4]  }
0x29: {  	s4 =	sld [smem:$0x3FA6]  }
0x2a: {  	p0 =	seq.s32 s5, $0x0;
	s5 =	sld [smem:$0x3FA7]  }
0x2b: {  	s6 =	sld [smem:$0x3FA8]  }
0x2c: {  	s7 =	sld [smem:$0x3FA9]  }
0x2d: {  	s3 =	simm.s32 $0x108;
	s8 =	sld [smem:$0x3FAA]  }
0x2e: {  	s3 =	simm.s32 @!p0 $0x1082;
	s9 =	sld [smem:$0x3FAB]  }
0x2f: {  	lr =	sadd.s32 s0, s3;
	s0 =	sld [smem:$0x3FA2]  }
0x30: {  	s3 =	sld [smem:$0x3FA5]  }
0x31: {  	[smem:$0x3FAE] =	sst s10  }
0x32: {  	s10 =	sld [smem:$0x3FAC];
	_ =	sdelay $0x3  }
0x33: {  	p0 =	seq.s32 s10, $0x1;
	s10 =	sld [smem:$0x3FAE];
	_ =	sdelay $0x3  }
0x34: {  	[smem:$0x3FAE] =	sst s10  }
0x35: {  	s10 =	sld [smem:$0x3FAD];
	_ =	sdelay $0x3  }
0x36: {  	p1 =	seq.s32 s10, $0x1;
	s10 =	sld [smem:$0x3FAE];
	_ =	sdelay $0x3  }
0x37: {  	[smem:$0x3FAE] =	sst s10  }
0x38: {  	s10 =	sld [smem:$0x3FAF]  }
0x39: {  	_ = 	snop;
	(pc) =	sbr.ind lr, $3  }
0x3a: {  	_ = 	snop  }
0x3b: {  	_ = 	snop  }
0x3c: {  	p2 =	seq.s32 s10, $0x1;
	s10 =	sld [smem:$0x3FAE]  }
0x3d: {  	_ =	shalt  }
0x3e: {  	_ =	shalt  }
0x3f: {  	_ =	shalt  }
0x40: {  	_ =	shalt  }
0x41: {  	_ =	shalt  }
0x42: {  	_ =	shalt  }
0x43: {  	_ =	shalt  }
0x44: {  	_ =	shalt  }
0x45: {  	_ =	shalt  }
0x46: {  	_ =	shalt  }
0x47: {  	_ =	shalt  }
0x48: {  	_ =	shalt  }
0x49: {  	_ =	shalt  }
0x4a: {  	_ =	shalt  }
0x4b: {  	_ =	shalt  }
0x4c: {  	_ =	shalt  }
0x4d: {  	_ =	shalt  }
0x4e: {  	_ =	shalt  }
0x4f: {  	_ =	shalt  }
0x50: {  	_ =	shalt  }
0x51: {  	_ =	shalt  }
0x52: {  	_ =	shalt  }
0x53: {  	_ =	shalt  }
0x54: {  	_ =	shalt  }
0x55: {  	_ =	shalt  }
0x56: {  	_ =	shalt  }
0x57: {  	_ =	shalt  }
0x58: {  	_ =	shalt  }
0x59: {  	_ =	shalt  }
0x5a: {  	_ =	shalt  }
0x5b: {  	_ =	shalt  }
0x5c: {  	_ =	shalt  }
0x5d: {  	_ =	shalt  }
0x5e: {  	_ =	shalt  }
0x5f: {  	_ =	shalt  }
0x60: {  	_ =	shalt  }
0x61: {  	_ =	shalt  }
0x62: {  	_ =	shalt  }
0x63: {  	_ =	shalt  }
0x64: {  	_ =	shalt  }
0x65: {  	_ =	shalt  }
0x66: {  	_ =	shalt  }
0x67: {  	_ =	shalt  }
0x68: {  	_ =	shalt  }
0x69: {  	_ =	shalt  }
0x6a: {  	_ =	shalt  }
0x6b: {  	_ =	shalt  }
0x6c: {  	_ =	shalt  }
0x6d: {  	_ =	shalt  }
0x6e: {  	_ =	shalt  }
0x6f: {  	_ =	shalt  }
0x70: {  	_ =	shalt  }
0x71: {  	_ =	shalt  }
0x72: {  	_ =	shalt  }
0x73: {  	_ =	shalt  }
0x74: {  	_ =	shalt  }
0x75: {  	_ =	shalt  }
0x76: {  	_ =	shalt  }
0x77: {  	_ =	shalt  }
0x78: {  	_ =	shalt  }
0x79: {  	_ =	shalt  }
0x7a: {  	_ =	shalt  }
0x7b: {  	_ =	shalt  }
0x7c: {  	_ =	shalt  }
0x7d: {  	_ =	shalt  }
0x7e: {  	_ =	shalt  }
0x7f: {  	_ =	shalt  }
0x80: {  	_ =	shalt  }
0x81: {  	_ =	shalt  }
0x82: {  	_ =	shalt  }
0x83: {  	_ =	shalt  }
0x84: {  	_ =	shalt  }
0x85: {  	_ =	shalt  }
0x86: {  	_ =	shalt  }
0x87: {  	_ =	shalt  }
.Lfunc_end0:
.L_simem_size_0:
called_computation.4_lowered:
.L_overlay_start_0:
0x88: {  	s2 =	sld [smem:$0x3FD9]  }
0x89: {  	s3 =	sld [smem:$0x3FFE];
	_ =	sdelay $0x1  }
0x8a: {  	s1 =	srdreg.scid  }
0x8b: {  	s0 =	sand.u32 $0x1, s1  }
0x8c: {  	s17 =	sshll.u32 s0, $0xA;
	s2 =	sadd.s32 s3, s2  }
0x8d: {  	s2 =	sadd.s32 s2, s17  }
0x8e: {  	[smem:$0x3FBA] =	sst s2  }
0x8f: {  	_ = 	snop  }
0x90: {  	s2 =	sld [smem:$0x3FD0];
	(tm) =	ssettm $0x1  }
0x91: {  	s18 =	sld [smem:$0x3FFB];
	_ =	sdelay $0x3  }
0x92: {  	_ =	strace s18  }
0x93: {  	s3 =	sld [smem:$0x3FFC];
	_ =	sdelay $0x3  }
0x94: {  	_ =	strace s3  }
0x95: {  	s3 =	sld [smem:$0x3FFD];
	_ =	sdelay $0x3  }
0x96: {  	_ =	strace s3  }
0x97: {  	_ =	strace $0x8FFFFFFF  }
0x98: {  	s19 =	sld [smem:$0x3FDB];
	_ =	sdelay $0x1  }
0x99: {  	s4 =	simm.s32 $_scs_section_size  }
0x9a: {  	s5 =	simm.s32 $_size__tile_overlayer_lowered;
	s6 =	simm.s32 $_tile_overlayer_lowered  }
0x9b: {  	s22 =	simm.s32 $0x1BFF;
	s21 =	sshll.u32 s6, $0x1;
	s3 =	sadd.s32 s4, s19  }
0x9c: {  	s7 =	simm.s32 $0x0;
	s20 =	sshll.u32 s5, $0x1;
	s5 =	sadd.s32 s21, s3  }
0x9d: {  	[timem:s7], [sflag:s22] =	dma.local [hbm:s5], s20  }
0x9e: {  	_ =	swait.ge [sflag:s22], s20  }
0x9f: {  	s4 =	ssub.s32 $0x0, s20;
	[sflag:s22] =	ssyncset.done $0x0  }
0xa0: {  	[sflag:s22] =	ssyncadd.s32 s4;
	_ =	sdelay $0x1  }
0xa1: {  	s23 =	simm.s32 $0x1B8B  }
0xa2: {  	_ =	swait.ge [sflag:s23], $0x1  }
0xa3: {  	[sflag:s23] =	ssyncset.done $0x0  }
0xa4: {  	s25 =	simm.s32 $0x1B8E;
	s24 =	sld [smem:$0x3FFE];
	[sflag:s23] =	ssyncadd.s32 $0xFFFFFFFF  }
0xa5: {  	s26 =	simm.s32 $execute0_lowered;
	[smem:$0x3FD2] =	sst s25  }
0xa6: {  	s5 =	sshll.u32 s26, $0x1;
	_ =	strace $0x80000052;
	[dreg:$0x1] =	wrdreg $0xFFFFFFFF  }
0xa7: {  	s28 =	simm.s32 $_size_execute0_lowered;
	s3 =	sadd.s32 s3, s5;
	[dreg:$0x0] =	wrdreg $0x0  }
0xa8: {  	s5 =	sshll.u32 s28, $0x1;
	[dreg:$0x2] =	wrdreg s3  }
0xa9: {  	[dreg:$0x3] =	wrdreg s5  }
0xaa: {  	[dreg:$0x4] =	wrdreg $0xC0  }
0xab: {  	_ =	task [dreg:s7], $0x5FFFF  }
0xac: {  	[dreg:$0x1] =	wrdreg $0xFFFFFFFF  }
0xad: {  	[dreg:$0x0] =	wrdreg $0x60  }
0xae: {  	[dreg:$0x2] =	wrdreg s24  }
0xaf: {  	[dreg:$0x3] =	wrdreg s2  }
0xb0: {  	[dreg:$0x4] =	wrdreg $0x9  }
0xb1: {  	_ =	task.clear_ibuf [dreg:s7], $0x5FFFF;
	_ =	strace $0x90000052  }
0xb2: {  	s29 =	simm.s32 $0x9;
	_ =	strace $0x80000054  }
0xb3: {  	_ =	swait.ge [sflag:s29], $0x1  }
0xb4: {  	[sflag:s29] =	ssyncadd.s32 $0xFFFFFFFF  }
0xb5: {  	_ =	strace $0x90000054  }
0xb6: {  	_ =	sfence  }
0xb7: {  	s30 =	sld [smem:$0x0];
	_ =	sdelay $0x2  }
0xb8: {  	s31 =	sshll.u32 s1, $0xD;
	s1 =	sshrl.u32 s1, $0x2  }
0xb9: {  	s3 =	sand.u32 $0x4000, s31;
	s1 =	sadd.s32 s1, s30  }
0xba: {  	s0 =	sor.u32 s3, s0;
	s1 =	sshll.u32 s1, $0x11  }
0xbb: {  	s0 =	sor.u32 s1, s0  }
0xbc: {  	s0 =	sadd.s32 $0x8F2B, s0  }
0xbd: {  	[sflag:s0] =	ssyncadd.remote.s32 $0x1  }
0xbe: {  	_ =	sfence.sel $0xFFFF  }
0xbf: {  	[dreg:$0x0] =	wrdreg $0xFFFFFFFF;
	(pc) =	sbr.abs _section_cstart, $3  }
0xc0: {  	[dreg:$0x1] =	wrdreg $0xFFFFFFFF  }
0xc1: {  	_ =	task.clear_ibuf [dreg:s7], $0x2FFFF;
	_ =	strace $0x9FFFFFFF  }
0xc2: {  	(tm) =	ssettm $0x7FFFFFFF  }
0xc3: {  	_ =	shalt  }
tec
execute0_lowered:
.L_overlay_start_1:
0x0: {  	(tag) =	ssettag $0x1  }
0x1: {  	s1 =	srdreg.scid  }
0x2: {  	s0 =	stileid.u32;
	s1 =	sand.u32 $0x1, s1  }
0x3: {  	s4 =	rddreg [dreg:$0x0];
	s3 =	sshll.u32 s0, $0x5;
	s5 =	sshll.u32 s1, $0x4  }
0x4: {  	s2 =	rddreg [dreg:$0x1];
	s5 =	sor.u32 s5, s3;
	s3 =	simm.s32 $0x0  }
0x5: {  	s25 =	simm.s32 $0x880;
	[smem:$0x7FF] =	sst s3  }
0x6: {  	s26 =	simm.s32 $0x1080;
	_ =	strace $0x80000053;
	[dreg:$0x5] =	wrdreg s25  }
0x7: {  	s0 =	simm.s32 $0x1880;
	[dreg:$0x6] =	wrdreg s26  }
0x8: {  	s7 =	simm.s32 $0x3080;
	[dreg:$0x7] =	wrdreg s0  }
0x9: {  	s8 =	simm.s32 $0x3880;
	[dreg:$0xa] =	wrdreg s7  }
0xa: {  	s9 =	simm.s32 $0x4080;
	[dreg:$0xb] =	wrdreg s8  }
0xb: {  	s10 =	simm.s32 $0x4880;
	[dreg:$0xc] =	wrdreg s9  }
0xc: {  	s11 =	simm.s32 $0x5080;
	[dreg:$0xd] =	wrdreg s10  }
0xd: {  	s12 =	simm.s32 $0x5880;
	s13 =	simm.s32 $0x6080;
	[dreg:$0xe] =	wrdreg s11  }
0xe: {  	s14 =	simm.s32 $0x6880;
	s15 =	simm.s32 $0x7080;
	[dreg:$0xf] =	wrdreg s12  }
0xf: {  	s16 =	simm.s32 $0x7880;
	s17 =	simm.s32 $0x8080;
	[dreg:$0x10] =	wrdreg s13  }
0x10: {  	s18 =	simm.s32 $0x8880;
	s19 =	simm.s32 $0x9080;
	[dreg:$0x11] =	wrdreg s14  }
0x11: {  	s21 =	simm.s32 $0x9880;
	s22 =	simm.s32 $0xA080;
	[dreg:$0x12] =	wrdreg s15  }
0x12: {  	s23 =	simm.s32 $0xA880;
	s24 =	simm.s32 $0xB880;
	[dreg:$0x13] =	wrdreg s16  }
0x13: {  	s28 =	simm.s32 $0x16080;
	s29 =	simm.s32 $0x16880;
	[dreg:$0x14] =	wrdreg s17  }
0x14: {  	s30 =	simm.s32 $0x17080;
	s1 =	ssub.s32 $0x2, s1;
	[dreg:$0x15] =	wrdreg s18  }
0x15: {  	s31 =	simm.s32 $0x17880;
	s20 =	sshrl.u32 s1, $0x1;
	[dreg:$0x16] =	wrdreg s19  }
0x16: {  	s6 =	smul.u32 $0x300, s5;
	s5 =	sadd.s32 s5, s4;
	[dreg:$0x17] =	wrdreg s21  }
0x17: {  	s1 =	ssub.s32 s1, s20;
	s20 =	simm.s32 $0x12880;
	[dreg:$0x18] =	wrdreg s22  }
0x18: {  	s5 =	sadd.s32 $0xE00, s5;
	[dreg:$0x19] =	wrdreg s23;
	s7 =	simm.s32 $0xB080  }
0x19: {  	[dreg:$0x1b] =	wrdreg s24;
	s25 =	simm.s32 $0xC080;
	s8 =	simm.s32 $0x80  }
0x1a: {  	s26 =	simm.s32 $0xC880;
	s10 =	simm.s32 $0xD880;
	s11 =	simm.s32 $0xE080  }
0x1b: {  	s12 =	simm.s32 $0xE880;
	s13 =	simm.s32 $0xF080;
	s14 =	simm.s32 $0xF880  }
0x1c: {  	s15 =	simm.s32 $0x10080;
	s16 =	simm.s32 $0x10880;
	s17 =	simm.s32 $0x11080  }
0x1d: {  	s18 =	simm.s32 $0x11880;
	s19 =	simm.s32 $0x12080;
	s21 =	simm.s32 $0x13080  }
0x1e: {  	s22 =	simm.s32 $0x13880;
	s23 =	simm.s32 $0x14080;
	[dreg:$0x3] =	wrdreg s5  }
0x1f: {  	s24 =	simm.s32 $0x14880;
	s4 =	sadd.s32 s6, s4;
	[dreg:$0x1a] =	wrdreg s7  }
0x20: {  	s5 =	simm.s32 $0x2080;
	s6 =	simm.s32 $0x2880;
	[dreg:$0x1c] =	wrdreg s25  }
0x21: {  	s7 =	simm.s32 $0x2;
	[dreg:$0x1d] =	wrdreg s26;
	s25 =	simm.s32 $0x15080  }
0x22: {  	v2 =	vlaneseq.u32;
	s26 =	simm.s32 $0x15880;
	s4 =	sadd.s32 $0x61400, s4;
	[dreg:$0x8] =	wrdreg s5  }
0x23: {  	vm0 =	vmmov $0xffff;
	v1 =	vshrl.u32 v2, $0x3;
	[dreg:$0x9] =	wrdreg s6;
	s5 =	sadd.s32 $0x200, s2;
	s6 =	smax.u32 s1, $0x1  }
0x24: {  	v0 =	vand.u32 $0x7, v2;
	v2 =	vor.u32 $0x8, v2;
	v1 =	vmul.u32 $0x8, v1;
	s1 =	simm.s32 $0x1;
	[dreg:$0x4] =	wrdreg s4;
	s4 =	sadd.s32 $0x100, s2  }
.LBB2_1:
0x25: {  	s0 =	rddreg [dreg:$0x3]  }
0x26: {  	[tilespmem:s3], [sflag:$0x2] =	stream.linear.gather [hbm4b:s0+s3], $0x80, $0x38;
	[tilespmem:$0x18080] =	vst v63  }
0x27: {  	_ =	swait.ge [sflag:s7], $0x80  }
0x28: {  	[sflag:s7] =	ssyncset.done $0x0  }
0x29: {  	s9 =	rddreg [dreg:$0x4];
	[sflag:s7] =	ssyncadd.s32 $0xFFFFFF80  }
0x2a: {  	[tilespmem:s8], [sflag:$0x2] =	stream.linear.gather [hbm4b:s9+s3], $0x18000, $0x38;
	[tilespmem:$0x18080] =	vst v63  }
0x2b: {  	_ =	swait.ge [sflag:s7], $0x18000  }
0x2c: {  	[sflag:s7] =	ssyncset.done $0x0  }
0x2d: {  	[sflag:s7] =	ssyncadd.s32 $0xFFFE8000  }
0x2e: {  	v3 =	vld [tilespmem:$0x0];
	_ =	sdelay $0x4  }
0x2f: {  	v4 =	vshrl.u32 v3, $0x3  }
0x30: {  	v4 =	vmul.u32 $0x30, v4  }
0x31: {  	v3 =	vand.u32 $0x7, v3  }
0x32: {  	v3 =	vor.u32 v3, v4  }
0x33: {  	v4 =	vperm.xlane v3, v0;
	_ =	sdelay $0x1  }
0x34: {  	v4 =	vadd.s32 v1, v4;
	_ =	sdelay $0x3  }
0x35: {  	v3 =	vperm.xlane v3, v2  }
0x36: {  	[hbm4b:s2+s3] =	stream.indirect_vreg.scatter [tilespmem:s8], [sflag:$0x1], $0x80, v4, vm0, $0xb8;
	[tilespmem:$0x18080] =	vst v63  }
0x37: {  	s0 =	rddreg [dreg:$0x5];
	v3 =	vadd.s32 v1, v3  }
0x38: {  	[hbm4b:s4+s3] =	stream.indirect_vreg.scatter [tilespmem:s0], [sflag:$0x1], $0x80, v4, vm0, $0xb8;
	[tilespmem:$0x18080] =	vst v63  }
0x39: {  	s9 =	rddreg [dreg:$0x6]  }
0x3a: {  	[hbm4b:s5+s3] =	stream.indirect_vreg.scatter [tilespmem:s9], [sflag:$0x1], $0x80, v4, vm0, $0xb8;
	[tilespmem:$0x18080] =	vst v63  }
0x3b: {  	s0 =	rddreg [dreg:$0x7]  }
0x3c: {  	[hbm4b:s2+s3] =	stream.indirect_vreg.scatter [tilespmem:s0], [sflag:$0x1], $0x80, v3, vm0, $0xb8;
	[tilespmem:$0x18080] =	vst v63  }
0x3d: {  	s9 =	rddreg [dreg:$0x8]  }
0x3e: {  	[hbm4b:s4+s3] =	stream.indirect_vreg.scatter [tilespmem:s9], [sflag:$0x1], $0x80, v3, vm0, $0xb8;
	[tilespmem:$0x18080] =	vst v63  }
0x3f: {  	s0 =	rddreg [dreg:$0x9]  }
0x40: {  	[hbm4b:s5+s3] =	stream.indirect_vreg.scatter [tilespmem:s0], [sflag:$0x1], $0x80, v3, vm0, $0xb8;
	[tilespmem:$0x18080] =	vst v63  }
0x41: {  	v3 =	vld [tilespmem:$0x10];
	_ =	sdelay $0x4  }
0x42: {  	v57 =	vshrl.u32 v3, $0x3  }
0x43: {  	v4 =	vmul.u32 $0x30, v57  }
0x44: {  	v3 =	vand.u32 $0x7, v3  }
0x45: {  	v3 =	vor.u32 v3, v4  }
0x46: {  	v4 =	vperm.xlane v3, v0;
	_ =	sdelay $0x1  }
0x47: {  	v4 =	vadd.s32 v1, v4;
	_ =	sdelay $0x3  }
0x48: {  	s0 =	rddreg [dreg:$0xa];
	v3 =	vperm.xlane v3, v2  }
0x49: {  	[hbm4b:s2+s3] =	stream.indirect_vreg.scatter [tilespmem:s0], [sflag:$0x1], $0x80, v4, vm0, $0xb8;
	[tilespmem:$0x18080] =	vst v63  }
0x4a: {  	s9 =	rddreg [dreg:$0xb];
	v3 =	vadd.s32 v1, v3  }
0x4b: {  	[hbm4b:s4+s3] =	stream.indirect_vreg.scatter [tilespmem:s9], [sflag:$0x1], $0x80, v4, vm0, $0xb8;
	[tilespmem:$0x18080] =	vst v63  }
0x4c: {  	s0 =	rddreg [dreg:$0xc]  }
0x4d: {  	[hbm4b:s5+s3] =	stream.indirect_vreg.scatter [tilespmem:s0], [sflag:$0x1], $0x80, v4, vm0, $0xb8;
	[tilespmem:$0x18080] =	vst v63  }
0x4e: {  	s9 =	rddreg [dreg:$0xd]  }
0x4f: {  	[hbm4b:s2+s3] =	stream.indirect_vreg.scatter [tilespmem:s9], [sflag:$0x1], $0x80, v3, vm0, $0xb8;
	[tilespmem:$0x18080] =	vst v63  }
0x50: {  	s0 =	rddreg [dreg:$0xe]  }
0x51: {  	[hbm4b:s4+s3] =	stream.indirect_vreg.scatter [tilespmem:s0], [sflag:$0x1], $0x80, v3, vm0, $0xb8;
	[tilespmem:$0x18080] =	vst v63  }
0x52: {  	s9 =	rddreg [dreg:$0xf]  }
0x53: {  	[hbm4b:s5+s3] =	stream.indirect_vreg.scatter [tilespmem:s9], [sflag:$0x1], $0x80, v3, vm0, $0xb8;
	[tilespmem:$0x18080] =	vst v63  }
0x54: {  	v3 =	vld [tilespmem:$0x20];
	_ =	sdelay $0x4  }
0x55: {  	v58 =	vshrl.u32 v3, $0x3  }
0x56: {  	v4 =	vmul.u32 $0x30, v58  }
0x57: {  	v3 =	vand.u32 $0x7, v3  }
0x58: {  	v3 =	vor.u32 v3, v4  }
0x59: {  	v4 =	vperm.xlane v3, v0;
	_ =	sdelay $0x1  }
0x5a: {  	v4 =	vadd.s32 v1, v4;
	_ =	sdelay $0x3  }
0x5b: {  	s0 =	rddreg [dreg:$0x10];
	v3 =	vperm.xlane v3, v2  }
0x5c: {  	[hbm4b:s2+s3] =	stream.indirect_vreg.scatter [tilespmem:s0], [sflag:$0x1], $0x80, v4, vm0, $0xb8;
	[tilespmem:$0x18080] =	vst v63  }
0x5d: {  	s9 =	rddreg [dreg:$0x11];
	v3 =	vadd.s32 v1, v3  }
0x5e: {  	[hbm4b:s4+s3] =	stream.indirect_vreg.scatter [tilespmem:s9], [sflag:$0x1], $0x80, v4, vm0, $0xb8;
	[tilespmem:$0x18080] =	vst v63  }
0x5f: {  	s0 =	rddreg [dreg:$0x12]  }
0x60: {  	[hbm4b:s5+s3] =	stream.indirect_vreg.scatter [tilespmem:s0], [sflag:$0x1], $0x80, v4, vm0, $0xb8;
	[tilespmem:$0x18080] =	vst v63  }
0x61: {  	s9 =	rddreg [dreg:$0x13]  }
0x62: {  	[hbm4b:s2+s3] =	stream.indirect_vreg.scatter [tilespmem:s9], [sflag:$0x1], $0x80, v3, vm0, $0xb8;
	[tilespmem:$0x18080] =	vst v63  }
0x63: {  	s0 =	rddreg [dreg:$0x14]  }
0x64: {  	[hbm4b:s4+s3] =	stream.indirect_vreg.scatter [tilespmem:s0], [sflag:$0x1], $0x80, v3, vm0, $0xb8;
	[tilespmem:$0x18080] =	vst v63  }
0x65: {  	s9 =	rddreg [dreg:$0x15]  }
0x66: {  	[hbm4b:s5+s3] =	stream.indirect_vreg.scatter [tilespmem:s9], [sflag:$0x1], $0x80, v3, vm0, $0xb8;
	[tilespmem:$0x18080] =	vst v63  }
0x67: {  	v3 =	vld [tilespmem:$0x30];
	_ =	sdelay $0x4  }
0x68: {  	v59 =	vshrl.u32 v3, $0x3  }
0x69: {  	v4 =	vmul.u32 $0x30, v59  }
0x6a: {  	v3 =	vand.u32 $0x7, v3  }
0x6b: {  	v3 =	vor.u32 v3, v4  }
0x6c: {  	v4 =	vperm.xlane v3, v0;
	_ =	sdelay $0x1  }
0x6d: {  	v4 =	vadd.s32 v1, v4;
	_ =	sdelay $0x3  }
0x6e: {  	s0 =	rddreg [dreg:$0x16];
	v3 =	vperm.xlane v3, v2  }
0x6f: {  	[hbm4b:s2+s3] =	stream.indirect_vreg.scatter [tilespmem:s0], [sflag:$0x1], $0x80, v4, vm0, $0xb8;
	[tilespmem:$0x18080] =	vst v63  }
0x70: {  	s9 =	rddreg [dreg:$0x17];
	v3 =	vadd.s32 v1, v3  }
0x71: {  	[hbm4b:s4+s3] =	stream.indirect_vreg.scatter [tilespmem:s9], [sflag:$0x1], $0x80, v4, vm0, $0xb8;
	[tilespmem:$0x18080] =	vst v63  }
0x72: {  	s0 =	rddreg [dreg:$0x18]  }
0x73: {  	[hbm4b:s5+s3] =	stream.indirect_vreg.scatter [tilespmem:s0], [sflag:$0x1], $0x80, v4, vm0, $0xb8;
	[tilespmem:$0x18080] =	vst v63  }
0x74: {  	s9 =	rddreg [dreg:$0x19]  }
0x75: {  	[hbm4b:s2+s3] =	stream.indirect_vreg.scatter [tilespmem:s9], [sflag:$0x1], $0x80, v3, vm0, $0xb8;
	[tilespmem:$0x18080] =	vst v63  }
0x76: {  	s0 =	rddreg [dreg:$0x1a]  }
0x77: {  	[hbm4b:s4+s3] =	stream.indirect_vreg.scatter [tilespmem:s0], [sflag:$0x1], $0x80, v3, vm0, $0xb8;
	[tilespmem:$0x18080] =	vst v63  }
0x78: {  	s9 =	rddreg [dreg:$0x1b]  }
0x79: {  	[hbm4b:s5+s3] =	stream.indirect_vreg.scatter [tilespmem:s9], [sflag:$0x1], $0x80, v3, vm0, $0xb8;
	[tilespmem:$0x18080] =	vst v63  }
0x7a: {  	v3 =	vld [tilespmem:$0x40];
	_ =	sdelay $0x4  }
0x7b: {  	v60 =	vshrl.u32 v3, $0x3  }
0x7c: {  	v4 =	vmul.u32 $0x30, v60  }
0x7d: {  	v3 =	vand.u32 $0x7, v3  }
0x7e: {  	v3 =	vor.u32 v3, v4  }
0x7f: {  	v4 =	vperm.xlane v3, v0;
	_ =	sdelay $0x1  }
0x80: {  	v4 =	vadd.s32 v1, v4;
	_ =	sdelay $0x3  }
0x81: {  	s0 =	rddreg [dreg:$0x1c];
	v3 =	vperm.xlane v3, v2  }
0x82: {  	[hbm4b:s2+s3] =	stream.indirect_vreg.scatter [tilespmem:s0], [sflag:$0x1], $0x80, v4, vm0, $0xb8;
	[tilespmem:$0x18080] =	vst v63  }
0x83: {  	s9 =	rddreg [dreg:$0x1d];
	v3 =	vadd.s32 v1, v3  }
0x84: {  	[hbm4b:s4+s3] =	stream.indirect_vreg.scatter [tilespmem:s9], [sflag:$0x1], $0x80, v4, vm0, $0xb8;
	[tilespmem:$0x18080] =	vst v63  }
0x85: {  	s9 =	simm.s32 $0xD080  }
0x86: {  	[hbm4b:s5+s3] =	stream.indirect_vreg.scatter [tilespmem:s9], [sflag:$0x1], $0x80, v4, vm0, $0xb8;
	[tilespmem:$0x18080] =	vst v63  }
0x87: {  	_ = 	snop  }
0x88: {  	[hbm4b:s2+s3] =	stream.indirect_vreg.scatter [tilespmem:s10], [sflag:$0x1], $0x80, v3, vm0, $0xb8;
	[tilespmem:$0x18080] =	vst v63  }
0x89: {  	_ = 	snop  }
0x8a: {  	[hbm4b:s4+s3] =	stream.indirect_vreg.scatter [tilespmem:s11], [sflag:$0x1], $0x80, v3, vm0, $0xb8;
	[tilespmem:$0x18080] =	vst v63  }
0x8b: {  	_ = 	snop  }
0x8c: {  	[hbm4b:s5+s3] =	stream.indirect_vreg.scatter [tilespmem:s12], [sflag:$0x1], $0x80, v3, vm0, $0xb8;
	[tilespmem:$0x18080] =	vst v63  }
0x8d: {  	v3 =	vld [tilespmem:$0x50];
	_ =	sdelay $0x4  }
0x8e: {  	v61 =	vshrl.u32 v3, $0x3  }
0x8f: {  	v4 =	vmul.u32 $0x30, v61  }
0x90: {  	v3 =	vand.u32 $0x7, v3  }
0x91: {  	v3 =	vor.u32 v3, v4  }
0x92: {  	v4 =	vperm.xlane v3, v0;
	_ =	sdelay $0x1  }
0x93: {  	v4 =	vadd.s32 v1, v4;
	_ =	sdelay $0x3  }
0x94: {  	v3 =	vperm.xlane v3, v2  }
0x95: {  	[hbm4b:s2+s3] =	stream.indirect_vreg.scatter [tilespmem:s13], [sflag:$0x1], $0x80, v4, vm0, $0xb8;
	[tilespmem:$0x18080] =	vst v63  }
0x96: {  	v3 =	vadd.s32 v1, v3  }
0x97: {  	[hbm4b:s4+s3] =	stream.indirect_vreg.scatter [tilespmem:s14], [sflag:$0x1], $0x80, v4, vm0, $0xb8;
	[tilespmem:$0x18080] =	vst v63  }
0x98: {  	_ = 	snop  }
0x99: {  	[hbm4b:s5+s3] =	stream.indirect_vreg.scatter [tilespmem:s15], [sflag:$0x1], $0x80, v4, vm0, $0xb8;
	[tilespmem:$0x18080] =	vst v63  }
0x9a: {  	_ = 	snop  }
0x9b: {  	[hbm4b:s2+s3] =	stream.indirect_vreg.scatter [tilespmem:s16], [sflag:$0x1], $0x80, v3, vm0, $0xb8;
	[tilespmem:$0x18080] =	vst v63  }
0x9c: {  	_ = 	snop  }
0x9d: {  	[hbm4b:s4+s3] =	stream.indirect_vreg.scatter [tilespmem:s17], [sflag:$0x1], $0x80, v3, vm0, $0xb8;
	[tilespmem:$0x18080] =	vst v63  }
0x9e: {  	_ = 	snop  }
0x9f: {  	[hbm4b:s5+s3] =	stream.indirect_vreg.scatter [tilespmem:s18], [sflag:$0x1], $0x80, v3, vm0, $0xb8;
	[tilespmem:$0x18080] =	vst v63  }
0xa0: {  	v3 =	vld [tilespmem:$0x60];
	_ =	sdelay $0x4  }
0xa1: {  	v62 =	vshrl.u32 v3, $0x3  }
0xa2: {  	v4 =	vmul.u32 $0x30, v62  }
0xa3: {  	v3 =	vand.u32 $0x7, v3  }
0xa4: {  	v3 =	vor.u32 v3, v4  }
0xa5: {  	v4 =	vperm.xlane v3, v0;
	_ =	sdelay $0x1  }
0xa6: {  	v4 =	vadd.s32 v1, v4;
	_ =	sdelay $0x3  }
0xa7: {  	v3 =	vperm.xlane v3, v2  }
0xa8: {  	[hbm4b:s2+s3] =	stream.indirect_vreg.scatter [tilespmem:s19], [sflag:$0x1], $0x80, v4, vm0, $0xb8;
	[tilespmem:$0x18080] =	vst v63  }
0xa9: {  	v3 =	vadd.s32 v1, v3  }
0xaa: {  	[hbm4b:s4+s3] =	stream.indirect_vreg.scatter [tilespmem:s20], [sflag:$0x1], $0x80, v4, vm0, $0xb8;
	[tilespmem:$0x18080] =	vst v63  }
0xab: {  	_ = 	snop  }
0xac: {  	[hbm4b:s5+s3] =	stream.indirect_vreg.scatter [tilespmem:s21], [sflag:$0x1], $0x80, v4, vm0, $0xb8;
	[tilespmem:$0x18080] =	vst v63  }
0xad: {  	_ = 	snop  }
0xae: {  	[hbm4b:s2+s3] =	stream.indirect_vreg.scatter [tilespmem:s22], [sflag:$0x1], $0x80, v3, vm0, $0xb8;
	[tilespmem:$0x18080] =	vst v63  }
0xaf: {  	_ = 	snop  }
0xb0: {  	[hbm4b:s4+s3] =	stream.indirect_vreg.scatter [tilespmem:s23], [sflag:$0x1], $0x80, v3, vm0, $0xb8;
	[tilespmem:$0x18080] =	vst v63  }
0xb1: {  	_ = 	snop  }
0xb2: {  	[hbm4b:s5+s3] =	stream.indirect_vreg.scatter [tilespmem:s24], [sflag:$0x1], $0x80, v3, vm0, $0xb8;
	[tilespmem:$0x18080] =	vst v63  }
0xb3: {  	v3 =	vld [tilespmem:$0x70];
	_ =	sdelay $0x4  }
0xb4: {  	v63 =	vshrl.u32 v3, $0x3  }
0xb5: {  	v4 =	vmul.u32 $0x30, v63  }
0xb6: {  	v3 =	vand.u32 $0x7, v3  }
0xb7: {  	v3 =	vor.u32 v3, v4  }
0xb8: {  	v4 =	vperm.xlane v3, v0;
	_ =	sdelay $0x1  }
0xb9: {  	v4 =	vadd.s32 v1, v4;
	_ =	sdelay $0x3  }
0xba: {  	v3 =	vperm.xlane v3, v2  }
0xbb: {  	[hbm4b:s2+s3] =	stream.indirect_vreg.scatter [tilespmem:s25], [sflag:$0x1], $0x80, v4, vm0, $0xb8;
	[tilespmem:$0x18080] =	vst v63  }
0xbc: {  	v3 =	vadd.s32 v1, v3  }
0xbd: {  	[hbm4b:s4+s3] =	stream.indirect_vreg.scatter [tilespmem:s26], [sflag:$0x1], $0x80, v4, vm0, $0xb8;
	[tilespmem:$0x18080] =	vst v63  }
0xbe: {  	_ = 	snop  }
0xbf: {  	[hbm4b:s5+s3] =	stream.indirect_vreg.scatter [tilespmem:s28], [sflag:$0x1], $0x80, v4, vm0, $0xb8;
	[tilespmem:$0x18080] =	vst v63  }
0xc0: {  	_ = 	snop  }
0xc1: {  	[hbm4b:s2+s3] =	stream.indirect_vreg.scatter [tilespmem:s29], [sflag:$0x1], $0x80, v3, vm0, $0xb8;
	[tilespmem:$0x18080] =	vst v63  }
0xc2: {  	p0 =	sne.s32 s6, $0x1  }
0xc3: {  	[hbm4b:s4+s3] =	stream.indirect_vreg.scatter [tilespmem:s30], [sflag:$0x1], $0x80, v3, vm0, $0xb8;
	[tilespmem:$0x18080] =	vst v63  }
.Ltmp0:
0xc4: {  	_ = 	snop;
	(pc) =	sbr.rel @p0 .LBB2_1-.Ltmp0, $4  }
0xc5: {  	[hbm4b:s5+s3] =	stream.indirect_vreg.scatter [tilespmem:s31], [sflag:$0x1], $0x80, v3, vm0, $0xb8;
	[tilespmem:$0x18080] =	vst v63  }
0xc6: {  	_ =	swait.ge [sflag:s1], $0x18000  }
0xc7: {  	[sflag:s1] =	ssyncset.done $0x0  }
0xc8: {  	s6 =	sadd.s32 $0xFFFFFFFF, s6;
	[sflag:s1] =	ssyncadd.s32 $0xFFFE8000  }
0xc9: {  	_ =	sfence.sel $0x180000  }
0xca: {  	[bflag:$0x0] =	sbarrier.arrive $0xFFFF  }
0xcb: {  	_ =	strace $0x90000053  }
0xcc: {  	s0 =	stileid.u32;
	[bflag:$0x2] =	sbarrier.arrive $0xFFFF  }
0xcd: {  	p0 =	sne.s32 s0, $0x0;
	s0 =	rddreg [dreg:$0x2]  }
0xce: {  	s0 =	sadd.s32 @!p0 $0x100000, s0  }
0xcf: {  	[sflag:s0] =	ssyncadd.tile.s32 @!p0 $0x1;
	_ =	shalt  }
.Lfunc_end2:
_tile_overlayer_lowered:
.L_overlay_start_2:
0xd0: {  	(tag) =	ssettag $0x2  }
0xd1: {  	s0 =	rddreg [dreg:$0x0];
	s2 =	stileid.u32  }
0xd2: {  	s1 =	rddreg [dreg:$0x1];
	p0 =	sne.s32 s2, $0x0  }
0xd3: {  	s3 =	rddreg [dreg:$0x2];
	[bflag:$0x3] =	sbarrier.arrive $0xFFFF;
	s2 =	simm.s32 @!p0 $0x1C02  }
0xd4: {  	[timem:s3], [sflag:s2] =	dma.local @!p0 [hbm:s0], s1  }
0xd5: {  	s0 =	simm.s32 @!p0 $0x2  }
0xd6: {  	_ =	swait.ge @!p0 [sflag:s0], s1  }
0xd7: {  	s1 =	ssub.s32 @!p0 $0x0, s1;
	[sflag:s0] =	ssyncset.done @!p0 $0x0  }
0xd8: {  	[sflag:s0] =	ssyncadd.s32 @!p0 s1  }
0xd9: {  	[bflag:$0x3] =	sbarrier.arrive $0xFFFF  }
0xda: {  	_ =	shalt  }

</sc_bundles>
